<compile_context>
chip_gen: v7x
topology: tpu7x:2x2x1
jax: 0.10.2.dev20260603
libtpu: 0.0.44.dev20260713+nightly
codegen_flags: <defaults>
</compile_context>

<pallas_src>
import functools

import jax
import jax.numpy as jnp
from jax import lax
from jax.experimental import pallas as pl
from jax.experimental.pallas import tpu as pltpu
from jax.experimental.pallas import tpu_sc as plsc

NC, NS = 2, 16
NW = NC * NS
TB = 128
PITCH = TB + 1
DEPTH = 4


@functools.lru_cache(maxsize=None)
def _build(hist, batch, vocab, d_model):
    nb = batch // TB
    nblk = hist * nb
    per_w = nblk // NW
    assert nblk % NW == 0 and per_w % DEPTH == 0 and per_w >= 2 * DEPTH
    dsub = d_model // 8

    mesh = plsc.VectorSubcoreMesh(core_axis_name="c", subcore_axis_name="s")

    @functools.partial(
        pl.kernel,
        out_type=jax.ShapeDtypeStruct((hist, dsub, nb, 8, TB), jnp.float32),
        mesh=mesh,
        scratch_types=[
            pltpu.VMEM((DEPTH, TB), jnp.int32),
            pltpu.VMEM((DEPTH, TB, 2 * d_model), jnp.float32),
            pltpu.VMEM((2, dsub, 8, PITCH), jnp.float32),
        ] + [pltpu.SemaphoreType.DMA] * (2 * DEPTH + 2),
        compiler_params=pltpu.CompilerParams(
            use_tc_tiling_on_sc=False, needs_layout_passes=False,
            disable_bounds_checks=True),
    )
    def embed(tabp_hbm, xt_hbm, out_hbm, idx_v, rows_v, tr_v, *sems):
        sem_i = sems[:DEPTH]
        sem_g = sems[DEPTH:2 * DEPTH]
        sem_o = sems[2 * DEPTH:]
        wid = lax.axis_index("s") * NC + lax.axis_index("c")
        iota = lax.iota(jnp.int32, 16)
        rvec = [16 * k + iota for k in range(d_model // 16)]
        rhi = [lax.shift_right_logical(r, 3) for r in rvec]
        rlo = [r & 7 for r in rvec]

        def hc(g):
            blk = wid + g * NW
            return blk // nb, blk % nb

        def idx_cp(g, s):
            h, c = hc(g)
            return pltpu.make_async_copy(
                xt_hbm.at[h, pl.ds(c * TB, TB)], idx_v.at[s], sem_i[s])

        def gat_cp(s):
            return pltpu.make_async_copy(
                tabp_hbm.at[idx_v.at[s]], rows_v.at[s], sem_g[s])

        def out_cp(g, s2):
            h, c = hc(g)
            return pltpu.make_async_copy(
                tr_v.at[s2, :, :, pl.ds(0, TB)],
                out_hbm.at[h, :, c], sem_o[s2])

        def transpose(s, s2):
            @plsc.parallel_loop(0, TB, unroll=16)
            def body(j):
                jv = jnp.broadcast_to(j, (16,)).astype(jnp.int32)
                for k in range(d_model // 16):
                    vals = plsc.load_gather(rows_v.at[s], [jv, rvec[k]])
                    plsc.store_scatter(tr_v.at[s2], [rhi[k], rlo[k], jv], vals)

        for t in range(DEPTH):
            idx_cp(t, t).start()
        for t in range(DEPTH):
            idx_cp(t, t).wait()
            gat_cp(t).start()
        idx_cp(DEPTH, 0).start()

        def iter_g(g, s, s2):
            gat_cp(s).wait()

            @pl.when(g >= 2)
            def _():
                out_cp(g - 2, s2).wait()

            transpose(s, s2)
            out_cp(g, s2).start()

            @pl.when(g + DEPTH < per_w)
            def _():
                idx_cp(g + DEPTH, s).wait()
                gat_cp(s).start()

                @pl.when(g + DEPTH + 1 < per_w)
                def _():
                    idx_cp(g + DEPTH + 1, (s + 1) % DEPTH).start()

        def body(m, carry):
            for b in range(DEPTH):
                iter_g(DEPTH * m + b, b, b % 2)
            return carry

        lax.fori_loop(0, per_w // DEPTH, body, 0)

        out_cp(per_w - 2, (per_w - 2) % 2).wait()
        out_cp(per_w - 1, (per_w - 1) % 2).wait()

    return embed


def kernel(x, table):
    b, hist = x.shape
    vocab, d_model = table.shape
    xt = x.T.astype(jnp.int32)
    tabp = jnp.pad(table, ((0, 0), (0, 128 - d_model)))
    out5 = _build(hist, b, vocab, d_model)(tabp, xt)
    return out5.transpose(2, 4, 0, 1, 3).reshape(b, hist, d_model)

# --- scband reference (transcript-rebuilt; emitter-appended) ---
"""Pipeline reference for scband-embedder-41583873360175 (READ-ONLY COPY).

The authoritative reference and input builder live on the scoring server;
editing this copy changes nothing except your own understanding.
"""

import jax, jax.numpy as jnp
import numpy as np

VOCAB_SIZE = 1000000
D_MODEL = 64
BATCH = 16384
HIST = 50

def setup_inputs(seed: int = 0) -> dict:
    key = jax.random.key(seed)
    k_idx, k_tab = jax.random.split(key)
    x = jax.random.randint(k_idx, (BATCH, HIST), 0, VOCAB_SIZE, dtype=jnp.int64 if jax.config.jax_enable_x64 else jnp.int32)
    table = jax.random.normal(k_tab, (VOCAB_SIZE, D_MODEL), dtype=jnp.float32)
    return {"x": x, "table": table}

def reference(x, table):
    # nn.Embedding forward: row gather from the embedding table
    return jnp.take(table, x, axis=0)

if __name__ == "__main__":
    import jax
    _d = setup_inputs()
    print(jax.jit(kernel)(*tuple(_d.values())))

</pallas_src>

<mosaic_0001>
#map = affine_map<(d0, d1) -> (0, 0)>
#map1 = affine_map<(d0, d1) -> (0, 0, 0, 0, 0)>
module attributes {stable_mosaic.version = 14 : i64} {
  func.func @embed(%arg0: i32, %arg1: i32, %arg2: memref<1000000x128xf32, #tpu.memory_space<hbm>>, %arg3: memref<50x16384xi32, #tpu.memory_space<hbm>>, %arg4: memref<50x8x128x8x128xf32, #tpu.memory_space<hbm>>, %arg5: memref<4x128xi32, #tpu.memory_space<vmem>>, %arg6: memref<4x128x128xf32, #tpu.memory_space<vmem>>, %arg7: memref<2x8x8x129xf32, #tpu.memory_space<vmem>>, %arg8: memref<!tpu.dma_semaphore, #tpu.memory_space<semaphore_mem>>, %arg9: memref<!tpu.dma_semaphore, #tpu.memory_space<semaphore_mem>>, %arg10: memref<!tpu.dma_semaphore, #tpu.memory_space<semaphore_mem>>, %arg11: memref<!tpu.dma_semaphore, #tpu.memory_space<semaphore_mem>>, %arg12: memref<!tpu.dma_semaphore, #tpu.memory_space<semaphore_mem>>, %arg13: memref<!tpu.dma_semaphore, #tpu.memory_space<semaphore_mem>>, %arg14: memref<!tpu.dma_semaphore, #tpu.memory_space<semaphore_mem>>, %arg15: memref<!tpu.dma_semaphore, #tpu.memory_space<semaphore_mem>>, %arg16: memref<!tpu.dma_semaphore, #tpu.memory_space<semaphore_mem>>, %arg17: memref<!tpu.dma_semaphore, #tpu.memory_space<semaphore_mem>>) attributes {dimension_semantics = [#tpu.dimension_semantics<core_parallel>, #tpu.dimension_semantics<subcore_parallel>], iteration_bounds = array<i64: 2, 16>, scalar_prefetch = 0 : i64, scratch_operands = 13 : i64, tpu.core_type = #tpu.core_type<sc_vector_subcore>, window_params = [{transform_indices = #map}, {transform_indices = #map}, {transform_indices = #map1}]} {
    %mul3A = arith.constant 2 : i32
    %mul3A_0 = arith.muli %arg1, %mul3A : i32
    %add3A = arith.addi %mul3A_0, %arg0 : i32
    %iota3A = tpu.iota {dimensions = array<i32: 0>} : vector<16xi32>
    %add3A_1 = arith.constant 0 : i32
    %add3A_2 = vector.broadcast %add3A_1 : i32 to vector<16xi32>
    %add3A_3 = arith.addi %add3A_2, %iota3A : vector<16xi32>
    %add3A_4 = arith.constant 16 : i32
    %add3A_5 = vector.broadcast %add3A_4 : i32 to vector<16xi32>
    %add3A_6 = arith.addi %add3A_5, %iota3A : vector<16xi32>
    %add3A_7 = arith.constant 32 : i32
    %add3A_8 = vector.broadcast %add3A_7 : i32 to vector<16xi32>
    %add3A_9 = arith.addi %add3A_8, %iota3A : vector<16xi32>
    %add3A_10 = arith.constant 48 : i32
    %add3A_11 = vector.broadcast %add3A_10 : i32 to vector<16xi32>
    %add3A_12 = arith.addi %add3A_11, %iota3A : vector<16xi32>
    %shift_right_logical3A = arith.constant 3 : i32
    %shift_right_logical3A_13 = vector.broadcast %shift_right_logical3A : i32 to vector<16xi32>
    %shift_right_logical3A_14 = arith.shrui %add3A_3, %shift_right_logical3A_13 : vector<16xi32>
    %shift_right_logical3A_15 = arith.constant 3 : i32
    %shift_right_logical3A_16 = vector.broadcast %shift_right_logical3A_15 : i32 to vector<16xi32>
    %shift_right_logical3A_17 = arith.shrui %add3A_6, %shift_right_logical3A_16 : vector<16xi32>
    %shift_right_logical3A_18 = arith.constant 3 : i32
    %shift_right_logical3A_19 = vector.broadcast %shift_right_logical3A_18 : i32 to vector<16xi32>
    %shift_right_logical3A_20 = arith.shrui %add3A_9, %shift_right_logical3A_19 : vector<16xi32>
    %shift_right_logical3A_21 = arith.constant 3 : i32
    %shift_right_logical3A_22 = vector.broadcast %shift_right_logical3A_21 : i32 to vector<16xi32>
    %shift_right_logical3A_23 = arith.shrui %add3A_12, %shift_right_logical3A_22 : vector<16xi32>
    %and3A = arith.constant 7 : i32
    %and3A_24 = vector.broadcast %and3A : i32 to vector<16xi32>
    %and3A_25 = arith.andi %add3A_3, %and3A_24 : vector<16xi32>
    %and3A_26 = arith.constant 7 : i32
    %and3A_27 = vector.broadcast %and3A_26 : i32 to vector<16xi32>
    %and3A_28 = arith.andi %add3A_6, %and3A_27 : vector<16xi32>
    %and3A_29 = arith.constant 7 : i32
    %and3A_30 = vector.broadcast %and3A_29 : i32 to vector<16xi32>
    %and3A_31 = arith.andi %add3A_9, %and3A_30 : vector<16xi32>
    %and3A_32 = arith.constant 7 : i32
    %and3A_33 = vector.broadcast %and3A_32 : i32 to vector<16xi32>
    %and3A_34 = arith.andi %add3A_12, %and3A_33 : vector<16xi32>
    %add3A_35 = arith.constant 0 : i32
    %add3A_36 = arith.addi %add3A, %add3A_35 : i32
    %jit3A = arith.constant 128 : i32
    %div3A = arith.divsi %add3A_36, %jit3A : i32
    %sign3A = arith.constant 0 : i32
    %sign3A_37 = arith.cmpi sgt, %add3A_36, %sign3A : i32
    %sign3A_38 = arith.extui %sign3A_37 : i1 to i32
    %sign3A_39 = arith.constant 0 : i32
    %sign3A_40 = arith.cmpi slt, %add3A_36, %sign3A_39 : i32
    %sign3A_41 = arith.extui %sign3A_40 : i1 to i32
    %sign3A_42 = arith.subi %sign3A_38, %sign3A_41 : i32
    %sign3A_43 = arith.constant 0 : i32
    %sign3A_44 = arith.cmpi sgt, %jit3A, %sign3A_43 : i32
    %sign3A_45 = arith.extui %sign3A_44 : i1 to i32
    %sign3A_46 = arith.constant 0 : i32
    %sign3A_47 = arith.cmpi slt, %jit3A, %sign3A_46 : i32
    %sign3A_48 = arith.extui %sign3A_47 : i1 to i32
    %sign3A_49 = arith.subi %sign3A_45, %sign3A_48 : i32
    %ne3A = arith.cmpi ne, %sign3A_42, %sign3A_49 : i32
    %rem3A = arith.remsi %add3A_36, %jit3A : i32
    %ne3A_50 = arith.constant 0 : i32
    %ne3A_51 = arith.cmpi ne, %rem3A, %ne3A_50 : i32
    %and3A_52 = arith.andi %ne3A, %ne3A_51 : i1
    %sub3A = arith.constant 1 : i32
    %sub3A_53 = arith.subi %div3A, %sub3A : i32
    %select_n3A = arith.select %and3A_52, %sub3A_53, %div3A : i32
    %jit3A_54 = arith.constant 128 : i32
    %eq3A = arith.constant 0 : i32
    %eq3A_55 = arith.cmpi eq, %jit3A_54, %eq3A : i32
    %jit3A_56 = arith.constant 1 : i32
    %select_n3A_57 = arith.select %eq3A_55, %jit3A_56, %jit3A_54 : i32
    %rem3A_58 = arith.remsi %add3A_36, %select_n3A_57 : i32
    %ne3A_59 = arith.constant 0 : i32
    %ne3A_60 = arith.cmpi ne, %rem3A_58, %ne3A_59 : i32
    %lt3A = arith.constant 0 : i32
    %lt3A_61 = arith.cmpi slt, %rem3A_58, %lt3A : i32
    %lt3A_62 = arith.constant 0 : i32
    %lt3A_63 = arith.cmpi slt, %select_n3A_57, %lt3A_62 : i32
    %ne3A_64 = arith.xori %lt3A_61, %lt3A_63 : i1
    %and3A_65 = arith.andi %ne3A_64, %ne3A_60 : i1
    %add3A_66 = arith.addi %rem3A_58, %select_n3A_57 : i32
    %select_n3A_67 = arith.select %and3A_65, %add3A_66, %rem3A_58 : i32
    %mul3A_68 = arith.constant 128 : i32
    %mul3A_69 = arith.muli %select_n3A_67, %mul3A_68 : i32
    %dma_start3A = arith.constant 0 : i32
    %dma_start3A_70 = arith.constant 0 : i32
    %dma_start3A_71 = tpu.memref_slice %arg5[%dma_start3A, %dma_start3A_70] : memref<4x128xi32, #tpu.memory_space<vmem>> -> memref<1x128xi32, #tpu.memory_space<vmem>>
    %dma_start3A_72 = tpu.memref_squeeze %dma_start3A_71 : memref<1x128xi32, #tpu.memory_space<vmem>> -> memref<128xi32, #tpu.memory_space<vmem>>
    %dma_start3A_73 = tpu.memref_slice %arg3[%select_n3A, %mul3A_69] : memref<50x16384xi32, #tpu.memory_space<hbm>> -> memref<1x128xi32, #tpu.memory_space<hbm>>
    %dma_start3A_74 = tpu.memref_squeeze %dma_start3A_73 : memref<1x128xi32, #tpu.memory_space<hbm>> -> memref<128xi32, #tpu.memory_space<hbm>>
    %dma_start3A_75 = arith.constant 0 : i32
    %dma_start3A_76 = tpu.memref_slice %arg5[%dma_start3A, %dma_start3A_75] : memref<4x128xi32, #tpu.memory_space<vmem>> -> memref<1x128xi32, #tpu.memory_space<vmem>>
    %dma_start3A_77 = tpu.memref_squeeze %dma_start3A_76 : memref<1x128xi32, #tpu.memory_space<vmem>> -> memref<128xi32, #tpu.memory_space<vmem>>
    %dma_start3A_78 = tpu.memref_slice %arg3[%select_n3A, %mul3A_69] : memref<50x16384xi32, #tpu.memory_space<hbm>> -> memref<1x128xi32, #tpu.memory_space<hbm>>
    %dma_start3A_79 = tpu.memref_squeeze %dma_start3A_78 : memref<1x128xi32, #tpu.memory_space<hbm>> -> memref<128xi32, #tpu.memory_space<hbm>>
    tpu.enqueue_dma source(%dma_start3A_79 : memref<128xi32, #tpu.memory_space<hbm>>) target(%dma_start3A_77 : memref<128xi32, #tpu.memory_space<vmem>>) target_semaphore(%arg8 : memref<!tpu.dma_semaphore, #tpu.memory_space<semaphore_mem>>)
    %add3A_80 = arith.constant 32 : i32
    %add3A_81 = arith.addi %add3A, %add3A_80 : i32
    %jit3A_82 = arith.constant 128 : i32
    %div3A_83 = arith.divsi %add3A_81, %jit3A_82 : i32
    %sign3A_84 = arith.constant 0 : i32
    %sign3A_85 = arith.cmpi sgt, %add3A_81, %sign3A_84 : i32
    %sign3A_86 = arith.extui %sign3A_85 : i1 to i32
    %sign3A_87 = arith.constant 0 : i32
    %sign3A_88 = arith.cmpi slt, %add3A_81, %sign3A_87 : i32
    %sign3A_89 = arith.extui %sign3A_88 : i1 to i32
    %sign3A_90 = arith.subi %sign3A_86, %sign3A_89 : i32
    %sign3A_91 = arith.constant 0 : i32
    %sign3A_92 = arith.cmpi sgt, %jit3A_82, %sign3A_91 : i32
    %sign3A_93 = arith.extui %sign3A_92 : i1 to i32
    %sign3A_94 = arith.constant 0 : i32
    %sign3A_95 = arith.cmpi slt, %jit3A_82, %sign3A_94 : i32
    %sign3A_96 = arith.extui %sign3A_95 : i1 to i32
    %sign3A_97 = arith.subi %sign3A_93, %sign3A_96 : i32
    %ne3A_98 = arith.cmpi ne, %sign3A_90, %sign3A_97 : i32
    %rem3A_99 = arith.remsi %add3A_81, %jit3A_82 : i32
    %ne3A_100 = arith.constant 0 : i32
    %ne3A_101 = arith.cmpi ne, %rem3A_99, %ne3A_100 : i32
    %and3A_102 = arith.andi %ne3A_98, %ne3A_101 : i1
    %sub3A_103 = arith.constant 1 : i32
    %sub3A_104 = arith.subi %div3A_83, %sub3A_103 : i32
    %select_n3A_105 = arith.select %and3A_102, %sub3A_104, %div3A_83 : i32
    %jit3A_106 = arith.constant 128 : i32
    %eq3A_107 = arith.constant 0 : i32
    %eq3A_108 = arith.cmpi eq, %jit3A_106, %eq3A_107 : i32
    %jit3A_109 = arith.constant 1 : i32
    %select_n3A_110 = arith.select %eq3A_108, %jit3A_109, %jit3A_106 : i32
    %rem3A_111 = arith.remsi %add3A_81, %select_n3A_110 : i32
    %ne3A_112 = arith.constant 0 : i32
    %ne3A_113 = arith.cmpi ne, %rem3A_111, %ne3A_112 : i32
    %lt3A_114 = arith.constant 0 : i32
    %lt3A_115 = arith.cmpi slt, %rem3A_111, %lt3A_114 : i32
    %lt3A_116 = arith.constant 0 : i32
    %lt3A_117 = arith.cmpi slt, %select_n3A_110, %lt3A_116 : i32
    %ne3A_118 = arith.xori %lt3A_115, %lt3A_117 : i1
    %and3A_119 = arith.andi %ne3A_118, %ne3A_113 : i1
    %add3A_120 = arith.addi %rem3A_111, %select_n3A_110 : i32
    %select_n3A_121 = arith.select %and3A_119, %add3A_120, %rem3A_111 : i32
    %mul3A_122 = arith.constant 128 : i32
    %mul3A_123 = arith.muli %select_n3A_121, %mul3A_122 : i32
    %dma_start3A_124 = arith.constant 1 : i32
    %dma_start3A_125 = arith.constant 0 : i32
    %dma_start3A_126 = tpu.memref_slice %arg5[%dma_start3A_124, %dma_start3A_125] : memref<4x128xi32, #tpu.memory_space<vmem>> -> memref<1x128xi32, #tpu.memory_space<vmem>>
    %dma_start3A_127 = tpu.memref_squeeze %dma_start3A_126 : memref<1x128xi32, #tpu.memory_space<vmem>> -> memref<128xi32, #tpu.memory_space<vmem>>
    %dma_start3A_128 = tpu.memref_slice %arg3[%select_n3A_105, %mul3A_123] : memref<50x16384xi32, #tpu.memory_space<hbm>> -> memref<1x128xi32, #tpu.memory_space<hbm>>
    %dma_start3A_129 = tpu.memref_squeeze %dma_start3A_128 : memref<1x128xi32, #tpu.memory_space<hbm>> -> memref<128xi32, #tpu.memory_space<hbm>>
    %dma_start3A_130 = arith.constant 0 : i32
    %dma_start3A_131 = tpu.memref_slice %arg5[%dma_start3A_124, %dma_start3A_130] : memref<4x128xi32, #tpu.memory_space<vmem>> -> memref<1x128xi32, #tpu.memory_space<vmem>>
    %dma_start3A_132 = tpu.memref_squeeze %dma_start3A_131 : memref<1x128xi32, #tpu.memory_space<vmem>> -> memref<128xi32, #tpu.memory_space<vmem>>
    %dma_start3A_133 = tpu.memref_slice %arg3[%select_n3A_105, %mul3A_123] : memref<50x16384xi32, #tpu.memory_space<hbm>> -> memref<1x128xi32, #tpu.memory_space<hbm>>
    %dma_start3A_134 = tpu.memref_squeeze %dma_start3A_133 : memref<1x128xi32, #tpu.memory_space<hbm>> -> memref<128xi32, #tpu.memory_space<hbm>>
    tpu.enqueue_dma source(%dma_start3A_134 : memref<128xi32, #tpu.memory_space<hbm>>) target(%dma_start3A_132 : memref<128xi32, #tpu.memory_space<vmem>>) target_semaphore(%arg9 : memref<!tpu.dma_semaphore, #tpu.memory_space<semaphore_mem>>)
    %add3A_135 = arith.constant 64 : i32
    %add3A_136 = arith.addi %add3A, %add3A_135 : i32
    %jit3A_137 = arith.constant 128 : i32
    %div3A_138 = arith.divsi %add3A_136, %jit3A_137 : i32
    %sign3A_139 = arith.constant 0 : i32
    %sign3A_140 = arith.cmpi sgt, %add3A_136, %sign3A_139 : i32
    %sign3A_141 = arith.extui %sign3A_140 : i1 to i32
    %sign3A_142 = arith.constant 0 : i32
    %sign3A_143 = arith.cmpi slt, %add3A_136, %sign3A_142 : i32
    %sign3A_144 = arith.extui %sign3A_143 : i1 to i32
    %sign3A_145 = arith.subi %sign3A_141, %sign3A_144 : i32
    %sign3A_146 = arith.constant 0 : i32
    %sign3A_147 = arith.cmpi sgt, %jit3A_137, %sign3A_146 : i32
    %sign3A_148 = arith.extui %sign3A_147 : i1 to i32
    %sign3A_149 = arith.constant 0 : i32
    %sign3A_150 = arith.cmpi slt, %jit3A_137, %sign3A_149 : i32
    %sign3A_151 = arith.extui %sign3A_150 : i1 to i32
    %sign3A_152 = arith.subi %sign3A_148, %sign3A_151 : i32
    %ne3A_153 = arith.cmpi ne, %sign3A_145, %sign3A_152 : i32
    %rem3A_154 = arith.remsi %add3A_136, %jit3A_137 : i32
    %ne3A_155 = arith.constant 0 : i32
    %ne3A_156 = arith.cmpi ne, %rem3A_154, %ne3A_155 : i32
    %and3A_157 = arith.andi %ne3A_153, %ne3A_156 : i1
    %sub3A_158 = arith.constant 1 : i32
    %sub3A_159 = arith.subi %div3A_138, %sub3A_158 : i32
    %select_n3A_160 = arith.select %and3A_157, %sub3A_159, %div3A_138 : i32
    %jit3A_161 = arith.constant 128 : i32
    %eq3A_162 = arith.constant 0 : i32
    %eq3A_163 = arith.cmpi eq, %jit3A_161, %eq3A_162 : i32
    %jit3A_164 = arith.constant 1 : i32
    %select_n3A_165 = arith.select %eq3A_163, %jit3A_164, %jit3A_161 : i32
    %rem3A_166 = arith.remsi %add3A_136, %select_n3A_165 : i32
    %ne3A_167 = arith.constant 0 : i32
    %ne3A_168 = arith.cmpi ne, %rem3A_166, %ne3A_167 : i32
    %lt3A_169 = arith.constant 0 : i32
    %lt3A_170 = arith.cmpi slt, %rem3A_166, %lt3A_169 : i32
    %lt3A_171 = arith.constant 0 : i32
    %lt3A_172 = arith.cmpi slt, %select_n3A_165, %lt3A_171 : i32
    %ne3A_173 = arith.xori %lt3A_170, %lt3A_172 : i1
    %and3A_174 = arith.andi %ne3A_173, %ne3A_168 : i1
    %add3A_175 = arith.addi %rem3A_166, %select_n3A_165 : i32
    %select_n3A_176 = arith.select %and3A_174, %add3A_175, %rem3A_166 : i32
    %mul3A_177 = arith.constant 128 : i32
    %mul3A_178 = arith.muli %select_n3A_176, %mul3A_177 : i32
    %dma_start3A_179 = arith.constant 2 : i32
    %dma_start3A_180 = arith.constant 0 : i32
    %dma_start3A_181 = tpu.memref_slice %arg5[%dma_start3A_179, %dma_start3A_180] : memref<4x128xi32, #tpu.memory_space<vmem>> -> memref<1x128xi32, #tpu.memory_space<vmem>>
    %dma_start3A_182 = tpu.memref_squeeze %dma_start3A_181 : memref<1x128xi32, #tpu.memory_space<vmem>> -> memref<128xi32, #tpu.memory_space<vmem>>
    %dma_start3A_183 = tpu.memref_slice %arg3[%select_n3A_160, %mul3A_178] : memref<50x16384xi32, #tpu.memory_space<hbm>> -> memref<1x128xi32, #tpu.memory_space<hbm>>
    %dma_start3A_184 = tpu.memref_squeeze %dma_start3A_183 : memref<1x128xi32, #tpu.memory_space<hbm>> -> memref<128xi32, #tpu.memory_space<hbm>>
    %dma_start3A_185 = arith.constant 0 : i32
    %dma_start3A_186 = tpu.memref_slice %arg5[%dma_start3A_179, %dma_start3A_185] : memref<4x128xi32, #tpu.memory_space<vmem>> -> memref<1x128xi32, #tpu.memory_space<vmem>>
    %dma_start3A_187 = tpu.memref_squeeze %dma_start3A_186 : memref<1x128xi32, #tpu.memory_space<vmem>> -> memref<128xi32, #tpu.memory_space<vmem>>
    %dma_start3A_188 = tpu.memref_slice %arg3[%select_n3A_160, %mul3A_178] : memref<50x16384xi32, #tpu.memory_space<hbm>> -> memref<1x128xi32, #tpu.memory_space<hbm>>
    %dma_start3A_189 = tpu.memref_squeeze %dma_start3A_188 : memref<1x128xi32, #tpu.memory_space<hbm>> -> memref<128xi32, #tpu.memory_space<hbm>>
    tpu.enqueue_dma source(%dma_start3A_189 : memref<128xi32, #tpu.memory_space<hbm>>) target(%dma_start3A_187 : memref<128xi32, #tpu.memory_space<vmem>>) target_semaphore(%arg10 : memref<!tpu.dma_semaphore, #tpu.memory_space<semaphore_mem>>)
    %add3A_190 = arith.constant 96 : i32
    %add3A_191 = arith.addi %add3A, %add3A_190 : i32
    %jit3A_192 = arith.constant 128 : i32
    %div3A_193 = arith.divsi %add3A_191, %jit3A_192 : i32
    %sign3A_194 = arith.constant 0 : i32
    %sign3A_195 = arith.cmpi sgt, %add3A_191, %sign3A_194 : i32
    %sign3A_196 = arith.extui %sign3A_195 : i1 to i32
    %sign3A_197 = arith.constant 0 : i32
    %sign3A_198 = arith.cmpi slt, %add3A_191, %sign3A_197 : i32
    %sign3A_199 = arith.extui %sign3A_198 : i1 to i32
    %sign3A_200 = arith.subi %sign3A_196, %sign3A_199 : i32
    %sign3A_201 = arith.constant 0 : i32
    %sign3A_202 = arith.cmpi sgt, %jit3A_192, %sign3A_201 : i32
    %sign3A_203 = arith.extui %sign3A_202 : i1 to i32
    %sign3A_204 = arith.constant 0 : i32
    %sign3A_205 = arith.cmpi slt, %jit3A_192, %sign3A_204 : i32
    %sign3A_206 = arith.extui %sign3A_205 : i1 to i32
    %sign3A_207 = arith.subi %sign3A_203, %sign3A_206 : i32
    %ne3A_208 = arith.cmpi ne, %sign3A_200, %sign3A_207 : i32
    %rem3A_209 = arith.remsi %add3A_191, %jit3A_192 : i32
    %ne3A_210 = arith.constant 0 : i32
    %ne3A_211 = arith.cmpi ne, %rem3A_209, %ne3A_210 : i32
    %and3A_212 = arith.andi %ne3A_208, %ne3A_211 : i1
    %sub3A_213 = arith.constant 1 : i32
    %sub3A_214 = arith.subi %div3A_193, %sub3A_213 : i32
    %select_n3A_215 = arith.select %and3A_212, %sub3A_214, %div3A_193 : i32
    %jit3A_216 = arith.constant 128 : i32
    %eq3A_217 = arith.constant 0 : i32
    %eq3A_218 = arith.cmpi eq, %jit3A_216, %eq3A_217 : i32
    %jit3A_219 = arith.constant 1 : i32
    %select_n3A_220 = arith.select %eq3A_218, %jit3A_219, %jit3A_216 : i32
    %rem3A_221 = arith.remsi %add3A_191, %select_n3A_220 : i32
    %ne3A_222 = arith.constant 0 : i32
    %ne3A_223 = arith.cmpi ne, %rem3A_221, %ne3A_222 : i32
    %lt3A_224 = arith.constant 0 : i32
    %lt3A_225 = arith.cmpi slt, %rem3A_221, %lt3A_224 : i32
    %lt3A_226 = arith.constant 0 : i32
    %lt3A_227 = arith.cmpi slt, %select_n3A_220, %lt3A_226 : i32
    %ne3A_228 = arith.xori %lt3A_225, %lt3A_227 : i1
    %and3A_229 = arith.andi %ne3A_228, %ne3A_223 : i1
    %add3A_230 = arith.addi %rem3A_221, %select_n3A_220 : i32
    %select_n3A_231 = arith.select %and3A_229, %add3A_230, %rem3A_221 : i32
    %mul3A_232 = arith.constant 128 : i32
    %mul3A_233 = arith.muli %select_n3A_231, %mul3A_232 : i32
    %dma_start3A_234 = arith.constant 3 : i32
    %dma_start3A_235 = arith.constant 0 : i32
    %dma_start3A_236 = tpu.memref_slice %arg5[%dma_start3A_234, %dma_start3A_235] : memref<4x128xi32, #tpu.memory_space<vmem>> -> memref<1x128xi32, #tpu.memory_space<vmem>>
    %dma_start3A_237 = tpu.memref_squeeze %dma_start3A_236 : memref<1x128xi32, #tpu.memory_space<vmem>> -> memref<128xi32, #tpu.memory_space<vmem>>
    %dma_start3A_238 = tpu.memref_slice %arg3[%select_n3A_215, %mul3A_233] : memref<50x16384xi32, #tpu.memory_space<hbm>> -> memref<1x128xi32, #tpu.memory_space<hbm>>
    %dma_start3A_239 = tpu.memref_squeeze %dma_start3A_238 : memref<1x128xi32, #tpu.memory_space<hbm>> -> memref<128xi32, #tpu.memory_space<hbm>>
    %dma_start3A_240 = arith.constant 0 : i32
    %dma_start3A_241 = tpu.memref_slice %arg5[%dma_start3A_234, %dma_start3A_240] : memref<4x128xi32, #tpu.memory_space<vmem>> -> memref<1x128xi32, #tpu.memory_space<vmem>>
    %dma_start3A_242 = tpu.memref_squeeze %dma_start3A_241 : memref<1x128xi32, #tpu.memory_space<vmem>> -> memref<128xi32, #tpu.memory_space<vmem>>
    %dma_start3A_243 = tpu.memref_slice %arg3[%select_n3A_215, %mul3A_233] : memref<50x16384xi32, #tpu.memory_space<hbm>> -> memref<1x128xi32, #tpu.memory_space<hbm>>
    %dma_start3A_244 = tpu.memref_squeeze %dma_start3A_243 : memref<1x128xi32, #tpu.memory_space<hbm>> -> memref<128xi32, #tpu.memory_space<hbm>>
    tpu.enqueue_dma source(%dma_start3A_244 : memref<128xi32, #tpu.memory_space<hbm>>) target(%dma_start3A_242 : memref<128xi32, #tpu.memory_space<vmem>>) target_semaphore(%arg11 : memref<!tpu.dma_semaphore, #tpu.memory_space<semaphore_mem>>)
    %add3A_245 = arith.constant 0 : i32
    %add3A_246 = arith.addi %add3A, %add3A_245 : i32
    %jit3A_247 = arith.constant 128 : i32
    %div3A_248 = arith.divsi %add3A_246, %jit3A_247 : i32
    %sign3A_249 = arith.constant 0 : i32
    %sign3A_250 = arith.cmpi sgt, %add3A_246, %sign3A_249 : i32
    %sign3A_251 = arith.extui %sign3A_250 : i1 to i32
    %sign3A_252 = arith.constant 0 : i32
    %sign3A_253 = arith.cmpi slt, %add3A_246, %sign3A_252 : i32
    %sign3A_254 = arith.extui %sign3A_253 : i1 to i32
    %sign3A_255 = arith.subi %sign3A_251, %sign3A_254 : i32
    %sign3A_256 = arith.constant 0 : i32
    %sign3A_257 = arith.cmpi sgt, %jit3A_247, %sign3A_256 : i32
    %sign3A_258 = arith.extui %sign3A_257 : i1 to i32
    %sign3A_259 = arith.constant 0 : i32
    %sign3A_260 = arith.cmpi slt, %jit3A_247, %sign3A_259 : i32
    %sign3A_261 = arith.extui %sign3A_260 : i1 to i32
    %sign3A_262 = arith.subi %sign3A_258, %sign3A_261 : i32
    %ne3A_263 = arith.cmpi ne, %sign3A_255, %sign3A_262 : i32
    %rem3A_264 = arith.remsi %add3A_246, %jit3A_247 : i32
    %ne3A_265 = arith.constant 0 : i32
    %ne3A_266 = arith.cmpi ne, %rem3A_264, %ne3A_265 : i32
    %and3A_267 = arith.andi %ne3A_263, %ne3A_266 : i1
    %sub3A_268 = arith.constant 1 : i32
    %sub3A_269 = arith.subi %div3A_248, %sub3A_268 : i32
    %select_n3A_270 = arith.select %and3A_267, %sub3A_269, %div3A_248 : i32
    %jit3A_271 = arith.constant 128 : i32
    %eq3A_272 = arith.constant 0 : i32
    %eq3A_273 = arith.cmpi eq, %jit3A_271, %eq3A_272 : i32
    %jit3A_274 = arith.constant 1 : i32
    %select_n3A_275 = arith.select %eq3A_273, %jit3A_274, %jit3A_271 : i32
    %rem3A_276 = arith.remsi %add3A_246, %select_n3A_275 : i32
    %ne3A_277 = arith.constant 0 : i32
    %ne3A_278 = arith.cmpi ne, %rem3A_276, %ne3A_277 : i32
    %lt3A_279 = arith.constant 0 : i32
    %lt3A_280 = arith.cmpi slt, %rem3A_276, %lt3A_279 : i32
    %lt3A_281 = arith.constant 0 : i32
    %lt3A_282 = arith.cmpi slt, %select_n3A_275, %lt3A_281 : i32
    %ne3A_283 = arith.xori %lt3A_280, %lt3A_282 : i1
    %and3A_284 = arith.andi %ne3A_283, %ne3A_278 : i1
    %add3A_285 = arith.addi %rem3A_276, %select_n3A_275 : i32
    %select_n3A_286 = arith.select %and3A_284, %add3A_285, %rem3A_276 : i32
    %mul3A_287 = arith.constant 128 : i32
    %mul3A_288 = arith.muli %select_n3A_286, %mul3A_287 : i32
    %dma_wait3A = arith.constant 0 : i32
    %dma_wait3A_289 = arith.constant 0 : i32
    %dma_wait3A_290 = tpu.memref_slice %arg5[%dma_wait3A, %dma_wait3A_289] : memref<4x128xi32, #tpu.memory_space<vmem>> -> memref<1x128xi32, #tpu.memory_space<vmem>>
    %dma_wait3A_291 = tpu.memref_squeeze %dma_wait3A_290 : memref<1x128xi32, #tpu.memory_space<vmem>> -> memref<128xi32, #tpu.memory_space<vmem>>
    %dma_wait3A_292 = tpu.memref_slice %arg3[%select_n3A_270, %mul3A_288] : memref<50x16384xi32, #tpu.memory_space<hbm>> -> memref<1x128xi32, #tpu.memory_space<hbm>>
    %dma_wait3A_293 = tpu.memref_squeeze %dma_wait3A_292 : memref<1x128xi32, #tpu.memory_space<hbm>> -> memref<128xi32, #tpu.memory_space<hbm>>
    %dma_wait3A_294 = arith.constant 0 : i32
    %dma_wait3A_295 = tpu.memref_slice %arg5[%dma_wait3A, %dma_wait3A_294] : memref<4x128xi32, #tpu.memory_space<vmem>> -> memref<1x128xi32, #tpu.memory_space<vmem>>
    %dma_wait3A_296 = tpu.memref_squeeze %dma_wait3A_295 : memref<1x128xi32, #tpu.memory_space<vmem>> -> memref<128xi32, #tpu.memory_space<vmem>>
    %dma_wait3A_297 = tpu.memref_slice %arg3[%select_n3A_270, %mul3A_288] : memref<50x16384xi32, #tpu.memory_space<hbm>> -> memref<1x128xi32, #tpu.memory_space<hbm>>
    %dma_wait3A_298 = tpu.memref_squeeze %dma_wait3A_297 : memref<1x128xi32, #tpu.memory_space<hbm>> -> memref<128xi32, #tpu.memory_space<hbm>>
    tpu.wait_dma2 semaphore(%arg8 : memref<!tpu.dma_semaphore, #tpu.memory_space<semaphore_mem>>) src(%dma_wait3A_298 : memref<128xi32, #tpu.memory_space<hbm>>) dst(%dma_wait3A_296 : memref<128xi32, #tpu.memory_space<vmem>>)
    %dma_start3A_299 = arith.constant 0 : i32
    %dma_start3A_300 = arith.constant 0 : i32
    %dma_start3A_301 = arith.constant 0 : i32
    %dma_start3A_302 = arith.constant 0 : i32
    %dma_start3A_303 = tpu.memref_slice %arg6[%dma_start3A_300, %dma_start3A_301, %dma_start3A_302] : memref<4x128x128xf32, #tpu.memory_space<vmem>> -> memref<1x128x128xf32, #tpu.memory_space<vmem>>
    %dma_start3A_304 = tpu.memref_squeeze %dma_start3A_303 : memref<1x128x128xf32, #tpu.memory_space<vmem>> -> memref<128x128xf32, #tpu.memory_space<vmem>>
    %dma_start3A_305 = arith.constant 0 : i32
    %dma_start3A_306 = tpu.memref_slice %arg5[%dma_start3A_299, %dma_start3A_305] : memref<4x128xi32, #tpu.memory_space<vmem>> -> memref<1x128xi32, #tpu.memory_space<vmem>>
    %dma_start3A_307 = tpu.memref_squeeze %dma_start3A_306 : memref<1x128xi32, #tpu.memory_space<vmem>> -> memref<128xi32, #tpu.memory_space<vmem>>
    %dma_start3A_308 = arith.constant 0 : i32
    %dma_start3A_309 = arith.constant 0 : i32
    %dma_start3A_310 = tpu.memref_slice %arg2[%dma_start3A_308, %dma_start3A_309] : memref<1000000x128xf32, #tpu.memory_space<hbm>> -> memref<1000000x128xf32, #tpu.memory_space<hbm>>
    tpu.enqueue_indirect_dma source(%dma_start3A_310 : memref<1000000x128xf32, #tpu.memory_space<hbm>>) target(%dma_start3A_304 : memref<128x128xf32, #tpu.memory_space<vmem>>) offsets(%dma_start3A_307 : memref<128xi32, #tpu.memory_space<vmem>>) semaphore(%arg12 : memref<!tpu.dma_semaphore, #tpu.memory_space<semaphore_mem>>)
    %add3A_311 = arith.constant 32 : i32
    %add3A_312 = arith.addi %add3A, %add3A_311 : i32
    %jit3A_313 = arith.constant 128 : i32
    %div3A_314 = arith.divsi %add3A_312, %jit3A_313 : i32
    %sign3A_315 = arith.constant 0 : i32
    %sign3A_316 = arith.cmpi sgt, %add3A_312, %sign3A_315 : i32
    %sign3A_317 = arith.extui %sign3A_316 : i1 to i32
    %sign3A_318 = arith.constant 0 : i32
    %sign3A_319 = arith.cmpi slt, %add3A_312, %sign3A_318 : i32
    %sign3A_320 = arith.extui %sign3A_319 : i1 to i32
    %sign3A_321 = arith.subi %sign3A_317, %sign3A_320 : i32
    %sign3A_322 = arith.constant 0 : i32
    %sign3A_323 = arith.cmpi sgt, %jit3A_313, %sign3A_322 : i32
    %sign3A_324 = arith.extui %sign3A_323 : i1 to i32
    %sign3A_325 = arith.constant 0 : i32
    %sign3A_326 = arith.cmpi slt, %jit3A_313, %sign3A_325 : i32
    %sign3A_327 = arith.extui %sign3A_326 : i1 to i32
    %sign3A_328 = arith.subi %sign3A_324, %sign3A_327 : i32
    %ne3A_329 = arith.cmpi ne, %sign3A_321, %sign3A_328 : i32
    %rem3A_330 = arith.remsi %add3A_312, %jit3A_313 : i32
    %ne3A_331 = arith.constant 0 : i32
    %ne3A_332 = arith.cmpi ne, %rem3A_330, %ne3A_331 : i32
    %and3A_333 = arith.andi %ne3A_329, %ne3A_332 : i1
    %sub3A_334 = arith.constant 1 : i32
    %sub3A_335 = arith.subi %div3A_314, %sub3A_334 : i32
    %select_n3A_336 = arith.select %and3A_333, %sub3A_335, %div3A_314 : i32
    %jit3A_337 = arith.constant 128 : i32
    %eq3A_338 = arith.constant 0 : i32
    %eq3A_339 = arith.cmpi eq, %jit3A_337, %eq3A_338 : i32
    %jit3A_340 = arith.constant 1 : i32
    %select_n3A_341 = arith.select %eq3A_339, %jit3A_340, %jit3A_337 : i32
    %rem3A_342 = arith.remsi %add3A_312, %select_n3A_341 : i32
    %ne3A_343 = arith.constant 0 : i32
    %ne3A_344 = arith.cmpi ne, %rem3A_342, %ne3A_343 : i32
    %lt3A_345 = arith.constant 0 : i32
    %lt3A_346 = arith.cmpi slt, %rem3A_342, %lt3A_345 : i32
    %lt3A_347 = arith.constant 0 : i32
    %lt3A_348 = arith.cmpi slt, %select_n3A_341, %lt3A_347 : i32
    %ne3A_349 = arith.xori %lt3A_346, %lt3A_348 : i1
    %and3A_350 = arith.andi %ne3A_349, %ne3A_344 : i1
    %add3A_351 = arith.addi %rem3A_342, %select_n3A_341 : i32
    %select_n3A_352 = arith.select %and3A_350, %add3A_351, %rem3A_342 : i32
    %mul3A_353 = arith.constant 128 : i32
    %mul3A_354 = arith.muli %select_n3A_352, %mul3A_353 : i32
    %dma_wait3A_355 = arith.constant 1 : i32
    %dma_wait3A_356 = arith.constant 0 : i32
    %dma_wait3A_357 = tpu.memref_slice %arg5[%dma_wait3A_355, %dma_wait3A_356] : memref<4x128xi32, #tpu.memory_space<vmem>> -> memref<1x128xi32, #tpu.memory_space<vmem>>
    %dma_wait3A_358 = tpu.memref_squeeze %dma_wait3A_357 : memref<1x128xi32, #tpu.memory_space<vmem>> -> memref<128xi32, #tpu.memory_space<vmem>>
    %dma_wait3A_359 = tpu.memref_slice %arg3[%select_n3A_336, %mul3A_354] : memref<50x16384xi32, #tpu.memory_space<hbm>> -> memref<1x128xi32, #tpu.memory_space<hbm>>
    %dma_wait3A_360 = tpu.memref_squeeze %dma_wait3A_359 : memref<1x128xi32, #tpu.memory_space<hbm>> -> memref<128xi32, #tpu.memory_space<hbm>>
    %dma_wait3A_361 = arith.constant 0 : i32
    %dma_wait3A_362 = tpu.memref_slice %arg5[%dma_wait3A_355, %dma_wait3A_361] : memref<4x128xi32, #tpu.memory_space<vmem>> -> memref<1x128xi32, #tpu.memory_space<vmem>>
    %dma_wait3A_363 = tpu.memref_squeeze %dma_wait3A_362 : memref<1x128xi32, #tpu.memory_space<vmem>> -> memref<128xi32, #tpu.memory_space<vmem>>
    %dma_wait3A_364 = tpu.memref_slice %arg3[%select_n3A_336, %mul3A_354] : memref<50x16384xi32, #tpu.memory_space<hbm>> -> memref<1x128xi32, #tpu.memory_space<hbm>>
    %dma_wait3A_365 = tpu.memref_squeeze %dma_wait3A_364 : memref<1x128xi32, #tpu.memory_space<hbm>> -> memref<128xi32, #tpu.memory_space<hbm>>
    tpu.wait_dma2 semaphore(%arg9 : memref<!tpu.dma_semaphore, #tpu.memory_space<semaphore_mem>>) src(%dma_wait3A_365 : memref<128xi32, #tpu.memory_space<hbm>>) dst(%dma_wait3A_363 : memref<128xi32, #tpu.memory_space<vmem>>)
    %dma_start3A_366 = arith.constant 1 : i32
    %dma_start3A_367 = arith.constant 1 : i32
    %dma_start3A_368 = arith.constant 0 : i32
    %dma_start3A_369 = arith.constant 0 : i32
    %dma_start3A_370 = tpu.memref_slice %arg6[%dma_start3A_367, %dma_start3A_368, %dma_start3A_369] : memref<4x128x128xf32, #tpu.memory_space<vmem>> -> memref<1x128x128xf32, #tpu.memory_space<vmem>>
    %dma_start3A_371 = tpu.memref_squeeze %dma_start3A_370 : memref<1x128x128xf32, #tpu.memory_space<vmem>> -> memref<128x128xf32, #tpu.memory_space<vmem>>
    %dma_start3A_372 = arith.constant 0 : i32
    %dma_start3A_373 = tpu.memref_slice %arg5[%dma_start3A_366, %dma_start3A_372] : memref<4x128xi32, #tpu.memory_space<vmem>> -> memref<1x128xi32, #tpu.memory_space<vmem>>
    %dma_start3A_374 = tpu.memref_squeeze %dma_start3A_373 : memref<1x128xi32, #tpu.memory_space<vmem>> -> memref<128xi32, #tpu.memory_space<vmem>>
    %dma_start3A_375 = arith.constant 0 : i32
    %dma_start3A_376 = arith.constant 0 : i32
    %dma_start3A_377 = tpu.memref_slice %arg2[%dma_start3A_375, %dma_start3A_376] : memref<1000000x128xf32, #tpu.memory_space<hbm>> -> memref<1000000x128xf32, #tpu.memory_space<hbm>>
    tpu.enqueue_indirect_dma source(%dma_start3A_377 : memref<1000000x128xf32, #tpu.memory_space<hbm>>) target(%dma_start3A_371 : memref<128x128xf32, #tpu.memory_space<vmem>>) offsets(%dma_start3A_374 : memref<128xi32, #tpu.memory_space<vmem>>) semaphore(%arg13 : memref<!tpu.dma_semaphore, #tpu.memory_space<semaphore_mem>>)
    %add3A_378 = arith.constant 64 : i32
    %add3A_379 = arith.addi %add3A, %add3A_378 : i32
    %jit3A_380 = arith.constant 128 : i32
    %div3A_381 = arith.divsi %add3A_379, %jit3A_380 : i32
    %sign3A_382 = arith.constant 0 : i32
    %sign3A_383 = arith.cmpi sgt, %add3A_379, %sign3A_382 : i32
    %sign3A_384 = arith.extui %sign3A_383 : i1 to i32
    %sign3A_385 = arith.constant 0 : i32
    %sign3A_386 = arith.cmpi slt, %add3A_379, %sign3A_385 : i32
    %sign3A_387 = arith.extui %sign3A_386 : i1 to i32
    %sign3A_388 = arith.subi %sign3A_384, %sign3A_387 : i32
    %sign3A_389 = arith.constant 0 : i32
    %sign3A_390 = arith.cmpi sgt, %jit3A_380, %sign3A_389 : i32
    %sign3A_391 = arith.extui %sign3A_390 : i1 to i32
    %sign3A_392 = arith.constant 0 : i32
    %sign3A_393 = arith.cmpi slt, %jit3A_380, %sign3A_392 : i32
    %sign3A_394 = arith.extui %sign3A_393 : i1 to i32
    %sign3A_395 = arith.subi %sign3A_391, %sign3A_394 : i32
    %ne3A_396 = arith.cmpi ne, %sign3A_388, %sign3A_395 : i32
    %rem3A_397 = arith.remsi %add3A_379, %jit3A_380 : i32
    %ne3A_398 = arith.constant 0 : i32
    %ne3A_399 = arith.cmpi ne, %rem3A_397, %ne3A_398 : i32
    %and3A_400 = arith.andi %ne3A_396, %ne3A_399 : i1
    %sub3A_401 = arith.constant 1 : i32
    %sub3A_402 = arith.subi %div3A_381, %sub3A_401 : i32
    %select_n3A_403 = arith.select %and3A_400, %sub3A_402, %div3A_381 : i32
    %jit3A_404 = arith.constant 128 : i32
    %eq3A_405 = arith.constant 0 : i32
    %eq3A_406 = arith.cmpi eq, %jit3A_404, %eq3A_405 : i32
    %jit3A_407 = arith.constant 1 : i32
    %select_n3A_408 = arith.select %eq3A_406, %jit3A_407, %jit3A_404 : i32
    %rem3A_409 = arith.remsi %add3A_379, %select_n3A_408 : i32
    %ne3A_410 = arith.constant 0 : i32
    %ne3A_411 = arith.cmpi ne, %rem3A_409, %ne3A_410 : i32
    %lt3A_412 = arith.constant 0 : i32
    %lt3A_413 = arith.cmpi slt, %rem3A_409, %lt3A_412 : i32
    %lt3A_414 = arith.constant 0 : i32
    %lt3A_415 = arith.cmpi slt, %select_n3A_408, %lt3A_414 : i32
    %ne3A_416 = arith.xori %lt3A_413, %lt3A_415 : i1
    %and3A_417 = arith.andi %ne3A_416, %ne3A_411 : i1
    %add3A_418 = arith.addi %rem3A_409, %select_n3A_408 : i32
    %select_n3A_419 = arith.select %and3A_417, %add3A_418, %rem3A_409 : i32
    %mul3A_420 = arith.constant 128 : i32
    %mul3A_421 = arith.muli %select_n3A_419, %mul3A_420 : i32
    %dma_wait3A_422 = arith.constant 2 : i32
    %dma_wait3A_423 = arith.constant 0 : i32
    %dma_wait3A_424 = tpu.memref_slice %arg5[%dma_wait3A_422, %dma_wait3A_423] : memref<4x128xi32, #tpu.memory_space<vmem>> -> memref<1x128xi32, #tpu.memory_space<vmem>>
    %dma_wait3A_425 = tpu.memref_squeeze %dma_wait3A_424 : memref<1x128xi32, #tpu.memory_space<vmem>> -> memref<128xi32, #tpu.memory_space<vmem>>
    %dma_wait3A_426 = tpu.memref_slice %arg3[%select_n3A_403, %mul3A_421] : memref<50x16384xi32, #tpu.memory_space<hbm>> -> memref<1x128xi32, #tpu.memory_space<hbm>>
    %dma_wait3A_427 = tpu.memref_squeeze %dma_wait3A_426 : memref<1x128xi32, #tpu.memory_space<hbm>> -> memref<128xi32, #tpu.memory_space<hbm>>
    %dma_wait3A_428 = arith.constant 0 : i32
    %dma_wait3A_429 = tpu.memref_slice %arg5[%dma_wait3A_422, %dma_wait3A_428] : memref<4x128xi32, #tpu.memory_space<vmem>> -> memref<1x128xi32, #tpu.memory_space<vmem>>
    %dma_wait3A_430 = tpu.memref_squeeze %dma_wait3A_429 : memref<1x128xi32, #tpu.memory_space<vmem>> -> memref<128xi32, #tpu.memory_space<vmem>>
    %dma_wait3A_431 = tpu.memref_slice %arg3[%select_n3A_403, %mul3A_421] : memref<50x16384xi32, #tpu.memory_space<hbm>> -> memref<1x128xi32, #tpu.memory_space<hbm>>
    %dma_wait3A_432 = tpu.memref_squeeze %dma_wait3A_431 : memref<1x128xi32, #tpu.memory_space<hbm>> -> memref<128xi32, #tpu.memory_space<hbm>>
    tpu.wait_dma2 semaphore(%arg10 : memref<!tpu.dma_semaphore, #tpu.memory_space<semaphore_mem>>) src(%dma_wait3A_432 : memref<128xi32, #tpu.memory_space<hbm>>) dst(%dma_wait3A_430 : memref<128xi32, #tpu.memory_space<vmem>>)
    %dma_start3A_433 = arith.constant 2 : i32
    %dma_start3A_434 = arith.constant 2 : i32
    %dma_start3A_435 = arith.constant 0 : i32
    %dma_start3A_436 = arith.constant 0 : i32
    %dma_start3A_437 = tpu.memref_slice %arg6[%dma_start3A_434, %dma_start3A_435, %dma_start3A_436] : memref<4x128x128xf32, #tpu.memory_space<vmem>> -> memref<1x128x128xf32, #tpu.memory_space<vmem>>
    %dma_start3A_438 = tpu.memref_squeeze %dma_start3A_437 : memref<1x128x128xf32, #tpu.memory_space<vmem>> -> memref<128x128xf32, #tpu.memory_space<vmem>>
    %dma_start3A_439 = arith.constant 0 : i32
    %dma_start3A_440 = tpu.memref_slice %arg5[%dma_start3A_433, %dma_start3A_439] : memref<4x128xi32, #tpu.memory_space<vmem>> -> memref<1x128xi32, #tpu.memory_space<vmem>>
    %dma_start3A_441 = tpu.memref_squeeze %dma_start3A_440 : memref<1x128xi32, #tpu.memory_space<vmem>> -> memref<128xi32, #tpu.memory_space<vmem>>
    %dma_start3A_442 = arith.constant 0 : i32
    %dma_start3A_443 = arith.constant 0 : i32
    %dma_start3A_444 = tpu.memref_slice %arg2[%dma_start3A_442, %dma_start3A_443] : memref<1000000x128xf32, #tpu.memory_space<hbm>> -> memref<1000000x128xf32, #tpu.memory_space<hbm>>
    tpu.enqueue_indirect_dma source(%dma_start3A_444 : memref<1000000x128xf32, #tpu.memory_space<hbm>>) target(%dma_start3A_438 : memref<128x128xf32, #tpu.memory_space<vmem>>) offsets(%dma_start3A_441 : memref<128xi32, #tpu.memory_space<vmem>>) semaphore(%arg14 : memref<!tpu.dma_semaphore, #tpu.memory_space<semaphore_mem>>)
    %add3A_445 = arith.constant 96 : i32
    %add3A_446 = arith.addi %add3A, %add3A_445 : i32
    %jit3A_447 = arith.constant 128 : i32
    %div3A_448 = arith.divsi %add3A_446, %jit3A_447 : i32
    %sign3A_449 = arith.constant 0 : i32
    %sign3A_450 = arith.cmpi sgt, %add3A_446, %sign3A_449 : i32
    %sign3A_451 = arith.extui %sign3A_450 : i1 to i32
    %sign3A_452 = arith.constant 0 : i32
    %sign3A_453 = arith.cmpi slt, %add3A_446, %sign3A_452 : i32
    %sign3A_454 = arith.extui %sign3A_453 : i1 to i32
    %sign3A_455 = arith.subi %sign3A_451, %sign3A_454 : i32
    %sign3A_456 = arith.constant 0 : i32
    %sign3A_457 = arith.cmpi sgt, %jit3A_447, %sign3A_456 : i32
    %sign3A_458 = arith.extui %sign3A_457 : i1 to i32
    %sign3A_459 = arith.constant 0 : i32
    %sign3A_460 = arith.cmpi slt, %jit3A_447, %sign3A_459 : i32
    %sign3A_461 = arith.extui %sign3A_460 : i1 to i32
    %sign3A_462 = arith.subi %sign3A_458, %sign3A_461 : i32
    %ne3A_463 = arith.cmpi ne, %sign3A_455, %sign3A_462 : i32
    %rem3A_464 = arith.remsi %add3A_446, %jit3A_447 : i32
    %ne3A_465 = arith.constant 0 : i32
    %ne3A_466 = arith.cmpi ne, %rem3A_464, %ne3A_465 : i32
    %and3A_467 = arith.andi %ne3A_463, %ne3A_466 : i1
    %sub3A_468 = arith.constant 1 : i32
    %sub3A_469 = arith.subi %div3A_448, %sub3A_468 : i32
    %select_n3A_470 = arith.select %and3A_467, %sub3A_469, %div3A_448 : i32
    %jit3A_471 = arith.constant 128 : i32
    %eq3A_472 = arith.constant 0 : i32
    %eq3A_473 = arith.cmpi eq, %jit3A_471, %eq3A_472 : i32
    %jit3A_474 = arith.constant 1 : i32
    %select_n3A_475 = arith.select %eq3A_473, %jit3A_474, %jit3A_471 : i32
    %rem3A_476 = arith.remsi %add3A_446, %select_n3A_475 : i32
    %ne3A_477 = arith.constant 0 : i32
    %ne3A_478 = arith.cmpi ne, %rem3A_476, %ne3A_477 : i32
    %lt3A_479 = arith.constant 0 : i32
    %lt3A_480 = arith.cmpi slt, %rem3A_476, %lt3A_479 : i32
    %lt3A_481 = arith.constant 0 : i32
    %lt3A_482 = arith.cmpi slt, %select_n3A_475, %lt3A_481 : i32
    %ne3A_483 = arith.xori %lt3A_480, %lt3A_482 : i1
    %and3A_484 = arith.andi %ne3A_483, %ne3A_478 : i1
    %add3A_485 = arith.addi %rem3A_476, %select_n3A_475 : i32
    %select_n3A_486 = arith.select %and3A_484, %add3A_485, %rem3A_476 : i32
    %mul3A_487 = arith.constant 128 : i32
    %mul3A_488 = arith.muli %select_n3A_486, %mul3A_487 : i32
    %dma_wait3A_489 = arith.constant 3 : i32
    %dma_wait3A_490 = arith.constant 0 : i32
    %dma_wait3A_491 = tpu.memref_slice %arg5[%dma_wait3A_489, %dma_wait3A_490] : memref<4x128xi32, #tpu.memory_space<vmem>> -> memref<1x128xi32, #tpu.memory_space<vmem>>
    %dma_wait3A_492 = tpu.memref_squeeze %dma_wait3A_491 : memref<1x128xi32, #tpu.memory_space<vmem>> -> memref<128xi32, #tpu.memory_space<vmem>>
    %dma_wait3A_493 = tpu.memref_slice %arg3[%select_n3A_470, %mul3A_488] : memref<50x16384xi32, #tpu.memory_space<hbm>> -> memref<1x128xi32, #tpu.memory_space<hbm>>
    %dma_wait3A_494 = tpu.memref_squeeze %dma_wait3A_493 : memref<1x128xi32, #tpu.memory_space<hbm>> -> memref<128xi32, #tpu.memory_space<hbm>>
    %dma_wait3A_495 = arith.constant 0 : i32
    %dma_wait3A_496 = tpu.memref_slice %arg5[%dma_wait3A_489, %dma_wait3A_495] : memref<4x128xi32, #tpu.memory_space<vmem>> -> memref<1x128xi32, #tpu.memory_space<vmem>>
    %dma_wait3A_497 = tpu.memref_squeeze %dma_wait3A_496 : memref<1x128xi32, #tpu.memory_space<vmem>> -> memref<128xi32, #tpu.memory_space<vmem>>
    %dma_wait3A_498 = tpu.memref_slice %arg3[%select_n3A_470, %mul3A_488] : memref<50x16384xi32, #tpu.memory_space<hbm>> -> memref<1x128xi32, #tpu.memory_space<hbm>>
    %dma_wait3A_499 = tpu.memref_squeeze %dma_wait3A_498 : memref<1x128xi32, #tpu.memory_space<hbm>> -> memref<128xi32, #tpu.memory_space<hbm>>
    tpu.wait_dma2 semaphore(%arg11 : memref<!tpu.dma_semaphore, #tpu.memory_space<semaphore_mem>>) src(%dma_wait3A_499 : memref<128xi32, #tpu.memory_space<hbm>>) dst(%dma_wait3A_497 : memref<128xi32, #tpu.memory_space<vmem>>)
    %dma_start3A_500 = arith.constant 3 : i32
    %dma_start3A_501 = arith.constant 3 : i32
    %dma_start3A_502 = arith.constant 0 : i32
    %dma_start3A_503 = arith.constant 0 : i32
    %dma_start3A_504 = tpu.memref_slice %arg6[%dma_start3A_501, %dma_start3A_502, %dma_start3A_503] : memref<4x128x128xf32, #tpu.memory_space<vmem>> -> memref<1x128x128xf32, #tpu.memory_space<vmem>>
    %dma_start3A_505 = tpu.memref_squeeze %dma_start3A_504 : memref<1x128x128xf32, #tpu.memory_space<vmem>> -> memref<128x128xf32, #tpu.memory_space<vmem>>
    %dma_start3A_506 = arith.constant 0 : i32
    %dma_start3A_507 = tpu.memref_slice %arg5[%dma_start3A_500, %dma_start3A_506] : memref<4x128xi32, #tpu.memory_space<vmem>> -> memref<1x128xi32, #tpu.memory_space<vmem>>
    %dma_start3A_508 = tpu.memref_squeeze %dma_start3A_507 : memref<1x128xi32, #tpu.memory_space<vmem>> -> memref<128xi32, #tpu.memory_space<vmem>>
    %dma_start3A_509 = arith.constant 0 : i32
    %dma_start3A_510 = arith.constant 0 : i32
    %dma_start3A_511 = tpu.memref_slice %arg2[%dma_start3A_509, %dma_start3A_510] : memref<1000000x128xf32, #tpu.memory_space<hbm>> -> memref<1000000x128xf32, #tpu.memory_space<hbm>>
    tpu.enqueue_indirect_dma source(%dma_start3A_511 : memref<1000000x128xf32, #tpu.memory_space<hbm>>) target(%dma_start3A_505 : memref<128x128xf32, #tpu.memory_space<vmem>>) offsets(%dma_start3A_508 : memref<128xi32, #tpu.memory_space<vmem>>) semaphore(%arg15 : memref<!tpu.dma_semaphore, #tpu.memory_space<semaphore_mem>>)
    %add3A_512 = arith.constant 128 : i32
    %add3A_513 = arith.addi %add3A, %add3A_512 : i32
    %jit3A_514 = arith.constant 128 : i32
    %div3A_515 = arith.divsi %add3A_513, %jit3A_514 : i32
    %sign3A_516 = arith.constant 0 : i32
    %sign3A_517 = arith.cmpi sgt, %add3A_513, %sign3A_516 : i32
    %sign3A_518 = arith.extui %sign3A_517 : i1 to i32
    %sign3A_519 = arith.constant 0 : i32
    %sign3A_520 = arith.cmpi slt, %add3A_513, %sign3A_519 : i32
    %sign3A_521 = arith.extui %sign3A_520 : i1 to i32
    %sign3A_522 = arith.subi %sign3A_518, %sign3A_521 : i32
    %sign3A_523 = arith.constant 0 : i32
    %sign3A_524 = arith.cmpi sgt, %jit3A_514, %sign3A_523 : i32
    %sign3A_525 = arith.extui %sign3A_524 : i1 to i32
    %sign3A_526 = arith.constant 0 : i32
    %sign3A_527 = arith.cmpi slt, %jit3A_514, %sign3A_526 : i32
    %sign3A_528 = arith.extui %sign3A_527 : i1 to i32
    %sign3A_529 = arith.subi %sign3A_525, %sign3A_528 : i32
    %ne3A_530 = arith.cmpi ne, %sign3A_522, %sign3A_529 : i32
    %rem3A_531 = arith.remsi %add3A_513, %jit3A_514 : i32
    %ne3A_532 = arith.constant 0 : i32
    %ne3A_533 = arith.cmpi ne, %rem3A_531, %ne3A_532 : i32
    %and3A_534 = arith.andi %ne3A_530, %ne3A_533 : i1
    %sub3A_535 = arith.constant 1 : i32
    %sub3A_536 = arith.subi %div3A_515, %sub3A_535 : i32
    %select_n3A_537 = arith.select %and3A_534, %sub3A_536, %div3A_515 : i32
    %jit3A_538 = arith.constant 128 : i32
    %eq3A_539 = arith.constant 0 : i32
    %eq3A_540 = arith.cmpi eq, %jit3A_538, %eq3A_539 : i32
    %jit3A_541 = arith.constant 1 : i32
    %select_n3A_542 = arith.select %eq3A_540, %jit3A_541, %jit3A_538 : i32
    %rem3A_543 = arith.remsi %add3A_513, %select_n3A_542 : i32
    %ne3A_544 = arith.constant 0 : i32
    %ne3A_545 = arith.cmpi ne, %rem3A_543, %ne3A_544 : i32
    %lt3A_546 = arith.constant 0 : i32
    %lt3A_547 = arith.cmpi slt, %rem3A_543, %lt3A_546 : i32
    %lt3A_548 = arith.constant 0 : i32
    %lt3A_549 = arith.cmpi slt, %select_n3A_542, %lt3A_548 : i32
    %ne3A_550 = arith.xori %lt3A_547, %lt3A_549 : i1
    %and3A_551 = arith.andi %ne3A_550, %ne3A_545 : i1
    %add3A_552 = arith.addi %rem3A_543, %select_n3A_542 : i32
    %select_n3A_553 = arith.select %and3A_551, %add3A_552, %rem3A_543 : i32
    %mul3A_554 = arith.constant 128 : i32
    %mul3A_555 = arith.muli %select_n3A_553, %mul3A_554 : i32
    %dma_start3A_556 = arith.constant 0 : i32
    %dma_start3A_557 = arith.constant 0 : i32
    %dma_start3A_558 = tpu.memref_slice %arg5[%dma_start3A_556, %dma_start3A_557] : memref<4x128xi32, #tpu.memory_space<vmem>> -> memref<1x128xi32, #tpu.memory_space<vmem>>
    %dma_start3A_559 = tpu.memref_squeeze %dma_start3A_558 : memref<1x128xi32, #tpu.memory_space<vmem>> -> memref<128xi32, #tpu.memory_space<vmem>>
    %dma_start3A_560 = tpu.memref_slice %arg3[%select_n3A_537, %mul3A_555] : memref<50x16384xi32, #tpu.memory_space<hbm>> -> memref<1x128xi32, #tpu.memory_space<hbm>>
    %dma_start3A_561 = tpu.memref_squeeze %dma_start3A_560 : memref<1x128xi32, #tpu.memory_space<hbm>> -> memref<128xi32, #tpu.memory_space<hbm>>
    %dma_start3A_562 = arith.constant 0 : i32
    %dma_start3A_563 = tpu.memref_slice %arg5[%dma_start3A_556, %dma_start3A_562] : memref<4x128xi32, #tpu.memory_space<vmem>> -> memref<1x128xi32, #tpu.memory_space<vmem>>
    %dma_start3A_564 = tpu.memref_squeeze %dma_start3A_563 : memref<1x128xi32, #tpu.memory_space<vmem>> -> memref<128xi32, #tpu.memory_space<vmem>>
    %dma_start3A_565 = tpu.memref_slice %arg3[%select_n3A_537, %mul3A_555] : memref<50x16384xi32, #tpu.memory_space<hbm>> -> memref<1x128xi32, #tpu.memory_space<hbm>>
    %dma_start3A_566 = tpu.memref_squeeze %dma_start3A_565 : memref<1x128xi32, #tpu.memory_space<hbm>> -> memref<128xi32, #tpu.memory_space<hbm>>
    tpu.enqueue_dma source(%dma_start3A_566 : memref<128xi32, #tpu.memory_space<hbm>>) target(%dma_start3A_564 : memref<128xi32, #tpu.memory_space<vmem>>) target_semaphore(%arg8 : memref<!tpu.dma_semaphore, #tpu.memory_space<semaphore_mem>>)
    %scan3A = arith.constant 0 : i32
    %scan3A_567 = arith.constant 0 : i32
    %scan3A_568 = arith.constant 50 : i32
    %scan3A_569 = arith.addi %scan3A_567, %scan3A_568 : i32
    %scan3A_570 = arith.constant 1 : i32
    scf.for %scan3A_698 = %scan3A_567 to %scan3A_569 step %scan3A_570  : i32 {
      %mul3A_699 = arith.constant 4 : i32
      %mul3A_700 = arith.muli %mul3A_699, %scan3A_698 : i32
      %add3A_701 = arith.constant 0 : i32
      %add3A_702 = arith.addi %mul3A_700, %add3A_701 : i32
      %dma_wait3A_703 = arith.constant 0 : i32
      %dma_wait3A_704 = arith.constant 0 : i32
      %dma_wait3A_705 = arith.constant 0 : i32
      %dma_wait3A_706 = arith.constant 0 : i32
      %dma_wait3A_707 = tpu.memref_slice %arg6[%dma_wait3A_704, %dma_wait3A_705, %dma_wait3A_706] : memref<4x128x128xf32, #tpu.memory_space<vmem>> -> memref<1x128x128xf32, #tpu.memory_space<vmem>>
      %dma_wait3A_708 = tpu.memref_squeeze %dma_wait3A_707 : memref<1x128x128xf32, #tpu.memory_space<vmem>> -> memref<128x128xf32, #tpu.memory_space<vmem>>
      %dma_wait3A_709 = arith.constant 0 : i32
      %dma_wait3A_710 = tpu.memref_slice %arg5[%dma_wait3A_703, %dma_wait3A_709] : memref<4x128xi32, #tpu.memory_space<vmem>> -> memref<1x128xi32, #tpu.memory_space<vmem>>
      %dma_wait3A_711 = tpu.memref_squeeze %dma_wait3A_710 : memref<1x128xi32, #tpu.memory_space<vmem>> -> memref<128xi32, #tpu.memory_space<vmem>>
      %dma_wait3A_712 = arith.constant 0 : i32
      %dma_wait3A_713 = arith.constant 0 : i32
      %dma_wait3A_714 = tpu.memref_slice %arg2[%dma_wait3A_712, %dma_wait3A_713] : memref<1000000x128xf32, #tpu.memory_space<hbm>> -> memref<1000000x128xf32, #tpu.memory_space<hbm>>
      tpu.wait_indirect_dma semaphore(%arg12 : memref<!tpu.dma_semaphore, #tpu.memory_space<semaphore_mem>>) src(%dma_wait3A_714 : memref<1000000x128xf32, #tpu.memory_space<hbm>>) dst(%dma_wait3A_708 : memref<128x128xf32, #tpu.memory_space<vmem>>)
      %ge3A = arith.constant 2 : i32
      %ge3A_715 = arith.cmpi sge, %add3A_702, %ge3A : i32
      %convert_element_type3A = arith.extui %ge3A_715 : i1 to i32
      %cond3A = arith.constant 0 : i32
      %cond3A_716 = arith.cmpi ne, %convert_element_type3A, %cond3A : i32
      scf.if %cond3A_716 {
        %sub3A_1075 = arith.constant 2 : i32
        %sub3A_1076 = arith.subi %add3A_702, %sub3A_1075 : i32
        %mul3A_1077 = arith.constant 32 : i32
        %mul3A_1078 = arith.muli %sub3A_1076, %mul3A_1077 : i32
        %add3A_1079 = arith.addi %add3A, %mul3A_1078 : i32
        %jit3A_1080 = arith.constant 128 : i32
        %div3A_1081 = arith.divsi %add3A_1079, %jit3A_1080 : i32
        %sign3A_1082 = arith.constant 0 : i32
        %sign3A_1083 = arith.cmpi sgt, %add3A_1079, %sign3A_1082 : i32
        %sign3A_1084 = arith.extui %sign3A_1083 : i1 to i32
        %sign3A_1085 = arith.constant 0 : i32
        %sign3A_1086 = arith.cmpi slt, %add3A_1079, %sign3A_1085 : i32
        %sign3A_1087 = arith.extui %sign3A_1086 : i1 to i32
        %sign3A_1088 = arith.subi %sign3A_1084, %sign3A_1087 : i32
        %sign3A_1089 = arith.constant 0 : i32
        %sign3A_1090 = arith.cmpi sgt, %jit3A_1080, %sign3A_1089 : i32
        %sign3A_1091 = arith.extui %sign3A_1090 : i1 to i32
        %sign3A_1092 = arith.constant 0 : i32
        %sign3A_1093 = arith.cmpi slt, %jit3A_1080, %sign3A_1092 : i32
        %sign3A_1094 = arith.extui %sign3A_1093 : i1 to i32
        %sign3A_1095 = arith.subi %sign3A_1091, %sign3A_1094 : i32
        %ne3A_1096 = arith.cmpi ne, %sign3A_1088, %sign3A_1095 : i32
        %rem3A_1097 = arith.remsi %add3A_1079, %jit3A_1080 : i32
        %ne3A_1098 = arith.constant 0 : i32
        %ne3A_1099 = arith.cmpi ne, %rem3A_1097, %ne3A_1098 : i32
        %and3A_1100 = arith.andi %ne3A_1096, %ne3A_1099 : i1
        %sub3A_1101 = arith.constant 1 : i32
        %sub3A_1102 = arith.subi %div3A_1081, %sub3A_1101 : i32
        %select_n3A_1103 = arith.select %and3A_1100, %sub3A_1102, %div3A_1081 : i32
        %jit3A_1104 = arith.constant 128 : i32
        %eq3A_1105 = arith.constant 0 : i32
        %eq3A_1106 = arith.cmpi eq, %jit3A_1104, %eq3A_1105 : i32
        %jit3A_1107 = arith.constant 1 : i32
        %select_n3A_1108 = arith.select %eq3A_1106, %jit3A_1107, %jit3A_1104 : i32
        %rem3A_1109 = arith.remsi %add3A_1079, %select_n3A_1108 : i32
        %ne3A_1110 = arith.constant 0 : i32
        %ne3A_1111 = arith.cmpi ne, %rem3A_1109, %ne3A_1110 : i32
        %lt3A_1112 = arith.constant 0 : i32
        %lt3A_1113 = arith.cmpi slt, %rem3A_1109, %lt3A_1112 : i32
        %lt3A_1114 = arith.constant 0 : i32
        %lt3A_1115 = arith.cmpi slt, %select_n3A_1108, %lt3A_1114 : i32
        %ne3A_1116 = arith.xori %lt3A_1113, %lt3A_1115 : i1
        %and3A_1117 = arith.andi %ne3A_1116, %ne3A_1111 : i1
        %add3A_1118 = arith.addi %rem3A_1109, %select_n3A_1108 : i32
        %select_n3A_1119 = arith.select %and3A_1117, %add3A_1118, %rem3A_1109 : i32
        %dma_wait3A_1120 = arith.constant 0 : i32
        %dma_wait3A_1121 = arith.constant 0 : i32
        %dma_wait3A_1122 = arith.constant 0 : i32
        %dma_wait3A_1123 = arith.constant 0 : i32
        %dma_wait3A_1124 = tpu.memref_slice %arg7[%dma_wait3A_1120, %dma_wait3A_1121, %dma_wait3A_1122, %dma_wait3A_1123] : memref<2x8x8x129xf32, #tpu.memory_space<vmem>> -> memref<1x8x8x128xf32, #tpu.memory_space<vmem>>
        %dma_wait3A_1125 = tpu.memref_squeeze %dma_wait3A_1124 : memref<1x8x8x128xf32, #tpu.memory_space<vmem>> -> memref<8x8x128xf32, #tpu.memory_space<vmem>>
        %dma_wait3A_1126 = arith.constant 0 : i32
        %dma_wait3A_1127 = arith.constant 0 : i32
        %dma_wait3A_1128 = arith.constant 0 : i32
        %dma_wait3A_1129 = tpu.memref_slice %arg4[%select_n3A_1103, %dma_wait3A_1126, %select_n3A_1119, %dma_wait3A_1127, %dma_wait3A_1128] : memref<50x8x128x8x128xf32, #tpu.memory_space<hbm>> -> memref<1x8x1x8x128xf32, #tpu.memory_space<hbm>>
        %dma_wait3A_1130 = tpu.memref_squeeze %dma_wait3A_1129 : memref<1x8x1x8x128xf32, #tpu.memory_space<hbm>> -> memref<8x8x128xf32, #tpu.memory_space<hbm>>
        %dma_wait3A_1131 = arith.constant 0 : i32
        %dma_wait3A_1132 = arith.constant 0 : i32
        %dma_wait3A_1133 = arith.constant 0 : i32
        %dma_wait3A_1134 = tpu.memref_slice %arg4[%select_n3A_1103, %dma_wait3A_1131, %select_n3A_1119, %dma_wait3A_1132, %dma_wait3A_1133] : memref<50x8x128x8x128xf32, #tpu.memory_space<hbm>> -> memref<1x8x1x8x128xf32, #tpu.memory_space<hbm>>
        %dma_wait3A_1135 = tpu.memref_squeeze %dma_wait3A_1134 : memref<1x8x1x8x128xf32, #tpu.memory_space<hbm>> -> memref<8x8x128xf32, #tpu.memory_space<hbm>>
        %dma_wait3A_1136 = arith.constant 0 : i32
        %dma_wait3A_1137 = arith.constant 0 : i32
        %dma_wait3A_1138 = arith.constant 0 : i32
        %dma_wait3A_1139 = tpu.memref_slice %arg7[%dma_wait3A_1120, %dma_wait3A_1136, %dma_wait3A_1137, %dma_wait3A_1138] : memref<2x8x8x129xf32, #tpu.memory_space<vmem>> -> memref<1x8x8x128xf32, #tpu.memory_space<vmem>>
        %dma_wait3A_1140 = tpu.memref_squeeze %dma_wait3A_1139 : memref<1x8x8x128xf32, #tpu.memory_space<vmem>> -> memref<8x8x128xf32, #tpu.memory_space<vmem>>
        tpu.wait_dma2 semaphore(%arg16 : memref<!tpu.dma_semaphore, #tpu.memory_space<semaphore_mem>>) src(%dma_wait3A_1140 : memref<8x8x128xf32, #tpu.memory_space<vmem>>) dst(%dma_wait3A_1135 : memref<8x8x128xf32, #tpu.memory_space<hbm>>)
      } else {
      }
      %parallel_loop3A = arith.constant 0 : i32
      %parallel_loop3A_717 = arith.constant 128 : i32
      %parallel_loop3A_718 = arith.constant 1 : i32
      scf.for %parallel_loop3A_1075 = %parallel_loop3A to %parallel_loop3A_717 step %parallel_loop3A_718  : i32 {
        %parallel_loop3A_1076 = vector.broadcast %parallel_loop3A_1075 : i32 to vector<16xi32>
        %parallel_loop3A_1077 = arith.constant 0 : i32
        %parallel_loop3A_1078 = arith.constant 0 : i32
        %parallel_loop3A_1079 = arith.constant 0 : i32
        %parallel_loop3A_1080 = tpu.memref_slice %arg6[%parallel_loop3A_1077, %parallel_loop3A_1078, %parallel_loop3A_1079] : memref<4x128x128xf32, #tpu.memory_space<vmem>> -> memref<1x128x128xf32, #tpu.memory_space<vmem>>
        %parallel_loop3A_1081 = tpu.memref_squeeze %parallel_loop3A_1080 : memref<1x128x128xf32, #tpu.memory_space<vmem>> -> memref<128x128xf32, #tpu.memory_space<vmem>>
        %parallel_loop3A_1082 = tpu.vector_load_idx %parallel_loop3A_1081[%parallel_loop3A_1076, %add3A_3] : memref<128x128xf32, #tpu.memory_space<vmem>>[vector<16xi32>, vector<16xi32>], vector<16xf32>,
        %parallel_loop3A_1083 = arith.constant 0 : i32
        %parallel_loop3A_1084 = arith.constant 0 : i32
        %parallel_loop3A_1085 = arith.constant 0 : i32
        %parallel_loop3A_1086 = arith.constant 0 : i32
        %parallel_loop3A_1087 = tpu.memref_slice %arg7[%parallel_loop3A_1083, %parallel_loop3A_1084, %parallel_loop3A_1085, %parallel_loop3A_1086] : memref<2x8x8x129xf32, #tpu.memory_space<vmem>> -> memref<1x8x8x129xf32, #tpu.memory_space<vmem>>
        %parallel_loop3A_1088 = tpu.memref_squeeze %parallel_loop3A_1087 : memref<1x8x8x129xf32, #tpu.memory_space<vmem>> -> memref<8x8x129xf32, #tpu.memory_space<vmem>>
        tpu.vector_store_idx %parallel_loop3A_1088[%shift_right_logical3A_14, %and3A_25, %parallel_loop3A_1076], %parallel_loop3A_1082 : memref<8x8x129xf32, #tpu.memory_space<vmem>>[vector<16xi32>, vector<16xi32>, vector<16xi32>], vector<16xf32>,
        %parallel_loop3A_1089 = arith.constant 0 : i32
        %parallel_loop3A_1090 = arith.constant 0 : i32
        %parallel_loop3A_1091 = arith.constant 0 : i32
        %parallel_loop3A_1092 = tpu.memref_slice %arg6[%parallel_loop3A_1089, %parallel_loop3A_1090, %parallel_loop3A_1091] : memref<4x128x128xf32, #tpu.memory_space<vmem>> -> memref<1x128x128xf32, #tpu.memory_space<vmem>>
        %parallel_loop3A_1093 = tpu.memref_squeeze %parallel_loop3A_1092 : memref<1x128x128xf32, #tpu.memory_space<vmem>> -> memref<128x128xf32, #tpu.memory_space<vmem>>
        %parallel_loop3A_1094 = tpu.vector_load_idx %parallel_loop3A_1093[%parallel_loop3A_1076, %add3A_6] : memref<128x128xf32, #tpu.memory_space<vmem>>[vector<16xi32>, vector<16xi32>], vector<16xf32>,
        %parallel_loop3A_1095 = arith.constant 0 : i32
        %parallel_loop3A_1096 = arith.constant 0 : i32
        %parallel_loop3A_1097 = arith.constant 0 : i32
        %parallel_loop3A_1098 = arith.constant 0 : i32
        %parallel_loop3A_1099 = tpu.memref_slice %arg7[%parallel_loop3A_1095, %parallel_loop3A_1096, %parallel_loop3A_1097, %parallel_loop3A_1098] : memref<2x8x8x129xf32, #tpu.memory_space<vmem>> -> memref<1x8x8x129xf32, #tpu.memory_space<vmem>>
        %parallel_loop3A_1100 = tpu.memref_squeeze %parallel_loop3A_1099 : memref<1x8x8x129xf32, #tpu.memory_space<vmem>> -> memref<8x8x129xf32, #tpu.memory_space<vmem>>
        tpu.vector_store_idx %parallel_loop3A_1100[%shift_right_logical3A_17, %and3A_28, %parallel_loop3A_1076], %parallel_loop3A_1094 : memref<8x8x129xf32, #tpu.memory_space<vmem>>[vector<16xi32>, vector<16xi32>, vector<16xi32>], vector<16xf32>,
        %parallel_loop3A_1101 = arith.constant 0 : i32
        %parallel_loop3A_1102 = arith.constant 0 : i32
        %parallel_loop3A_1103 = arith.constant 0 : i32
        %parallel_loop3A_1104 = tpu.memref_slice %arg6[%parallel_loop3A_1101, %parallel_loop3A_1102, %parallel_loop3A_1103] : memref<4x128x128xf32, #tpu.memory_space<vmem>> -> memref<1x128x128xf32, #tpu.memory_space<vmem>>
        %parallel_loop3A_1105 = tpu.memref_squeeze %parallel_loop3A_1104 : memref<1x128x128xf32, #tpu.memory_space<vmem>> -> memref<128x128xf32, #tpu.memory_space<vmem>>
        %parallel_loop3A_1106 = tpu.vector_load_idx %parallel_loop3A_1105[%parallel_loop3A_1076, %add3A_9] : memref<128x128xf32, #tpu.memory_space<vmem>>[vector<16xi32>, vector<16xi32>], vector<16xf32>,
        %parallel_loop3A_1107 = arith.constant 0 : i32
        %parallel_loop3A_1108 = arith.constant 0 : i32
        %parallel_loop3A_1109 = arith.constant 0 : i32
        %parallel_loop3A_1110 = arith.constant 0 : i32
        %parallel_loop3A_1111 = tpu.memref_slice %arg7[%parallel_loop3A_1107, %parallel_loop3A_1108, %parallel_loop3A_1109, %parallel_loop3A_1110] : memref<2x8x8x129xf32, #tpu.memory_space<vmem>> -> memref<1x8x8x129xf32, #tpu.memory_space<vmem>>
        %parallel_loop3A_1112 = tpu.memref_squeeze %parallel_loop3A_1111 : memref<1x8x8x129xf32, #tpu.memory_space<vmem>> -> memref<8x8x129xf32, #tpu.memory_space<vmem>>
        tpu.vector_store_idx %parallel_loop3A_1112[%shift_right_logical3A_20, %and3A_31, %parallel_loop3A_1076], %parallel_loop3A_1106 : memref<8x8x129xf32, #tpu.memory_space<vmem>>[vector<16xi32>, vector<16xi32>, vector<16xi32>], vector<16xf32>,
        %parallel_loop3A_1113 = arith.constant 0 : i32
        %parallel_loop3A_1114 = arith.constant 0 : i32
        %parallel_loop3A_1115 = arith.constant 0 : i32
        %parallel_loop3A_1116 = tpu.memref_slice %arg6[%parallel_loop3A_1113, %parallel_loop3A_1114, %parallel_loop3A_1115] : memref<4x128x128xf32, #tpu.memory_space<vmem>> -> memref<1x128x128xf32, #tpu.memory_space<vmem>>
        %parallel_loop3A_1117 = tpu.memref_squeeze %parallel_loop3A_1116 : memref<1x128x128xf32, #tpu.memory_space<vmem>> -> memref<128x128xf32, #tpu.memory_space<vmem>>
        %parallel_loop3A_1118 = tpu.vector_load_idx %parallel_loop3A_1117[%parallel_loop3A_1076, %add3A_12] : memref<128x128xf32, #tpu.memory_space<vmem>>[vector<16xi32>, vector<16xi32>], vector<16xf32>,
        %parallel_loop3A_1119 = arith.constant 0 : i32
        %parallel_loop3A_1120 = arith.constant 0 : i32
        %parallel_loop3A_1121 = arith.constant 0 : i32
        %parallel_loop3A_1122 = arith.constant 0 : i32
        %parallel_loop3A_1123 = tpu.memref_slice %arg7[%parallel_loop3A_1119, %parallel_loop3A_1120, %parallel_loop3A_1121, %parallel_loop3A_1122] : memref<2x8x8x129xf32, #tpu.memory_space<vmem>> -> memref<1x8x8x129xf32, #tpu.memory_space<vmem>>
        %parallel_loop3A_1124 = tpu.memref_squeeze %parallel_loop3A_1123 : memref<1x8x8x129xf32, #tpu.memory_space<vmem>> -> memref<8x8x129xf32, #tpu.memory_space<vmem>>
        tpu.vector_store_idx %parallel_loop3A_1124[%shift_right_logical3A_23, %and3A_34, %parallel_loop3A_1076], %parallel_loop3A_1118 : memref<8x8x129xf32, #tpu.memory_space<vmem>>[vector<16xi32>, vector<16xi32>, vector<16xi32>], vector<16xf32>,
      } {sc.loop_unroll_factor = 16 : i64, sc.parallel_access}
      %mul3A_719 = arith.constant 32 : i32
      %mul3A_720 = arith.muli %add3A_702, %mul3A_719 : i32
      %add3A_721 = arith.addi %add3A, %mul3A_720 : i32
      %jit3A_722 = arith.constant 128 : i32
      %div3A_723 = arith.divsi %add3A_721, %jit3A_722 : i32
      %sign3A_724 = arith.constant 0 : i32
      %sign3A_725 = arith.cmpi sgt, %add3A_721, %sign3A_724 : i32
      %sign3A_726 = arith.extui %sign3A_725 : i1 to i32
      %sign3A_727 = arith.constant 0 : i32
      %sign3A_728 = arith.cmpi slt, %add3A_721, %sign3A_727 : i32
      %sign3A_729 = arith.extui %sign3A_728 : i1 to i32
      %sign3A_730 = arith.subi %sign3A_726, %sign3A_729 : i32
      %sign3A_731 = arith.constant 0 : i32
      %sign3A_732 = arith.cmpi sgt, %jit3A_722, %sign3A_731 : i32
      %sign3A_733 = arith.extui %sign3A_732 : i1 to i32
      %sign3A_734 = arith.constant 0 : i32
      %sign3A_735 = arith.cmpi slt, %jit3A_722, %sign3A_734 : i32
      %sign3A_736 = arith.extui %sign3A_735 : i1 to i32
      %sign3A_737 = arith.subi %sign3A_733, %sign3A_736 : i32
      %ne3A_738 = arith.cmpi ne, %sign3A_730, %sign3A_737 : i32
      %rem3A_739 = arith.remsi %add3A_721, %jit3A_722 : i32
      %ne3A_740 = arith.constant 0 : i32
      %ne3A_741 = arith.cmpi ne, %rem3A_739, %ne3A_740 : i32
      %and3A_742 = arith.andi %ne3A_738, %ne3A_741 : i1
      %sub3A_743 = arith.constant 1 : i32
      %sub3A_744 = arith.subi %div3A_723, %sub3A_743 : i32
      %select_n3A_745 = arith.select %and3A_742, %sub3A_744, %div3A_723 : i32
      %jit3A_746 = arith.constant 128 : i32
      %eq3A_747 = arith.constant 0 : i32
      %eq3A_748 = arith.cmpi eq, %jit3A_746, %eq3A_747 : i32
      %jit3A_749 = arith.constant 1 : i32
      %select_n3A_750 = arith.select %eq3A_748, %jit3A_749, %jit3A_746 : i32
      %rem3A_751 = arith.remsi %add3A_721, %select_n3A_750 : i32
      %ne3A_752 = arith.constant 0 : i32
      %ne3A_753 = arith.cmpi ne, %rem3A_751, %ne3A_752 : i32
      %lt3A_754 = arith.constant 0 : i32
      %lt3A_755 = arith.cmpi slt, %rem3A_751, %lt3A_754 : i32
      %lt3A_756 = arith.constant 0 : i32
      %lt3A_757 = arith.cmpi slt, %select_n3A_750, %lt3A_756 : i32
      %ne3A_758 = arith.xori %lt3A_755, %lt3A_757 : i1
      %and3A_759 = arith.andi %ne3A_758, %ne3A_753 : i1
      %add3A_760 = arith.addi %rem3A_751, %select_n3A_750 : i32
      %select_n3A_761 = arith.select %and3A_759, %add3A_760, %rem3A_751 : i32
      %dma_start3A_762 = arith.constant 0 : i32
      %dma_start3A_763 = arith.constant 0 : i32
      %dma_start3A_764 = arith.constant 0 : i32
      %dma_start3A_765 = arith.constant 0 : i32
      %dma_start3A_766 = tpu.memref_slice %arg7[%dma_start3A_762, %dma_start3A_763, %dma_start3A_764, %dma_start3A_765] : memref<2x8x8x129xf32, #tpu.memory_space<vmem>> -> memref<1x8x8x128xf32, #tpu.memory_space<vmem>>
      %dma_start3A_767 = tpu.memref_squeeze %dma_start3A_766 : memref<1x8x8x128xf32, #tpu.memory_space<vmem>> -> memref<8x8x128xf32, #tpu.memory_space<vmem>>
      %dma_start3A_768 = arith.constant 0 : i32
      %dma_start3A_769 = arith.constant 0 : i32
      %dma_start3A_770 = arith.constant 0 : i32
      %dma_start3A_771 = tpu.memref_slice %arg4[%select_n3A_745, %dma_start3A_768, %select_n3A_761, %dma_start3A_769, %dma_start3A_770] : memref<50x8x128x8x128xf32, #tpu.memory_space<hbm>> -> memref<1x8x1x8x128xf32, #tpu.memory_space<hbm>>
      %dma_start3A_772 = tpu.memref_squeeze %dma_start3A_771 : memref<1x8x1x8x128xf32, #tpu.memory_space<hbm>> -> memref<8x8x128xf32, #tpu.memory_space<hbm>>
      %dma_start3A_773 = arith.constant 0 : i32
      %dma_start3A_774 = arith.constant 0 : i32
      %dma_start3A_775 = arith.constant 0 : i32
      %dma_start3A_776 = tpu.memref_slice %arg4[%select_n3A_745, %dma_start3A_773, %select_n3A_761, %dma_start3A_774, %dma_start3A_775] : memref<50x8x128x8x128xf32, #tpu.memory_space<hbm>> -> memref<1x8x1x8x128xf32, #tpu.memory_space<hbm>>
      %dma_start3A_777 = tpu.memref_squeeze %dma_start3A_776 : memref<1x8x1x8x128xf32, #tpu.memory_space<hbm>> -> memref<8x8x128xf32, #tpu.memory_space<hbm>>
      %dma_start3A_778 = arith.constant 0 : i32
      %dma_start3A_779 = arith.constant 0 : i32
      %dma_start3A_780 = arith.constant 0 : i32
      %dma_start3A_781 = tpu.memref_slice %arg7[%dma_start3A_762, %dma_start3A_778, %dma_start3A_779, %dma_start3A_780] : memref<2x8x8x129xf32, #tpu.memory_space<vmem>> -> memref<1x8x8x128xf32, #tpu.memory_space<vmem>>
      %dma_start3A_782 = tpu.memref_squeeze %dma_start3A_781 : memref<1x8x8x128xf32, #tpu.memory_space<vmem>> -> memref<8x8x128xf32, #tpu.memory_space<vmem>>
      tpu.enqueue_dma source(%dma_start3A_782 : memref<8x8x128xf32, #tpu.memory_space<vmem>>) target(%dma_start3A_777 : memref<8x8x128xf32, #tpu.memory_space<hbm>>) target_semaphore(%arg16 : memref<!tpu.dma_semaphore, #tpu.memory_space<semaphore_mem>>)
      %add3A_783 = arith.constant 4 : i32
      %add3A_784 = arith.addi %add3A_702, %add3A_783 : i32
      %lt3A_785 = arith.constant 200 : i32
      %lt3A_786 = arith.cmpi slt, %add3A_784, %lt3A_785 : i32
      %convert_element_type3A_787 = arith.extui %lt3A_786 : i1 to i32
      %cond3A_788 = arith.constant 0 : i32
      %cond3A_789 = arith.cmpi ne, %convert_element_type3A_787, %cond3A_788 : i32
      scf.if %cond3A_789 {
        %add3A_1075 = arith.constant 4 : i32
        %add3A_1076 = arith.addi %add3A_702, %add3A_1075 : i32
        %mul3A_1077 = arith.constant 32 : i32
        %mul3A_1078 = arith.muli %add3A_1076, %mul3A_1077 : i32
        %add3A_1079 = arith.addi %add3A, %mul3A_1078 : i32
        %jit3A_1080 = arith.constant 128 : i32
        %div3A_1081 = arith.divsi %add3A_1079, %jit3A_1080 : i32
        %sign3A_1082 = arith.constant 0 : i32
        %sign3A_1083 = arith.cmpi sgt, %add3A_1079, %sign3A_1082 : i32
        %sign3A_1084 = arith.extui %sign3A_1083 : i1 to i32
        %sign3A_1085 = arith.constant 0 : i32
        %sign3A_1086 = arith.cmpi slt, %add3A_1079, %sign3A_1085 : i32
        %sign3A_1087 = arith.extui %sign3A_1086 : i1 to i32
        %sign3A_1088 = arith.subi %sign3A_1084, %sign3A_1087 : i32
        %sign3A_1089 = arith.constant 0 : i32
        %sign3A_1090 = arith.cmpi sgt, %jit3A_1080, %sign3A_1089 : i32
        %sign3A_1091 = arith.extui %sign3A_1090 : i1 to i32
        %sign3A_1092 = arith.constant 0 : i32
        %sign3A_1093 = arith.cmpi slt, %jit3A_1080, %sign3A_1092 : i32
        %sign3A_1094 = arith.extui %sign3A_1093 : i1 to i32
        %sign3A_1095 = arith.subi %sign3A_1091, %sign3A_1094 : i32
        %ne3A_1096 = arith.cmpi ne, %sign3A_1088, %sign3A_1095 : i32
        %rem3A_1097 = arith.remsi %add3A_1079, %jit3A_1080 : i32
        %ne3A_1098 = arith.constant 0 : i32
        %ne3A_1099 = arith.cmpi ne, %rem3A_1097, %ne3A_1098 : i32
        %and3A_1100 = arith.andi %ne3A_1096, %ne3A_1099 : i1
        %sub3A_1101 = arith.constant 1 : i32
        %sub3A_1102 = arith.subi %div3A_1081, %sub3A_1101 : i32
        %select_n3A_1103 = arith.select %and3A_1100, %sub3A_1102, %div3A_1081 : i32
        %jit3A_1104 = arith.constant 128 : i32
        %eq3A_1105 = arith.constant 0 : i32
        %eq3A_1106 = arith.cmpi eq, %jit3A_1104, %eq3A_1105 : i32
        %jit3A_1107 = arith.constant 1 : i32
        %select_n3A_1108 = arith.select %eq3A_1106, %jit3A_1107, %jit3A_1104 : i32
        %rem3A_1109 = arith.remsi %add3A_1079, %select_n3A_1108 : i32
        %ne3A_1110 = arith.constant 0 : i32
        %ne3A_1111 = arith.cmpi ne, %rem3A_1109, %ne3A_1110 : i32
        %lt3A_1112 = arith.constant 0 : i32
        %lt3A_1113 = arith.cmpi slt, %rem3A_1109, %lt3A_1112 : i32
        %lt3A_1114 = arith.constant 0 : i32
        %lt3A_1115 = arith.cmpi slt, %select_n3A_1108, %lt3A_1114 : i32
        %ne3A_1116 = arith.xori %lt3A_1113, %lt3A_1115 : i1
        %and3A_1117 = arith.andi %ne3A_1116, %ne3A_1111 : i1
        %add3A_1118 = arith.addi %rem3A_1109, %select_n3A_1108 : i32
        %select_n3A_1119 = arith.select %and3A_1117, %add3A_1118, %rem3A_1109 : i32
        %mul3A_1120 = arith.constant 128 : i32
        %mul3A_1121 = arith.muli %select_n3A_1119, %mul3A_1120 : i32
        %dma_wait3A_1122 = arith.constant 0 : i32
        %dma_wait3A_1123 = arith.constant 0 : i32
        %dma_wait3A_1124 = tpu.memref_slice %arg5[%dma_wait3A_1122, %dma_wait3A_1123] : memref<4x128xi32, #tpu.memory_space<vmem>> -> memref<1x128xi32, #tpu.memory_space<vmem>>
        %dma_wait3A_1125 = tpu.memref_squeeze %dma_wait3A_1124 : memref<1x128xi32, #tpu.memory_space<vmem>> -> memref<128xi32, #tpu.memory_space<vmem>>
        %dma_wait3A_1126 = tpu.memref_slice %arg3[%select_n3A_1103, %mul3A_1121] : memref<50x16384xi32, #tpu.memory_space<hbm>> -> memref<1x128xi32, #tpu.memory_space<hbm>>
        %dma_wait3A_1127 = tpu.memref_squeeze %dma_wait3A_1126 : memref<1x128xi32, #tpu.memory_space<hbm>> -> memref<128xi32, #tpu.memory_space<hbm>>
        %dma_wait3A_1128 = arith.constant 0 : i32
        %dma_wait3A_1129 = tpu.memref_slice %arg5[%dma_wait3A_1122, %dma_wait3A_1128] : memref<4x128xi32, #tpu.memory_space<vmem>> -> memref<1x128xi32, #tpu.memory_space<vmem>>
        %dma_wait3A_1130 = tpu.memref_squeeze %dma_wait3A_1129 : memref<1x128xi32, #tpu.memory_space<vmem>> -> memref<128xi32, #tpu.memory_space<vmem>>
        %dma_wait3A_1131 = tpu.memref_slice %arg3[%select_n3A_1103, %mul3A_1121] : memref<50x16384xi32, #tpu.memory_space<hbm>> -> memref<1x128xi32, #tpu.memory_space<hbm>>
        %dma_wait3A_1132 = tpu.memref_squeeze %dma_wait3A_1131 : memref<1x128xi32, #tpu.memory_space<hbm>> -> memref<128xi32, #tpu.memory_space<hbm>>
        tpu.wait_dma2 semaphore(%arg8 : memref<!tpu.dma_semaphore, #tpu.memory_space<semaphore_mem>>) src(%dma_wait3A_1132 : memref<128xi32, #tpu.memory_space<hbm>>) dst(%dma_wait3A_1130 : memref<128xi32, #tpu.memory_space<vmem>>)
        %dma_start3A_1133 = arith.constant 0 : i32
        %dma_start3A_1134 = arith.constant 0 : i32
        %dma_start3A_1135 = arith.constant 0 : i32
        %dma_start3A_1136 = arith.constant 0 : i32
        %dma_start3A_1137 = tpu.memref_slice %arg6[%dma_start3A_1134, %dma_start3A_1135, %dma_start3A_1136] : memref<4x128x128xf32, #tpu.memory_space<vmem>> -> memref<1x128x128xf32, #tpu.memory_space<vmem>>
        %dma_start3A_1138 = tpu.memref_squeeze %dma_start3A_1137 : memref<1x128x128xf32, #tpu.memory_space<vmem>> -> memref<128x128xf32, #tpu.memory_space<vmem>>
        %dma_start3A_1139 = arith.constant 0 : i32
        %dma_start3A_1140 = tpu.memref_slice %arg5[%dma_start3A_1133, %dma_start3A_1139] : memref<4x128xi32, #tpu.memory_space<vmem>> -> memref<1x128xi32, #tpu.memory_space<vmem>>
        %dma_start3A_1141 = tpu.memref_squeeze %dma_start3A_1140 : memref<1x128xi32, #tpu.memory_space<vmem>> -> memref<128xi32, #tpu.memory_space<vmem>>
        %dma_start3A_1142 = arith.constant 0 : i32
        %dma_start3A_1143 = arith.constant 0 : i32
        %dma_start3A_1144 = tpu.memref_slice %arg2[%dma_start3A_1142, %dma_start3A_1143] : memref<1000000x128xf32, #tpu.memory_space<hbm>> -> memref<1000000x128xf32, #tpu.memory_space<hbm>>
        tpu.enqueue_indirect_dma source(%dma_start3A_1144 : memref<1000000x128xf32, #tpu.memory_space<hbm>>) target(%dma_start3A_1138 : memref<128x128xf32, #tpu.memory_space<vmem>>) offsets(%dma_start3A_1141 : memref<128xi32, #tpu.memory_space<vmem>>) semaphore(%arg12 : memref<!tpu.dma_semaphore, #tpu.memory_space<semaphore_mem>>)
        %add3A_1145 = arith.constant 4 : i32
        %add3A_1146 = arith.addi %add3A_702, %add3A_1145 : i32
        %add3A_1147 = arith.constant 1 : i32
        %add3A_1148 = arith.addi %add3A_1146, %add3A_1147 : i32
        %lt3A_1149 = arith.constant 200 : i32
        %lt3A_1150 = arith.cmpi slt, %add3A_1148, %lt3A_1149 : i32
        %convert_element_type3A_1151 = arith.extui %lt3A_1150 : i1 to i32
        %cond3A_1152 = arith.constant 0 : i32
        %cond3A_1153 = arith.cmpi ne, %convert_element_type3A_1151, %cond3A_1152 : i32
        scf.if %cond3A_1153 {
          %add3A_1154 = arith.constant 4 : i32
          %add3A_1155 = arith.addi %add3A_702, %add3A_1154 : i32
          %add3A_1156 = arith.constant 1 : i32
          %add3A_1157 = arith.addi %add3A_1155, %add3A_1156 : i32
          %mul3A_1158 = arith.constant 32 : i32
          %mul3A_1159 = arith.muli %add3A_1157, %mul3A_1158 : i32
          %add3A_1160 = arith.addi %add3A, %mul3A_1159 : i32
          %jit3A_1161 = arith.constant 128 : i32
          %div3A_1162 = arith.divsi %add3A_1160, %jit3A_1161 : i32
          %sign3A_1163 = arith.constant 0 : i32
          %sign3A_1164 = arith.cmpi sgt, %add3A_1160, %sign3A_1163 : i32
          %sign3A_1165 = arith.extui %sign3A_1164 : i1 to i32
          %sign3A_1166 = arith.constant 0 : i32
          %sign3A_1167 = arith.cmpi slt, %add3A_1160, %sign3A_1166 : i32
          %sign3A_1168 = arith.extui %sign3A_1167 : i1 to i32
          %sign3A_1169 = arith.subi %sign3A_1165, %sign3A_1168 : i32
          %sign3A_1170 = arith.constant 0 : i32
          %sign3A_1171 = arith.cmpi sgt, %jit3A_1161, %sign3A_1170 : i32
          %sign3A_1172 = arith.extui %sign3A_1171 : i1 to i32
          %sign3A_1173 = arith.constant 0 : i32
          %sign3A_1174 = arith.cmpi slt, %jit3A_1161, %sign3A_1173 : i32
          %sign3A_1175 = arith.extui %sign3A_1174 : i1 to i32
          %sign3A_1176 = arith.subi %sign3A_1172, %sign3A_1175 : i32
          %ne3A_1177 = arith.cmpi ne, %sign3A_1169, %sign3A_1176 : i32
          %rem3A_1178 = arith.remsi %add3A_1160, %jit3A_1161 : i32
          %ne3A_1179 = arith.constant 0 : i32
          %ne3A_1180 = arith.cmpi ne, %rem3A_1178, %ne3A_1179 : i32
          %and3A_1181 = arith.andi %ne3A_1177, %ne3A_1180 : i1
          %sub3A_1182 = arith.constant 1 : i32
          %sub3A_1183 = arith.subi %div3A_1162, %sub3A_1182 : i32
          %select_n3A_1184 = arith.select %and3A_1181, %sub3A_1183, %div3A_1162 : i32
          %jit3A_1185 = arith.constant 128 : i32
          %eq3A_1186 = arith.constant 0 : i32
          %eq3A_1187 = arith.cmpi eq, %jit3A_1185, %eq3A_1186 : i32
          %jit3A_1188 = arith.constant 1 : i32
          %select_n3A_1189 = arith.select %eq3A_1187, %jit3A_1188, %jit3A_1185 : i32
          %rem3A_1190 = arith.remsi %add3A_1160, %select_n3A_1189 : i32
          %ne3A_1191 = arith.constant 0 : i32
          %ne3A_1192 = arith.cmpi ne, %rem3A_1190, %ne3A_1191 : i32
          %lt3A_1193 = arith.constant 0 : i32
          %lt3A_1194 = arith.cmpi slt, %rem3A_1190, %lt3A_1193 : i32
          %lt3A_1195 = arith.constant 0 : i32
          %lt3A_1196 = arith.cmpi slt, %select_n3A_1189, %lt3A_1195 : i32
          %ne3A_1197 = arith.xori %lt3A_1194, %lt3A_1196 : i1
          %and3A_1198 = arith.andi %ne3A_1197, %ne3A_1192 : i1
          %add3A_1199 = arith.addi %rem3A_1190, %select_n3A_1189 : i32
          %select_n3A_1200 = arith.select %and3A_1198, %add3A_1199, %rem3A_1190 : i32
          %mul3A_1201 = arith.constant 128 : i32
          %mul3A_1202 = arith.muli %select_n3A_1200, %mul3A_1201 : i32
          %dma_start3A_1203 = arith.constant 1 : i32
          %dma_start3A_1204 = arith.constant 0 : i32
          %dma_start3A_1205 = tpu.memref_slice %arg5[%dma_start3A_1203, %dma_start3A_1204] : memref<4x128xi32, #tpu.memory_space<vmem>> -> memref<1x128xi32, #tpu.memory_space<vmem>>
          %dma_start3A_1206 = tpu.memref_squeeze %dma_start3A_1205 : memref<1x128xi32, #tpu.memory_space<vmem>> -> memref<128xi32, #tpu.memory_space<vmem>>
          %dma_start3A_1207 = tpu.memref_slice %arg3[%select_n3A_1184, %mul3A_1202] : memref<50x16384xi32, #tpu.memory_space<hbm>> -> memref<1x128xi32, #tpu.memory_space<hbm>>
          %dma_start3A_1208 = tpu.memref_squeeze %dma_start3A_1207 : memref<1x128xi32, #tpu.memory_space<hbm>> -> memref<128xi32, #tpu.memory_space<hbm>>
          %dma_start3A_1209 = arith.constant 0 : i32
          %dma_start3A_1210 = tpu.memref_slice %arg5[%dma_start3A_1203, %dma_start3A_1209] : memref<4x128xi32, #tpu.memory_space<vmem>> -> memref<1x128xi32, #tpu.memory_space<vmem>>
          %dma_start3A_1211 = tpu.memref_squeeze %dma_start3A_1210 : memref<1x128xi32, #tpu.memory_space<vmem>> -> memref<128xi32, #tpu.memory_space<vmem>>
          %dma_start3A_1212 = tpu.memref_slice %arg3[%select_n3A_1184, %mul3A_1202] : memref<50x16384xi32, #tpu.memory_space<hbm>> -> memref<1x128xi32, #tpu.memory_space<hbm>>
          %dma_start3A_1213 = tpu.memref_squeeze %dma_start3A_1212 : memref<1x128xi32, #tpu.memory_space<hbm>> -> memref<128xi32, #tpu.memory_space<hbm>>
          tpu.enqueue_dma source(%dma_start3A_1213 : memref<128xi32, #tpu.memory_space<hbm>>) target(%dma_start3A_1211 : memref<128xi32, #tpu.memory_space<vmem>>) target_semaphore(%arg9 : memref<!tpu.dma_semaphore, #tpu.memory_space<semaphore_mem>>)
        } else {
        }
      } else {
      }
      %mul3A_790 = arith.constant 4 : i32
      %mul3A_791 = arith.muli %mul3A_790, %scan3A_698 : i32
      %add3A_792 = arith.constant 1 : i32
      %add3A_793 = arith.addi %mul3A_791, %add3A_792 : i32
      %dma_wait3A_794 = arith.constant 1 : i32
      %dma_wait3A_795 = arith.constant 1 : i32
      %dma_wait3A_796 = arith.constant 0 : i32
      %dma_wait3A_797 = arith.constant 0 : i32
      %dma_wait3A_798 = tpu.memref_slice %arg6[%dma_wait3A_795, %dma_wait3A_796, %dma_wait3A_797] : memref<4x128x128xf32, #tpu.memory_space<vmem>> -> memref<1x128x128xf32, #tpu.memory_space<vmem>>
      %dma_wait3A_799 = tpu.memref_squeeze %dma_wait3A_798 : memref<1x128x128xf32, #tpu.memory_space<vmem>> -> memref<128x128xf32, #tpu.memory_space<vmem>>
      %dma_wait3A_800 = arith.constant 0 : i32
      %dma_wait3A_801 = tpu.memref_slice %arg5[%dma_wait3A_794, %dma_wait3A_800] : memref<4x128xi32, #tpu.memory_space<vmem>> -> memref<1x128xi32, #tpu.memory_space<vmem>>
      %dma_wait3A_802 = tpu.memref_squeeze %dma_wait3A_801 : memref<1x128xi32, #tpu.memory_space<vmem>> -> memref<128xi32, #tpu.memory_space<vmem>>
      %dma_wait3A_803 = arith.constant 0 : i32
      %dma_wait3A_804 = arith.constant 0 : i32
      %dma_wait3A_805 = tpu.memref_slice %arg2[%dma_wait3A_803, %dma_wait3A_804] : memref<1000000x128xf32, #tpu.memory_space<hbm>> -> memref<1000000x128xf32, #tpu.memory_space<hbm>>
      tpu.wait_indirect_dma semaphore(%arg13 : memref<!tpu.dma_semaphore, #tpu.memory_space<semaphore_mem>>) src(%dma_wait3A_805 : memref<1000000x128xf32, #tpu.memory_space<hbm>>) dst(%dma_wait3A_799 : memref<128x128xf32, #tpu.memory_space<vmem>>)
      %ge3A_806 = arith.constant 2 : i32
      %ge3A_807 = arith.cmpi sge, %add3A_793, %ge3A_806 : i32
      %convert_element_type3A_808 = arith.extui %ge3A_807 : i1 to i32
      %cond3A_809 = arith.constant 0 : i32
      %cond3A_810 = arith.cmpi ne, %convert_element_type3A_808, %cond3A_809 : i32
      scf.if %cond3A_810 {
        %sub3A_1075 = arith.constant 2 : i32
        %sub3A_1076 = arith.subi %add3A_793, %sub3A_1075 : i32
        %mul3A_1077 = arith.constant 32 : i32
        %mul3A_1078 = arith.muli %sub3A_1076, %mul3A_1077 : i32
        %add3A_1079 = arith.addi %add3A, %mul3A_1078 : i32
        %jit3A_1080 = arith.constant 128 : i32
        %div3A_1081 = arith.divsi %add3A_1079, %jit3A_1080 : i32
        %sign3A_1082 = arith.constant 0 : i32
        %sign3A_1083 = arith.cmpi sgt, %add3A_1079, %sign3A_1082 : i32
        %sign3A_1084 = arith.extui %sign3A_1083 : i1 to i32
        %sign3A_1085 = arith.constant 0 : i32
        %sign3A_1086 = arith.cmpi slt, %add3A_1079, %sign3A_1085 : i32
        %sign3A_1087 = arith.extui %sign3A_1086 : i1 to i32
        %sign3A_1088 = arith.subi %sign3A_1084, %sign3A_1087 : i32
        %sign3A_1089 = arith.constant 0 : i32
        %sign3A_1090 = arith.cmpi sgt, %jit3A_1080, %sign3A_1089 : i32
        %sign3A_1091 = arith.extui %sign3A_1090 : i1 to i32
        %sign3A_1092 = arith.constant 0 : i32
        %sign3A_1093 = arith.cmpi slt, %jit3A_1080, %sign3A_1092 : i32
        %sign3A_1094 = arith.extui %sign3A_1093 : i1 to i32
        %sign3A_1095 = arith.subi %sign3A_1091, %sign3A_1094 : i32
        %ne3A_1096 = arith.cmpi ne, %sign3A_1088, %sign3A_1095 : i32
        %rem3A_1097 = arith.remsi %add3A_1079, %jit3A_1080 : i32
        %ne3A_1098 = arith.constant 0 : i32
        %ne3A_1099 = arith.cmpi ne, %rem3A_1097, %ne3A_1098 : i32
        %and3A_1100 = arith.andi %ne3A_1096, %ne3A_1099 : i1
        %sub3A_1101 = arith.constant 1 : i32
        %sub3A_1102 = arith.subi %div3A_1081, %sub3A_1101 : i32
        %select_n3A_1103 = arith.select %and3A_1100, %sub3A_1102, %div3A_1081 : i32
        %jit3A_1104 = arith.constant 128 : i32
        %eq3A_1105 = arith.constant 0 : i32
        %eq3A_1106 = arith.cmpi eq, %jit3A_1104, %eq3A_1105 : i32
        %jit3A_1107 = arith.constant 1 : i32
        %select_n3A_1108 = arith.select %eq3A_1106, %jit3A_1107, %jit3A_1104 : i32
        %rem3A_1109 = arith.remsi %add3A_1079, %select_n3A_1108 : i32
        %ne3A_1110 = arith.constant 0 : i32
        %ne3A_1111 = arith.cmpi ne, %rem3A_1109, %ne3A_1110 : i32
        %lt3A_1112 = arith.constant 0 : i32
        %lt3A_1113 = arith.cmpi slt, %rem3A_1109, %lt3A_1112 : i32
        %lt3A_1114 = arith.constant 0 : i32
        %lt3A_1115 = arith.cmpi slt, %select_n3A_1108, %lt3A_1114 : i32
        %ne3A_1116 = arith.xori %lt3A_1113, %lt3A_1115 : i1
        %and3A_1117 = arith.andi %ne3A_1116, %ne3A_1111 : i1
        %add3A_1118 = arith.addi %rem3A_1109, %select_n3A_1108 : i32
        %select_n3A_1119 = arith.select %and3A_1117, %add3A_1118, %rem3A_1109 : i32
        %dma_wait3A_1120 = arith.constant 1 : i32
        %dma_wait3A_1121 = arith.constant 0 : i32
        %dma_wait3A_1122 = arith.constant 0 : i32
        %dma_wait3A_1123 = arith.constant 0 : i32
        %dma_wait3A_1124 = tpu.memref_slice %arg7[%dma_wait3A_1120, %dma_wait3A_1121, %dma_wait3A_1122, %dma_wait3A_1123] : memref<2x8x8x129xf32, #tpu.memory_space<vmem>> -> memref<1x8x8x128xf32, #tpu.memory_space<vmem>>
        %dma_wait3A_1125 = tpu.memref_squeeze %dma_wait3A_1124 : memref<1x8x8x128xf32, #tpu.memory_space<vmem>> -> memref<8x8x128xf32, #tpu.memory_space<vmem>>
        %dma_wait3A_1126 = arith.constant 0 : i32
        %dma_wait3A_1127 = arith.constant 0 : i32
        %dma_wait3A_1128 = arith.constant 0 : i32
        %dma_wait3A_1129 = tpu.memref_slice %arg4[%select_n3A_1103, %dma_wait3A_1126, %select_n3A_1119, %dma_wait3A_1127, %dma_wait3A_1128] : memref<50x8x128x8x128xf32, #tpu.memory_space<hbm>> -> memref<1x8x1x8x128xf32, #tpu.memory_space<hbm>>
        %dma_wait3A_1130 = tpu.memref_squeeze %dma_wait3A_1129 : memref<1x8x1x8x128xf32, #tpu.memory_space<hbm>> -> memref<8x8x128xf32, #tpu.memory_space<hbm>>
        %dma_wait3A_1131 = arith.constant 0 : i32
        %dma_wait3A_1132 = arith.constant 0 : i32
        %dma_wait3A_1133 = arith.constant 0 : i32
        %dma_wait3A_1134 = tpu.memref_slice %arg4[%select_n3A_1103, %dma_wait3A_1131, %select_n3A_1119, %dma_wait3A_1132, %dma_wait3A_1133] : memref<50x8x128x8x128xf32, #tpu.memory_space<hbm>> -> memref<1x8x1x8x128xf32, #tpu.memory_space<hbm>>
        %dma_wait3A_1135 = tpu.memref_squeeze %dma_wait3A_1134 : memref<1x8x1x8x128xf32, #tpu.memory_space<hbm>> -> memref<8x8x128xf32, #tpu.memory_space<hbm>>
        %dma_wait3A_1136 = arith.constant 0 : i32
        %dma_wait3A_1137 = arith.constant 0 : i32
        %dma_wait3A_1138 = arith.constant 0 : i32
        %dma_wait3A_1139 = tpu.memref_slice %arg7[%dma_wait3A_1120, %dma_wait3A_1136, %dma_wait3A_1137, %dma_wait3A_1138] : memref<2x8x8x129xf32, #tpu.memory_space<vmem>> -> memref<1x8x8x128xf32, #tpu.memory_space<vmem>>
        %dma_wait3A_1140 = tpu.memref_squeeze %dma_wait3A_1139 : memref<1x8x8x128xf32, #tpu.memory_space<vmem>> -> memref<8x8x128xf32, #tpu.memory_space<vmem>>
        tpu.wait_dma2 semaphore(%arg17 : memref<!tpu.dma_semaphore, #tpu.memory_space<semaphore_mem>>) src(%dma_wait3A_1140 : memref<8x8x128xf32, #tpu.memory_space<vmem>>) dst(%dma_wait3A_1135 : memref<8x8x128xf32, #tpu.memory_space<hbm>>)
      } else {
      }
      %parallel_loop3A_811 = arith.constant 0 : i32
      %parallel_loop3A_812 = arith.constant 128 : i32
      %parallel_loop3A_813 = arith.constant 1 : i32
      scf.for %parallel_loop3A_1075 = %parallel_loop3A_811 to %parallel_loop3A_812 step %parallel_loop3A_813  : i32 {
        %parallel_loop3A_1076 = vector.broadcast %parallel_loop3A_1075 : i32 to vector<16xi32>
        %parallel_loop3A_1077 = arith.constant 1 : i32
        %parallel_loop3A_1078 = arith.constant 0 : i32
        %parallel_loop3A_1079 = arith.constant 0 : i32
        %parallel_loop3A_1080 = tpu.memref_slice %arg6[%parallel_loop3A_1077, %parallel_loop3A_1078, %parallel_loop3A_1079] : memref<4x128x128xf32, #tpu.memory_space<vmem>> -> memref<1x128x128xf32, #tpu.memory_space<vmem>>
        %parallel_loop3A_1081 = tpu.memref_squeeze %parallel_loop3A_1080 : memref<1x128x128xf32, #tpu.memory_space<vmem>> -> memref<128x128xf32, #tpu.memory_space<vmem>>
        %parallel_loop3A_1082 = tpu.vector_load_idx %parallel_loop3A_1081[%parallel_loop3A_1076, %add3A_3] : memref<128x128xf32, #tpu.memory_space<vmem>>[vector<16xi32>, vector<16xi32>], vector<16xf32>,
        %parallel_loop3A_1083 = arith.constant 1 : i32
        %parallel_loop3A_1084 = arith.constant 0 : i32
        %parallel_loop3A_1085 = arith.constant 0 : i32
        %parallel_loop3A_1086 = arith.constant 0 : i32
        %parallel_loop3A_1087 = tpu.memref_slice %arg7[%parallel_loop3A_1083, %parallel_loop3A_1084, %parallel_loop3A_1085, %parallel_loop3A_1086] : memref<2x8x8x129xf32, #tpu.memory_space<vmem>> -> memref<1x8x8x129xf32, #tpu.memory_space<vmem>>
        %parallel_loop3A_1088 = tpu.memref_squeeze %parallel_loop3A_1087 : memref<1x8x8x129xf32, #tpu.memory_space<vmem>> -> memref<8x8x129xf32, #tpu.memory_space<vmem>>
        tpu.vector_store_idx %parallel_loop3A_1088[%shift_right_logical3A_14, %and3A_25, %parallel_loop3A_1076], %parallel_loop3A_1082 : memref<8x8x129xf32, #tpu.memory_space<vmem>>[vector<16xi32>, vector<16xi32>, vector<16xi32>], vector<16xf32>,
        %parallel_loop3A_1089 = arith.constant 1 : i32
        %parallel_loop3A_1090 = arith.constant 0 : i32
        %parallel_loop3A_1091 = arith.constant 0 : i32
        %parallel_loop3A_1092 = tpu.memref_slice %arg6[%parallel_loop3A_1089, %parallel_loop3A_1090, %parallel_loop3A_1091] : memref<4x128x128xf32, #tpu.memory_space<vmem>> -> memref<1x128x128xf32, #tpu.memory_space<vmem>>
        %parallel_loop3A_1093 = tpu.memref_squeeze %parallel_loop3A_1092 : memref<1x128x128xf32, #tpu.memory_space<vmem>> -> memref<128x128xf32, #tpu.memory_space<vmem>>
        %parallel_loop3A_1094 = tpu.vector_load_idx %parallel_loop3A_1093[%parallel_loop3A_1076, %add3A_6] : memref<128x128xf32, #tpu.memory_space<vmem>>[vector<16xi32>, vector<16xi32>], vector<16xf32>,
        %parallel_loop3A_1095 = arith.constant 1 : i32
        %parallel_loop3A_1096 = arith.constant 0 : i32
        %parallel_loop3A_1097 = arith.constant 0 : i32
        %parallel_loop3A_1098 = arith.constant 0 : i32
        %parallel_loop3A_1099 = tpu.memref_slice %arg7[%parallel_loop3A_1095, %parallel_loop3A_1096, %parallel_loop3A_1097, %parallel_loop3A_1098] : memref<2x8x8x129xf32, #tpu.memory_space<vmem>> -> memref<1x8x8x129xf32, #tpu.memory_space<vmem>>
        %parallel_loop3A_1100 = tpu.memref_squeeze %parallel_loop3A_1099 : memref<1x8x8x129xf32, #tpu.memory_space<vmem>> -> memref<8x8x129xf32, #tpu.memory_space<vmem>>
        tpu.vector_store_idx %parallel_loop3A_1100[%shift_right_logical3A_17, %and3A_28, %parallel_loop3A_1076], %parallel_loop3A_1094 : memref<8x8x129xf32, #tpu.memory_space<vmem>>[vector<16xi32>, vector<16xi32>, vector<16xi32>], vector<16xf32>,
        %parallel_loop3A_1101 = arith.constant 1 : i32
        %parallel_loop3A_1102 = arith.constant 0 : i32
        %parallel_loop3A_1103 = arith.constant 0 : i32
        %parallel_loop3A_1104 = tpu.memref_slice %arg6[%parallel_loop3A_1101, %parallel_loop3A_1102, %parallel_loop3A_1103] : memref<4x128x128xf32, #tpu.memory_space<vmem>> -> memref<1x128x128xf32, #tpu.memory_space<vmem>>
        %parallel_loop3A_1105 = tpu.memref_squeeze %parallel_loop3A_1104 : memref<1x128x128xf32, #tpu.memory_space<vmem>> -> memref<128x128xf32, #tpu.memory_space<vmem>>
        %parallel_loop3A_1106 = tpu.vector_load_idx %parallel_loop3A_1105[%parallel_loop3A_1076, %add3A_9] : memref<128x128xf32, #tpu.memory_space<vmem>>[vector<16xi32>, vector<16xi32>], vector<16xf32>,
        %parallel_loop3A_1107 = arith.constant 1 : i32
        %parallel_loop3A_1108 = arith.constant 0 : i32
        %parallel_loop3A_1109 = arith.constant 0 : i32
        %parallel_loop3A_1110 = arith.constant 0 : i32
        %parallel_loop3A_1111 = tpu.memref_slice %arg7[%parallel_loop3A_1107, %parallel_loop3A_1108, %parallel_loop3A_1109, %parallel_loop3A_1110] : memref<2x8x8x129xf32, #tpu.memory_space<vmem>> -> memref<1x8x8x129xf32, #tpu.memory_space<vmem>>
        %parallel_loop3A_1112 = tpu.memref_squeeze %parallel_loop3A_1111 : memref<1x8x8x129xf32, #tpu.memory_space<vmem>> -> memref<8x8x129xf32, #tpu.memory_space<vmem>>
        tpu.vector_store_idx %parallel_loop3A_1112[%shift_right_logical3A_20, %and3A_31, %parallel_loop3A_1076], %parallel_loop3A_1106 : memref<8x8x129xf32, #tpu.memory_space<vmem>>[vector<16xi32>, vector<16xi32>, vector<16xi32>], vector<16xf32>,
        %parallel_loop3A_1113 = arith.constant 1 : i32
        %parallel_loop3A_1114 = arith.constant 0 : i32
        %parallel_loop3A_1115 = arith.constant 0 : i32
        %parallel_loop3A_1116 = tpu.memref_slice %arg6[%parallel_loop3A_1113, %parallel_loop3A_1114, %parallel_loop3A_1115] : memref<4x128x128xf32, #tpu.memory_space<vmem>> -> memref<1x128x128xf32, #tpu.memory_space<vmem>>
        %parallel_loop3A_1117 = tpu.memref_squeeze %parallel_loop3A_1116 : memref<1x128x128xf32, #tpu.memory_space<vmem>> -> memref<128x128xf32, #tpu.memory_space<vmem>>
        %parallel_loop3A_1118 = tpu.vector_load_idx %parallel_loop3A_1117[%parallel_loop3A_1076, %add3A_12] : memref<128x128xf32, #tpu.memory_space<vmem>>[vector<16xi32>, vector<16xi32>], vector<16xf32>,
        %parallel_loop3A_1119 = arith.constant 1 : i32
        %parallel_loop3A_1120 = arith.constant 0 : i32
        %parallel_loop3A_1121 = arith.constant 0 : i32
        %parallel_loop3A_1122 = arith.constant 0 : i32
        %parallel_loop3A_1123 = tpu.memref_slice %arg7[%parallel_loop3A_1119, %parallel_loop3A_1120, %parallel_loop3A_1121, %parallel_loop3A_1122] : memref<2x8x8x129xf32, #tpu.memory_space<vmem>> -> memref<1x8x8x129xf32, #tpu.memory_space<vmem>>
        %parallel_loop3A_1124 = tpu.memref_squeeze %parallel_loop3A_1123 : memref<1x8x8x129xf32, #tpu.memory_space<vmem>> -> memref<8x8x129xf32, #tpu.memory_space<vmem>>
        tpu.vector_store_idx %parallel_loop3A_1124[%shift_right_logical3A_23, %and3A_34, %parallel_loop3A_1076], %parallel_loop3A_1118 : memref<8x8x129xf32, #tpu.memory_space<vmem>>[vector<16xi32>, vector<16xi32>, vector<16xi32>], vector<16xf32>,
      } {sc.loop_unroll_factor = 16 : i64, sc.parallel_access}
      %mul3A_814 = arith.constant 32 : i32
      %mul3A_815 = arith.muli %add3A_793, %mul3A_814 : i32
      %add3A_816 = arith.addi %add3A, %mul3A_815 : i32
      %jit3A_817 = arith.constant 128 : i32
      %div3A_818 = arith.divsi %add3A_816, %jit3A_817 : i32
      %sign3A_819 = arith.constant 0 : i32
      %sign3A_820 = arith.cmpi sgt, %add3A_816, %sign3A_819 : i32
      %sign3A_821 = arith.extui %sign3A_820 : i1 to i32
      %sign3A_822 = arith.constant 0 : i32
      %sign3A_823 = arith.cmpi slt, %add3A_816, %sign3A_822 : i32
      %sign3A_824 = arith.extui %sign3A_823 : i1 to i32
      %sign3A_825 = arith.subi %sign3A_821, %sign3A_824 : i32
      %sign3A_826 = arith.constant 0 : i32
      %sign3A_827 = arith.cmpi sgt, %jit3A_817, %sign3A_826 : i32
      %sign3A_828 = arith.extui %sign3A_827 : i1 to i32
      %sign3A_829 = arith.constant 0 : i32
      %sign3A_830 = arith.cmpi slt, %jit3A_817, %sign3A_829 : i32
      %sign3A_831 = arith.extui %sign3A_830 : i1 to i32
      %sign3A_832 = arith.subi %sign3A_828, %sign3A_831 : i32
      %ne3A_833 = arith.cmpi ne, %sign3A_825, %sign3A_832 : i32
      %rem3A_834 = arith.remsi %add3A_816, %jit3A_817 : i32
      %ne3A_835 = arith.constant 0 : i32
      %ne3A_836 = arith.cmpi ne, %rem3A_834, %ne3A_835 : i32
      %and3A_837 = arith.andi %ne3A_833, %ne3A_836 : i1
      %sub3A_838 = arith.constant 1 : i32
      %sub3A_839 = arith.subi %div3A_818, %sub3A_838 : i32
      %select_n3A_840 = arith.select %and3A_837, %sub3A_839, %div3A_818 : i32
      %jit3A_841 = arith.constant 128 : i32
      %eq3A_842 = arith.constant 0 : i32
      %eq3A_843 = arith.cmpi eq, %jit3A_841, %eq3A_842 : i32
      %jit3A_844 = arith.constant 1 : i32
      %select_n3A_845 = arith.select %eq3A_843, %jit3A_844, %jit3A_841 : i32
      %rem3A_846 = arith.remsi %add3A_816, %select_n3A_845 : i32
      %ne3A_847 = arith.constant 0 : i32
      %ne3A_848 = arith.cmpi ne, %rem3A_846, %ne3A_847 : i32
      %lt3A_849 = arith.constant 0 : i32
      %lt3A_850 = arith.cmpi slt, %rem3A_846, %lt3A_849 : i32
      %lt3A_851 = arith.constant 0 : i32
      %lt3A_852 = arith.cmpi slt, %select_n3A_845, %lt3A_851 : i32
      %ne3A_853 = arith.xori %lt3A_850, %lt3A_852 : i1
      %and3A_854 = arith.andi %ne3A_853, %ne3A_848 : i1
      %add3A_855 = arith.addi %rem3A_846, %select_n3A_845 : i32
      %select_n3A_856 = arith.select %and3A_854, %add3A_855, %rem3A_846 : i32
      %dma_start3A_857 = arith.constant 1 : i32
      %dma_start3A_858 = arith.constant 0 : i32
      %dma_start3A_859 = arith.constant 0 : i32
      %dma_start3A_860 = arith.constant 0 : i32
      %dma_start3A_861 = tpu.memref_slice %arg7[%dma_start3A_857, %dma_start3A_858, %dma_start3A_859, %dma_start3A_860] : memref<2x8x8x129xf32, #tpu.memory_space<vmem>> -> memref<1x8x8x128xf32, #tpu.memory_space<vmem>>
      %dma_start3A_862 = tpu.memref_squeeze %dma_start3A_861 : memref<1x8x8x128xf32, #tpu.memory_space<vmem>> -> memref<8x8x128xf32, #tpu.memory_space<vmem>>
      %dma_start3A_863 = arith.constant 0 : i32
      %dma_start3A_864 = arith.constant 0 : i32
      %dma_start3A_865 = arith.constant 0 : i32
      %dma_start3A_866 = tpu.memref_slice %arg4[%select_n3A_840, %dma_start3A_863, %select_n3A_856, %dma_start3A_864, %dma_start3A_865] : memref<50x8x128x8x128xf32, #tpu.memory_space<hbm>> -> memref<1x8x1x8x128xf32, #tpu.memory_space<hbm>>
      %dma_start3A_867 = tpu.memref_squeeze %dma_start3A_866 : memref<1x8x1x8x128xf32, #tpu.memory_space<hbm>> -> memref<8x8x128xf32, #tpu.memory_space<hbm>>
      %dma_start3A_868 = arith.constant 0 : i32
      %dma_start3A_869 = arith.constant 0 : i32
      %dma_start3A_870 = arith.constant 0 : i32
      %dma_start3A_871 = tpu.memref_slice %arg4[%select_n3A_840, %dma_start3A_868, %select_n3A_856, %dma_start3A_869, %dma_start3A_870] : memref<50x8x128x8x128xf32, #tpu.memory_space<hbm>> -> memref<1x8x1x8x128xf32, #tpu.memory_space<hbm>>
      %dma_start3A_872 = tpu.memref_squeeze %dma_start3A_871 : memref<1x8x1x8x128xf32, #tpu.memory_space<hbm>> -> memref<8x8x128xf32, #tpu.memory_space<hbm>>
      %dma_start3A_873 = arith.constant 0 : i32
      %dma_start3A_874 = arith.constant 0 : i32
      %dma_start3A_875 = arith.constant 0 : i32
      %dma_start3A_876 = tpu.memref_slice %arg7[%dma_start3A_857, %dma_start3A_873, %dma_start3A_874, %dma_start3A_875] : memref<2x8x8x129xf32, #tpu.memory_space<vmem>> -> memref<1x8x8x128xf32, #tpu.memory_space<vmem>>
      %dma_start3A_877 = tpu.memref_squeeze %dma_start3A_876 : memref<1x8x8x128xf32, #tpu.memory_space<vmem>> -> memref<8x8x128xf32, #tpu.memory_space<vmem>>
      tpu.enqueue_dma source(%dma_start3A_877 : memref<8x8x128xf32, #tpu.memory_space<vmem>>) target(%dma_start3A_872 : memref<8x8x128xf32, #tpu.memory_space<hbm>>) target_semaphore(%arg17 : memref<!tpu.dma_semaphore, #tpu.memory_space<semaphore_mem>>)
      %add3A_878 = arith.constant 4 : i32
      %add3A_879 = arith.addi %add3A_793, %add3A_878 : i32
      %lt3A_880 = arith.constant 200 : i32
      %lt3A_881 = arith.cmpi slt, %add3A_879, %lt3A_880 : i32
      %convert_element_type3A_882 = arith.extui %lt3A_881 : i1 to i32
      %cond3A_883 = arith.constant 0 : i32
      %cond3A_884 = arith.cmpi ne, %convert_element_type3A_882, %cond3A_883 : i32
      scf.if %cond3A_884 {
        %add3A_1075 = arith.constant 4 : i32
        %add3A_1076 = arith.addi %add3A_793, %add3A_1075 : i32
        %mul3A_1077 = arith.constant 32 : i32
        %mul3A_1078 = arith.muli %add3A_1076, %mul3A_1077 : i32
        %add3A_1079 = arith.addi %add3A, %mul3A_1078 : i32
        %jit3A_1080 = arith.constant 128 : i32
        %div3A_1081 = arith.divsi %add3A_1079, %jit3A_1080 : i32
        %sign3A_1082 = arith.constant 0 : i32
        %sign3A_1083 = arith.cmpi sgt, %add3A_1079, %sign3A_1082 : i32
        %sign3A_1084 = arith.extui %sign3A_1083 : i1 to i32
        %sign3A_1085 = arith.constant 0 : i32
        %sign3A_1086 = arith.cmpi slt, %add3A_1079, %sign3A_1085 : i32
        %sign3A_1087 = arith.extui %sign3A_1086 : i1 to i32
        %sign3A_1088 = arith.subi %sign3A_1084, %sign3A_1087 : i32
        %sign3A_1089 = arith.constant 0 : i32
        %sign3A_1090 = arith.cmpi sgt, %jit3A_1080, %sign3A_1089 : i32
        %sign3A_1091 = arith.extui %sign3A_1090 : i1 to i32
        %sign3A_1092 = arith.constant 0 : i32
        %sign3A_1093 = arith.cmpi slt, %jit3A_1080, %sign3A_1092 : i32
        %sign3A_1094 = arith.extui %sign3A_1093 : i1 to i32
        %sign3A_1095 = arith.subi %sign3A_1091, %sign3A_1094 : i32
        %ne3A_1096 = arith.cmpi ne, %sign3A_1088, %sign3A_1095 : i32
        %rem3A_1097 = arith.remsi %add3A_1079, %jit3A_1080 : i32
        %ne3A_1098 = arith.constant 0 : i32
        %ne3A_1099 = arith.cmpi ne, %rem3A_1097, %ne3A_1098 : i32
        %and3A_1100 = arith.andi %ne3A_1096, %ne3A_1099 : i1
        %sub3A_1101 = arith.constant 1 : i32
        %sub3A_1102 = arith.subi %div3A_1081, %sub3A_1101 : i32
        %select_n3A_1103 = arith.select %and3A_1100, %sub3A_1102, %div3A_1081 : i32
        %jit3A_1104 = arith.constant 128 : i32
        %eq3A_1105 = arith.constant 0 : i32
        %eq3A_1106 = arith.cmpi eq, %jit3A_1104, %eq3A_1105 : i32
        %jit3A_1107 = arith.constant 1 : i32
        %select_n3A_1108 = arith.select %eq3A_1106, %jit3A_1107, %jit3A_1104 : i32
        %rem3A_1109 = arith.remsi %add3A_1079, %select_n3A_1108 : i32
        %ne3A_1110 = arith.constant 0 : i32
        %ne3A_1111 = arith.cmpi ne, %rem3A_1109, %ne3A_1110 : i32
        %lt3A_1112 = arith.constant 0 : i32
        %lt3A_1113 = arith.cmpi slt, %rem3A_1109, %lt3A_1112 : i32
        %lt3A_1114 = arith.constant 0 : i32
        %lt3A_1115 = arith.cmpi slt, %select_n3A_1108, %lt3A_1114 : i32
        %ne3A_1116 = arith.xori %lt3A_1113, %lt3A_1115 : i1
        %and3A_1117 = arith.andi %ne3A_1116, %ne3A_1111 : i1
        %add3A_1118 = arith.addi %rem3A_1109, %select_n3A_1108 : i32
        %select_n3A_1119 = arith.select %and3A_1117, %add3A_1118, %rem3A_1109 : i32
        %mul3A_1120 = arith.constant 128 : i32
        %mul3A_1121 = arith.muli %select_n3A_1119, %mul3A_1120 : i32
        %dma_wait3A_1122 = arith.constant 1 : i32
        %dma_wait3A_1123 = arith.constant 0 : i32
        %dma_wait3A_1124 = tpu.memref_slice %arg5[%dma_wait3A_1122, %dma_wait3A_1123] : memref<4x128xi32, #tpu.memory_space<vmem>> -> memref<1x128xi32, #tpu.memory_space<vmem>>
        %dma_wait3A_1125 = tpu.memref_squeeze %dma_wait3A_1124 : memref<1x128xi32, #tpu.memory_space<vmem>> -> memref<128xi32, #tpu.memory_space<vmem>>
        %dma_wait3A_1126 = tpu.memref_slice %arg3[%select_n3A_1103, %mul3A_1121] : memref<50x16384xi32, #tpu.memory_space<hbm>> -> memref<1x128xi32, #tpu.memory_space<hbm>>
        %dma_wait3A_1127 = tpu.memref_squeeze %dma_wait3A_1126 : memref<1x128xi32, #tpu.memory_space<hbm>> -> memref<128xi32, #tpu.memory_space<hbm>>
        %dma_wait3A_1128 = arith.constant 0 : i32
        %dma_wait3A_1129 = tpu.memref_slice %arg5[%dma_wait3A_1122, %dma_wait3A_1128] : memref<4x128xi32, #tpu.memory_space<vmem>> -> memref<1x128xi32, #tpu.memory_space<vmem>>
        %dma_wait3A_1130 = tpu.memref_squeeze %dma_wait3A_1129 : memref<1x128xi32, #tpu.memory_space<vmem>> -> memref<128xi32, #tpu.memory_space<vmem>>
        %dma_wait3A_1131 = tpu.memref_slice %arg3[%select_n3A_1103, %mul3A_1121] : memref<50x16384xi32, #tpu.memory_space<hbm>> -> memref<1x128xi32, #tpu.memory_space<hbm>>
        %dma_wait3A_1132 = tpu.memref_squeeze %dma_wait3A_1131 : memref<1x128xi32, #tpu.memory_space<hbm>> -> memref<128xi32, #tpu.memory_space<hbm>>
        tpu.wait_dma2 semaphore(%arg9 : memref<!tpu.dma_semaphore, #tpu.memory_space<semaphore_mem>>) src(%dma_wait3A_1132 : memref<128xi32, #tpu.memory_space<hbm>>) dst(%dma_wait3A_1130 : memref<128xi32, #tpu.memory_space<vmem>>)
        %dma_start3A_1133 = arith.constant 1 : i32
        %dma_start3A_1134 = arith.constant 1 : i32
        %dma_start3A_1135 = arith.constant 0 : i32
        %dma_start3A_1136 = arith.constant 0 : i32
        %dma_start3A_1137 = tpu.memref_slice %arg6[%dma_start3A_1134, %dma_start3A_1135, %dma_start3A_1136] : memref<4x128x128xf32, #tpu.memory_space<vmem>> -> memref<1x128x128xf32, #tpu.memory_space<vmem>>
        %dma_start3A_1138 = tpu.memref_squeeze %dma_start3A_1137 : memref<1x128x128xf32, #tpu.memory_space<vmem>> -> memref<128x128xf32, #tpu.memory_space<vmem>>
        %dma_start3A_1139 = arith.constant 0 : i32
        %dma_start3A_1140 = tpu.memref_slice %arg5[%dma_start3A_1133, %dma_start3A_1139] : memref<4x128xi32, #tpu.memory_space<vmem>> -> memref<1x128xi32, #tpu.memory_space<vmem>>
        %dma_start3A_1141 = tpu.memref_squeeze %dma_start3A_1140 : memref<1x128xi32, #tpu.memory_space<vmem>> -> memref<128xi32, #tpu.memory_space<vmem>>
        %dma_start3A_1142 = arith.constant 0 : i32
        %dma_start3A_1143 = arith.constant 0 : i32
        %dma_start3A_1144 = tpu.memref_slice %arg2[%dma_start3A_1142, %dma_start3A_1143] : memref<1000000x128xf32, #tpu.memory_space<hbm>> -> memref<1000000x128xf32, #tpu.memory_space<hbm>>
        tpu.enqueue_indirect_dma source(%dma_start3A_1144 : memref<1000000x128xf32, #tpu.memory_space<hbm>>) target(%dma_start3A_1138 : memref<128x128xf32, #tpu.memory_space<vmem>>) offsets(%dma_start3A_1141 : memref<128xi32, #tpu.memory_space<vmem>>) semaphore(%arg13 : memref<!tpu.dma_semaphore, #tpu.memory_space<semaphore_mem>>)
        %add3A_1145 = arith.constant 4 : i32
        %add3A_1146 = arith.addi %add3A_793, %add3A_1145 : i32
        %add3A_1147 = arith.constant 1 : i32
        %add3A_1148 = arith.addi %add3A_1146, %add3A_1147 : i32
        %lt3A_1149 = arith.constant 200 : i32
        %lt3A_1150 = arith.cmpi slt, %add3A_1148, %lt3A_1149 : i32
        %convert_element_type3A_1151 = arith.extui %lt3A_1150 : i1 to i32
        %cond3A_1152 = arith.constant 0 : i32
        %cond3A_1153 = arith.cmpi ne, %convert_element_type3A_1151, %cond3A_1152 : i32
        scf.if %cond3A_1153 {
          %add3A_1154 = arith.constant 4 : i32
          %add3A_1155 = arith.addi %add3A_793, %add3A_1154 : i32
          %add3A_1156 = arith.constant 1 : i32
          %add3A_1157 = arith.addi %add3A_1155, %add3A_1156 : i32
          %mul3A_1158 = arith.constant 32 : i32
          %mul3A_1159 = arith.muli %add3A_1157, %mul3A_1158 : i32
          %add3A_1160 = arith.addi %add3A, %mul3A_1159 : i32
          %jit3A_1161 = arith.constant 128 : i32
          %div3A_1162 = arith.divsi %add3A_1160, %jit3A_1161 : i32
          %sign3A_1163 = arith.constant 0 : i32
          %sign3A_1164 = arith.cmpi sgt, %add3A_1160, %sign3A_1163 : i32
          %sign3A_1165 = arith.extui %sign3A_1164 : i1 to i32
          %sign3A_1166 = arith.constant 0 : i32
          %sign3A_1167 = arith.cmpi slt, %add3A_1160, %sign3A_1166 : i32
          %sign3A_1168 = arith.extui %sign3A_1167 : i1 to i32
          %sign3A_1169 = arith.subi %sign3A_1165, %sign3A_1168 : i32
          %sign3A_1170 = arith.constant 0 : i32
          %sign3A_1171 = arith.cmpi sgt, %jit3A_1161, %sign3A_1170 : i32
          %sign3A_1172 = arith.extui %sign3A_1171 : i1 to i32
          %sign3A_1173 = arith.constant 0 : i32
          %sign3A_1174 = arith.cmpi slt, %jit3A_1161, %sign3A_1173 : i32
          %sign3A_1175 = arith.extui %sign3A_1174 : i1 to i32
          %sign3A_1176 = arith.subi %sign3A_1172, %sign3A_1175 : i32
          %ne3A_1177 = arith.cmpi ne, %sign3A_1169, %sign3A_1176 : i32
          %rem3A_1178 = arith.remsi %add3A_1160, %jit3A_1161 : i32
          %ne3A_1179 = arith.constant 0 : i32
          %ne3A_1180 = arith.cmpi ne, %rem3A_1178, %ne3A_1179 : i32
          %and3A_1181 = arith.andi %ne3A_1177, %ne3A_1180 : i1
          %sub3A_1182 = arith.constant 1 : i32
          %sub3A_1183 = arith.subi %div3A_1162, %sub3A_1182 : i32
          %select_n3A_1184 = arith.select %and3A_1181, %sub3A_1183, %div3A_1162 : i32
          %jit3A_1185 = arith.constant 128 : i32
          %eq3A_1186 = arith.constant 0 : i32
          %eq3A_1187 = arith.cmpi eq, %jit3A_1185, %eq3A_1186 : i32
          %jit3A_1188 = arith.constant 1 : i32
          %select_n3A_1189 = arith.select %eq3A_1187, %jit3A_1188, %jit3A_1185 : i32
          %rem3A_1190 = arith.remsi %add3A_1160, %select_n3A_1189 : i32
          %ne3A_1191 = arith.constant 0 : i32
          %ne3A_1192 = arith.cmpi ne, %rem3A_1190, %ne3A_1191 : i32
          %lt3A_1193 = arith.constant 0 : i32
          %lt3A_1194 = arith.cmpi slt, %rem3A_1190, %lt3A_1193 : i32
          %lt3A_1195 = arith.constant 0 : i32
          %lt3A_1196 = arith.cmpi slt, %select_n3A_1189, %lt3A_1195 : i32
          %ne3A_1197 = arith.xori %lt3A_1194, %lt3A_1196 : i1
          %and3A_1198 = arith.andi %ne3A_1197, %ne3A_1192 : i1
          %add3A_1199 = arith.addi %rem3A_1190, %select_n3A_1189 : i32
          %select_n3A_1200 = arith.select %and3A_1198, %add3A_1199, %rem3A_1190 : i32
          %mul3A_1201 = arith.constant 128 : i32
          %mul3A_1202 = arith.muli %select_n3A_1200, %mul3A_1201 : i32
          %dma_start3A_1203 = arith.constant 2 : i32
          %dma_start3A_1204 = arith.constant 0 : i32
          %dma_start3A_1205 = tpu.memref_slice %arg5[%dma_start3A_1203, %dma_start3A_1204] : memref<4x128xi32, #tpu.memory_space<vmem>> -> memref<1x128xi32, #tpu.memory_space<vmem>>
          %dma_start3A_1206 = tpu.memref_squeeze %dma_start3A_1205 : memref<1x128xi32, #tpu.memory_space<vmem>> -> memref<128xi32, #tpu.memory_space<vmem>>
          %dma_start3A_1207 = tpu.memref_slice %arg3[%select_n3A_1184, %mul3A_1202] : memref<50x16384xi32, #tpu.memory_space<hbm>> -> memref<1x128xi32, #tpu.memory_space<hbm>>
          %dma_start3A_1208 = tpu.memref_squeeze %dma_start3A_1207 : memref<1x128xi32, #tpu.memory_space<hbm>> -> memref<128xi32, #tpu.memory_space<hbm>>
          %dma_start3A_1209 = arith.constant 0 : i32
          %dma_start3A_1210 = tpu.memref_slice %arg5[%dma_start3A_1203, %dma_start3A_1209] : memref<4x128xi32, #tpu.memory_space<vmem>> -> memref<1x128xi32, #tpu.memory_space<vmem>>
          %dma_start3A_1211 = tpu.memref_squeeze %dma_start3A_1210 : memref<1x128xi32, #tpu.memory_space<vmem>> -> memref<128xi32, #tpu.memory_space<vmem>>
          %dma_start3A_1212 = tpu.memref_slice %arg3[%select_n3A_1184, %mul3A_1202] : memref<50x16384xi32, #tpu.memory_space<hbm>> -> memref<1x128xi32, #tpu.memory_space<hbm>>
          %dma_start3A_1213 = tpu.memref_squeeze %dma_start3A_1212 : memref<1x128xi32, #tpu.memory_space<hbm>> -> memref<128xi32, #tpu.memory_space<hbm>>
          tpu.enqueue_dma source(%dma_start3A_1213 : memref<128xi32, #tpu.memory_space<hbm>>) target(%dma_start3A_1211 : memref<128xi32, #tpu.memory_space<vmem>>) target_semaphore(%arg10 : memref<!tpu.dma_semaphore, #tpu.memory_space<semaphore_mem>>)
        } else {
        }
      } else {
      }
      %mul3A_885 = arith.constant 4 : i32
      %mul3A_886 = arith.muli %mul3A_885, %scan3A_698 : i32
      %add3A_887 = arith.constant 2 : i32
      %add3A_888 = arith.addi %mul3A_886, %add3A_887 : i32
      %dma_wait3A_889 = arith.constant 2 : i32
      %dma_wait3A_890 = arith.constant 2 : i32
      %dma_wait3A_891 = arith.constant 0 : i32
      %dma_wait3A_892 = arith.constant 0 : i32
      %dma_wait3A_893 = tpu.memref_slice %arg6[%dma_wait3A_890, %dma_wait3A_891, %dma_wait3A_892] : memref<4x128x128xf32, #tpu.memory_space<vmem>> -> memref<1x128x128xf32, #tpu.memory_space<vmem>>
      %dma_wait3A_894 = tpu.memref_squeeze %dma_wait3A_893 : memref<1x128x128xf32, #tpu.memory_space<vmem>> -> memref<128x128xf32, #tpu.memory_space<vmem>>
      %dma_wait3A_895 = arith.constant 0 : i32
      %dma_wait3A_896 = tpu.memref_slice %arg5[%dma_wait3A_889, %dma_wait3A_895] : memref<4x128xi32, #tpu.memory_space<vmem>> -> memref<1x128xi32, #tpu.memory_space<vmem>>
      %dma_wait3A_897 = tpu.memref_squeeze %dma_wait3A_896 : memref<1x128xi32, #tpu.memory_space<vmem>> -> memref<128xi32, #tpu.memory_space<vmem>>
      %dma_wait3A_898 = arith.constant 0 : i32
      %dma_wait3A_899 = arith.constant 0 : i32
      %dma_wait3A_900 = tpu.memref_slice %arg2[%dma_wait3A_898, %dma_wait3A_899] : memref<1000000x128xf32, #tpu.memory_space<hbm>> -> memref<1000000x128xf32, #tpu.memory_space<hbm>>
      tpu.wait_indirect_dma semaphore(%arg14 : memref<!tpu.dma_semaphore, #tpu.memory_space<semaphore_mem>>) src(%dma_wait3A_900 : memref<1000000x128xf32, #tpu.memory_space<hbm>>) dst(%dma_wait3A_894 : memref<128x128xf32, #tpu.memory_space<vmem>>)
      %ge3A_901 = arith.constant 2 : i32
      %ge3A_902 = arith.cmpi sge, %add3A_888, %ge3A_901 : i32
      %convert_element_type3A_903 = arith.extui %ge3A_902 : i1 to i32
      %cond3A_904 = arith.constant 0 : i32
      %cond3A_905 = arith.cmpi ne, %convert_element_type3A_903, %cond3A_904 : i32
      scf.if %cond3A_905 {
        %sub3A_1075 = arith.constant 2 : i32
        %sub3A_1076 = arith.subi %add3A_888, %sub3A_1075 : i32
        %mul3A_1077 = arith.constant 32 : i32
        %mul3A_1078 = arith.muli %sub3A_1076, %mul3A_1077 : i32
        %add3A_1079 = arith.addi %add3A, %mul3A_1078 : i32
        %jit3A_1080 = arith.constant 128 : i32
        %div3A_1081 = arith.divsi %add3A_1079, %jit3A_1080 : i32
        %sign3A_1082 = arith.constant 0 : i32
        %sign3A_1083 = arith.cmpi sgt, %add3A_1079, %sign3A_1082 : i32
        %sign3A_1084 = arith.extui %sign3A_1083 : i1 to i32
        %sign3A_1085 = arith.constant 0 : i32
        %sign3A_1086 = arith.cmpi slt, %add3A_1079, %sign3A_1085 : i32
        %sign3A_1087 = arith.extui %sign3A_1086 : i1 to i32
        %sign3A_1088 = arith.subi %sign3A_1084, %sign3A_1087 : i32
        %sign3A_1089 = arith.constant 0 : i32
        %sign3A_1090 = arith.cmpi sgt, %jit3A_1080, %sign3A_1089 : i32
        %sign3A_1091 = arith.extui %sign3A_1090 : i1 to i32
        %sign3A_1092 = arith.constant 0 : i32
        %sign3A_1093 = arith.cmpi slt, %jit3A_1080, %sign3A_1092 : i32
        %sign3A_1094 = arith.extui %sign3A_1093 : i1 to i32
        %sign3A_1095 = arith.subi %sign3A_1091, %sign3A_1094 : i32
        %ne3A_1096 = arith.cmpi ne, %sign3A_1088, %sign3A_1095 : i32
        %rem3A_1097 = arith.remsi %add3A_1079, %jit3A_1080 : i32
        %ne3A_1098 = arith.constant 0 : i32
        %ne3A_1099 = arith.cmpi ne, %rem3A_1097, %ne3A_1098 : i32
        %and3A_1100 = arith.andi %ne3A_1096, %ne3A_1099 : i1
        %sub3A_1101 = arith.constant 1 : i32
        %sub3A_1102 = arith.subi %div3A_1081, %sub3A_1101 : i32
        %select_n3A_1103 = arith.select %and3A_1100, %sub3A_1102, %div3A_1081 : i32
        %jit3A_1104 = arith.constant 128 : i32
        %eq3A_1105 = arith.constant 0 : i32
        %eq3A_1106 = arith.cmpi eq, %jit3A_1104, %eq3A_1105 : i32
        %jit3A_1107 = arith.constant 1 : i32
        %select_n3A_1108 = arith.select %eq3A_1106, %jit3A_1107, %jit3A_1104 : i32
        %rem3A_1109 = arith.remsi %add3A_1079, %select_n3A_1108 : i32
        %ne3A_1110 = arith.constant 0 : i32
        %ne3A_1111 = arith.cmpi ne, %rem3A_1109, %ne3A_1110 : i32
        %lt3A_1112 = arith.constant 0 : i32
        %lt3A_1113 = arith.cmpi slt, %rem3A_1109, %lt3A_1112 : i32
        %lt3A_1114 = arith.constant 0 : i32
        %lt3A_1115 = arith.cmpi slt, %select_n3A_1108, %lt3A_1114 : i32
        %ne3A_1116 = arith.xori %lt3A_1113, %lt3A_1115 : i1
        %and3A_1117 = arith.andi %ne3A_1116, %ne3A_1111 : i1
        %add3A_1118 = arith.addi %rem3A_1109, %select_n3A_1108 : i32
        %select_n3A_1119 = arith.select %and3A_1117, %add3A_1118, %rem3A_1109 : i32
        %dma_wait3A_1120 = arith.constant 0 : i32
        %dma_wait3A_1121 = arith.constant 0 : i32
        %dma_wait3A_1122 = arith.constant 0 : i32
        %dma_wait3A_1123 = arith.constant 0 : i32
        %dma_wait3A_1124 = tpu.memref_slice %arg7[%dma_wait3A_1120, %dma_wait3A_1121, %dma_wait3A_1122, %dma_wait3A_1123] : memref<2x8x8x129xf32, #tpu.memory_space<vmem>> -> memref<1x8x8x128xf32, #tpu.memory_space<vmem>>
        %dma_wait3A_1125 = tpu.memref_squeeze %dma_wait3A_1124 : memref<1x8x8x128xf32, #tpu.memory_space<vmem>> -> memref<8x8x128xf32, #tpu.memory_space<vmem>>
        %dma_wait3A_1126 = arith.constant 0 : i32
        %dma_wait3A_1127 = arith.constant 0 : i32
        %dma_wait3A_1128 = arith.constant 0 : i32
        %dma_wait3A_1129 = tpu.memref_slice %arg4[%select_n3A_1103, %dma_wait3A_1126, %select_n3A_1119, %dma_wait3A_1127, %dma_wait3A_1128] : memref<50x8x128x8x128xf32, #tpu.memory_space<hbm>> -> memref<1x8x1x8x128xf32, #tpu.memory_space<hbm>>
        %dma_wait3A_1130 = tpu.memref_squeeze %dma_wait3A_1129 : memref<1x8x1x8x128xf32, #tpu.memory_space<hbm>> -> memref<8x8x128xf32, #tpu.memory_space<hbm>>
        %dma_wait3A_1131 = arith.constant 0 : i32
        %dma_wait3A_1132 = arith.constant 0 : i32
        %dma_wait3A_1133 = arith.constant 0 : i32
        %dma_wait3A_1134 = tpu.memref_slice %arg4[%select_n3A_1103, %dma_wait3A_1131, %select_n3A_1119, %dma_wait3A_1132, %dma_wait3A_1133] : memref<50x8x128x8x128xf32, #tpu.memory_space<hbm>> -> memref<1x8x1x8x128xf32, #tpu.memory_space<hbm>>
        %dma_wait3A_1135 = tpu.memref_squeeze %dma_wait3A_1134 : memref<1x8x1x8x128xf32, #tpu.memory_space<hbm>> -> memref<8x8x128xf32, #tpu.memory_space<hbm>>
        %dma_wait3A_1136 = arith.constant 0 : i32
        %dma_wait3A_1137 = arith.constant 0 : i32
        %dma_wait3A_1138 = arith.constant 0 : i32
        %dma_wait3A_1139 = tpu.memref_slice %arg7[%dma_wait3A_1120, %dma_wait3A_1136, %dma_wait3A_1137, %dma_wait3A_1138] : memref<2x8x8x129xf32, #tpu.memory_space<vmem>> -> memref<1x8x8x128xf32, #tpu.memory_space<vmem>>
        %dma_wait3A_1140 = tpu.memref_squeeze %dma_wait3A_1139 : memref<1x8x8x128xf32, #tpu.memory_space<vmem>> -> memref<8x8x128xf32, #tpu.memory_space<vmem>>
        tpu.wait_dma2 semaphore(%arg16 : memref<!tpu.dma_semaphore, #tpu.memory_space<semaphore_mem>>) src(%dma_wait3A_1140 : memref<8x8x128xf32, #tpu.memory_space<vmem>>) dst(%dma_wait3A_1135 : memref<8x8x128xf32, #tpu.memory_space<hbm>>)
      } else {
      }
      %parallel_loop3A_906 = arith.constant 0 : i32
      %parallel_loop3A_907 = arith.constant 128 : i32
      %parallel_loop3A_908 = arith.constant 1 : i32
      scf.for %parallel_loop3A_1075 = %parallel_loop3A_906 to %parallel_loop3A_907 step %parallel_loop3A_908  : i32 {
        %parallel_loop3A_1076 = vector.broadcast %parallel_loop3A_1075 : i32 to vector<16xi32>
        %parallel_loop3A_1077 = arith.constant 2 : i32
        %parallel_loop3A_1078 = arith.constant 0 : i32
        %parallel_loop3A_1079 = arith.constant 0 : i32
        %parallel_loop3A_1080 = tpu.memref_slice %arg6[%parallel_loop3A_1077, %parallel_loop3A_1078, %parallel_loop3A_1079] : memref<4x128x128xf32, #tpu.memory_space<vmem>> -> memref<1x128x128xf32, #tpu.memory_space<vmem>>
        %parallel_loop3A_1081 = tpu.memref_squeeze %parallel_loop3A_1080 : memref<1x128x128xf32, #tpu.memory_space<vmem>> -> memref<128x128xf32, #tpu.memory_space<vmem>>
        %parallel_loop3A_1082 = tpu.vector_load_idx %parallel_loop3A_1081[%parallel_loop3A_1076, %add3A_3] : memref<128x128xf32, #tpu.memory_space<vmem>>[vector<16xi32>, vector<16xi32>], vector<16xf32>,
        %parallel_loop3A_1083 = arith.constant 0 : i32
        %parallel_loop3A_1084 = arith.constant 0 : i32
        %parallel_loop3A_1085 = arith.constant 0 : i32
        %parallel_loop3A_1086 = arith.constant 0 : i32
        %parallel_loop3A_1087 = tpu.memref_slice %arg7[%parallel_loop3A_1083, %parallel_loop3A_1084, %parallel_loop3A_1085, %parallel_loop3A_1086] : memref<2x8x8x129xf32, #tpu.memory_space<vmem>> -> memref<1x8x8x129xf32, #tpu.memory_space<vmem>>
        %parallel_loop3A_1088 = tpu.memref_squeeze %parallel_loop3A_1087 : memref<1x8x8x129xf32, #tpu.memory_space<vmem>> -> memref<8x8x129xf32, #tpu.memory_space<vmem>>
        tpu.vector_store_idx %parallel_loop3A_1088[%shift_right_logical3A_14, %and3A_25, %parallel_loop3A_1076], %parallel_loop3A_1082 : memref<8x8x129xf32, #tpu.memory_space<vmem>>[vector<16xi32>, vector<16xi32>, vector<16xi32>], vector<16xf32>,
        %parallel_loop3A_1089 = arith.constant 2 : i32
        %parallel_loop3A_1090 = arith.constant 0 : i32
        %parallel_loop3A_1091 = arith.constant 0 : i32
        %parallel_loop3A_1092 = tpu.memref_slice %arg6[%parallel_loop3A_1089, %parallel_loop3A_1090, %parallel_loop3A_1091] : memref<4x128x128xf32, #tpu.memory_space<vmem>> -> memref<1x128x128xf32, #tpu.memory_space<vmem>>
        %parallel_loop3A_1093 = tpu.memref_squeeze %parallel_loop3A_1092 : memref<1x128x128xf32, #tpu.memory_space<vmem>> -> memref<128x128xf32, #tpu.memory_space<vmem>>
        %parallel_loop3A_1094 = tpu.vector_load_idx %parallel_loop3A_1093[%parallel_loop3A_1076, %add3A_6] : memref<128x128xf32, #tpu.memory_space<vmem>>[vector<16xi32>, vector<16xi32>], vector<16xf32>,
        %parallel_loop3A_1095 = arith.constant 0 : i32
        %parallel_loop3A_1096 = arith.constant 0 : i32
        %parallel_loop3A_1097 = arith.constant 0 : i32
        %parallel_loop3A_1098 = arith.constant 0 : i32
        %parallel_loop3A_1099 = tpu.memref_slice %arg7[%parallel_loop3A_1095, %parallel_loop3A_1096, %parallel_loop3A_1097, %parallel_loop3A_1098] : memref<2x8x8x129xf32, #tpu.memory_space<vmem>> -> memref<1x8x8x129xf32, #tpu.memory_space<vmem>>
        %parallel_loop3A_1100 = tpu.memref_squeeze %parallel_loop3A_1099 : memref<1x8x8x129xf32, #tpu.memory_space<vmem>> -> memref<8x8x129xf32, #tpu.memory_space<vmem>>
        tpu.vector_store_idx %parallel_loop3A_1100[%shift_right_logical3A_17, %and3A_28, %parallel_loop3A_1076], %parallel_loop3A_1094 : memref<8x8x129xf32, #tpu.memory_space<vmem>>[vector<16xi32>, vector<16xi32>, vector<16xi32>], vector<16xf32>,
        %parallel_loop3A_1101 = arith.constant 2 : i32
        %parallel_loop3A_1102 = arith.constant 0 : i32
        %parallel_loop3A_1103 = arith.constant 0 : i32
        %parallel_loop3A_1104 = tpu.memref_slice %arg6[%parallel_loop3A_1101, %parallel_loop3A_1102, %parallel_loop3A_1103] : memref<4x128x128xf32, #tpu.memory_space<vmem>> -> memref<1x128x128xf32, #tpu.memory_space<vmem>>
        %parallel_loop3A_1105 = tpu.memref_squeeze %parallel_loop3A_1104 : memref<1x128x128xf32, #tpu.memory_space<vmem>> -> memref<128x128xf32, #tpu.memory_space<vmem>>
        %parallel_loop3A_1106 = tpu.vector_load_idx %parallel_loop3A_1105[%parallel_loop3A_1076, %add3A_9] : memref<128x128xf32, #tpu.memory_space<vmem>>[vector<16xi32>, vector<16xi32>], vector<16xf32>,
        %parallel_loop3A_1107 = arith.constant 0 : i32
        %parallel_loop3A_1108 = arith.constant 0 : i32
        %parallel_loop3A_1109 = arith.constant 0 : i32
        %parallel_loop3A_1110 = arith.constant 0 : i32
        %parallel_loop3A_1111 = tpu.memref_slice %arg7[%parallel_loop3A_1107, %parallel_loop3A_1108, %parallel_loop3A_1109, %parallel_loop3A_1110] : memref<2x8x8x129xf32, #tpu.memory_space<vmem>> -> memref<1x8x8x129xf32, #tpu.memory_space<vmem>>
        %parallel_loop3A_1112 = tpu.memref_squeeze %parallel_loop3A_1111 : memref<1x8x8x129xf32, #tpu.memory_space<vmem>> -> memref<8x8x129xf32, #tpu.memory_space<vmem>>
        tpu.vector_store_idx %parallel_loop3A_1112[%shift_right_logical3A_20, %and3A_31, %parallel_loop3A_1076], %parallel_loop3A_1106 : memref<8x8x129xf32, #tpu.memory_space<vmem>>[vector<16xi32>, vector<16xi32>, vector<16xi32>], vector<16xf32>,
        %parallel_loop3A_1113 = arith.constant 2 : i32
        %parallel_loop3A_1114 = arith.constant 0 : i32
        %parallel_loop3A_1115 = arith.constant 0 : i32
        %parallel_loop3A_1116 = tpu.memref_slice %arg6[%parallel_loop3A_1113, %parallel_loop3A_1114, %parallel_loop3A_1115] : memref<4x128x128xf32, #tpu.memory_space<vmem>> -> memref<1x128x128xf32, #tpu.memory_space<vmem>>
        %parallel_loop3A_1117 = tpu.memref_squeeze %parallel_loop3A_1116 : memref<1x128x128xf32, #tpu.memory_space<vmem>> -> memref<128x128xf32, #tpu.memory_space<vmem>>
        %parallel_loop3A_1118 = tpu.vector_load_idx %parallel_loop3A_1117[%parallel_loop3A_1076, %add3A_12] : memref<128x128xf32, #tpu.memory_space<vmem>>[vector<16xi32>, vector<16xi32>], vector<16xf32>,
        %parallel_loop3A_1119 = arith.constant 0 : i32
        %parallel_loop3A_1120 = arith.constant 0 : i32
        %parallel_loop3A_1121 = arith.constant 0 : i32
        %parallel_loop3A_1122 = arith.constant 0 : i32
        %parallel_loop3A_1123 = tpu.memref_slice %arg7[%parallel_loop3A_1119, %parallel_loop3A_1120, %parallel_loop3A_1121, %parallel_loop3A_1122] : memref<2x8x8x129xf32, #tpu.memory_space<vmem>> -> memref<1x8x8x129xf32, #tpu.memory_space<vmem>>
        %parallel_loop3A_1124 = tpu.memref_squeeze %parallel_loop3A_1123 : memref<1x8x8x129xf32, #tpu.memory_space<vmem>> -> memref<8x8x129xf32, #tpu.memory_space<vmem>>
        tpu.vector_store_idx %parallel_loop3A_1124[%shift_right_logical3A_23, %and3A_34, %parallel_loop3A_1076], %parallel_loop3A_1118 : memref<8x8x129xf32, #tpu.memory_space<vmem>>[vector<16xi32>, vector<16xi32>, vector<16xi32>], vector<16xf32>,
      } {sc.loop_unroll_factor = 16 : i64, sc.parallel_access}
      %mul3A_909 = arith.constant 32 : i32
      %mul3A_910 = arith.muli %add3A_888, %mul3A_909 : i32
      %add3A_911 = arith.addi %add3A, %mul3A_910 : i32
      %jit3A_912 = arith.constant 128 : i32
      %div3A_913 = arith.divsi %add3A_911, %jit3A_912 : i32
      %sign3A_914 = arith.constant 0 : i32
      %sign3A_915 = arith.cmpi sgt, %add3A_911, %sign3A_914 : i32
      %sign3A_916 = arith.extui %sign3A_915 : i1 to i32
      %sign3A_917 = arith.constant 0 : i32
      %sign3A_918 = arith.cmpi slt, %add3A_911, %sign3A_917 : i32
      %sign3A_919 = arith.extui %sign3A_918 : i1 to i32
      %sign3A_920 = arith.subi %sign3A_916, %sign3A_919 : i32
      %sign3A_921 = arith.constant 0 : i32
      %sign3A_922 = arith.cmpi sgt, %jit3A_912, %sign3A_921 : i32
      %sign3A_923 = arith.extui %sign3A_922 : i1 to i32
      %sign3A_924 = arith.constant 0 : i32
      %sign3A_925 = arith.cmpi slt, %jit3A_912, %sign3A_924 : i32
      %sign3A_926 = arith.extui %sign3A_925 : i1 to i32
      %sign3A_927 = arith.subi %sign3A_923, %sign3A_926 : i32
      %ne3A_928 = arith.cmpi ne, %sign3A_920, %sign3A_927 : i32
      %rem3A_929 = arith.remsi %add3A_911, %jit3A_912 : i32
      %ne3A_930 = arith.constant 0 : i32
      %ne3A_931 = arith.cmpi ne, %rem3A_929, %ne3A_930 : i32
      %and3A_932 = arith.andi %ne3A_928, %ne3A_931 : i1
      %sub3A_933 = arith.constant 1 : i32
      %sub3A_934 = arith.subi %div3A_913, %sub3A_933 : i32
      %select_n3A_935 = arith.select %and3A_932, %sub3A_934, %div3A_913 : i32
      %jit3A_936 = arith.constant 128 : i32
      %eq3A_937 = arith.constant 0 : i32
      %eq3A_938 = arith.cmpi eq, %jit3A_936, %eq3A_937 : i32
      %jit3A_939 = arith.constant 1 : i32
      %select_n3A_940 = arith.select %eq3A_938, %jit3A_939, %jit3A_936 : i32
      %rem3A_941 = arith.remsi %add3A_911, %select_n3A_940 : i32
      %ne3A_942 = arith.constant 0 : i32
      %ne3A_943 = arith.cmpi ne, %rem3A_941, %ne3A_942 : i32
      %lt3A_944 = arith.constant 0 : i32
      %lt3A_945 = arith.cmpi slt, %rem3A_941, %lt3A_944 : i32
      %lt3A_946 = arith.constant 0 : i32
      %lt3A_947 = arith.cmpi slt, %select_n3A_940, %lt3A_946 : i32
      %ne3A_948 = arith.xori %lt3A_945, %lt3A_947 : i1
      %and3A_949 = arith.andi %ne3A_948, %ne3A_943 : i1
      %add3A_950 = arith.addi %rem3A_941, %select_n3A_940 : i32
      %select_n3A_951 = arith.select %and3A_949, %add3A_950, %rem3A_941 : i32
      %dma_start3A_952 = arith.constant 0 : i32
      %dma_start3A_953 = arith.constant 0 : i32
      %dma_start3A_954 = arith.constant 0 : i32
      %dma_start3A_955 = arith.constant 0 : i32
      %dma_start3A_956 = tpu.memref_slice %arg7[%dma_start3A_952, %dma_start3A_953, %dma_start3A_954, %dma_start3A_955] : memref<2x8x8x129xf32, #tpu.memory_space<vmem>> -> memref<1x8x8x128xf32, #tpu.memory_space<vmem>>
      %dma_start3A_957 = tpu.memref_squeeze %dma_start3A_956 : memref<1x8x8x128xf32, #tpu.memory_space<vmem>> -> memref<8x8x128xf32, #tpu.memory_space<vmem>>
      %dma_start3A_958 = arith.constant 0 : i32
      %dma_start3A_959 = arith.constant 0 : i32
      %dma_start3A_960 = arith.constant 0 : i32
      %dma_start3A_961 = tpu.memref_slice %arg4[%select_n3A_935, %dma_start3A_958, %select_n3A_951, %dma_start3A_959, %dma_start3A_960] : memref<50x8x128x8x128xf32, #tpu.memory_space<hbm>> -> memref<1x8x1x8x128xf32, #tpu.memory_space<hbm>>
      %dma_start3A_962 = tpu.memref_squeeze %dma_start3A_961 : memref<1x8x1x8x128xf32, #tpu.memory_space<hbm>> -> memref<8x8x128xf32, #tpu.memory_space<hbm>>
      %dma_start3A_963 = arith.constant 0 : i32
      %dma_start3A_964 = arith.constant 0 : i32
      %dma_start3A_965 = arith.constant 0 : i32
      %dma_start3A_966 = tpu.memref_slice %arg4[%select_n3A_935, %dma_start3A_963, %select_n3A_951, %dma_start3A_964, %dma_start3A_965] : memref<50x8x128x8x128xf32, #tpu.memory_space<hbm>> -> memref<1x8x1x8x128xf32, #tpu.memory_space<hbm>>
      %dma_start3A_967 = tpu.memref_squeeze %dma_start3A_966 : memref<1x8x1x8x128xf32, #tpu.memory_space<hbm>> -> memref<8x8x128xf32, #tpu.memory_space<hbm>>
      %dma_start3A_968 = arith.constant 0 : i32
      %dma_start3A_969 = arith.constant 0 : i32
      %dma_start3A_970 = arith.constant 0 : i32
      %dma_start3A_971 = tpu.memref_slice %arg7[%dma_start3A_952, %dma_start3A_968, %dma_start3A_969, %dma_start3A_970] : memref<2x8x8x129xf32, #tpu.memory_space<vmem>> -> memref<1x8x8x128xf32, #tpu.memory_space<vmem>>
      %dma_start3A_972 = tpu.memref_squeeze %dma_start3A_971 : memref<1x8x8x128xf32, #tpu.memory_space<vmem>> -> memref<8x8x128xf32, #tpu.memory_space<vmem>>
      tpu.enqueue_dma source(%dma_start3A_972 : memref<8x8x128xf32, #tpu.memory_space<vmem>>) target(%dma_start3A_967 : memref<8x8x128xf32, #tpu.memory_space<hbm>>) target_semaphore(%arg16 : memref<!tpu.dma_semaphore, #tpu.memory_space<semaphore_mem>>)
      %add3A_973 = arith.constant 4 : i32
      %add3A_974 = arith.addi %add3A_888, %add3A_973 : i32
      %lt3A_975 = arith.constant 200 : i32
      %lt3A_976 = arith.cmpi slt, %add3A_974, %lt3A_975 : i32
      %convert_element_type3A_977 = arith.extui %lt3A_976 : i1 to i32
      %cond3A_978 = arith.constant 0 : i32
      %cond3A_979 = arith.cmpi ne, %convert_element_type3A_977, %cond3A_978 : i32
      scf.if %cond3A_979 {
        %add3A_1075 = arith.constant 4 : i32
        %add3A_1076 = arith.addi %add3A_888, %add3A_1075 : i32
        %mul3A_1077 = arith.constant 32 : i32
        %mul3A_1078 = arith.muli %add3A_1076, %mul3A_1077 : i32
        %add3A_1079 = arith.addi %add3A, %mul3A_1078 : i32
        %jit3A_1080 = arith.constant 128 : i32
        %div3A_1081 = arith.divsi %add3A_1079, %jit3A_1080 : i32
        %sign3A_1082 = arith.constant 0 : i32
        %sign3A_1083 = arith.cmpi sgt, %add3A_1079, %sign3A_1082 : i32
        %sign3A_1084 = arith.extui %sign3A_1083 : i1 to i32
        %sign3A_1085 = arith.constant 0 : i32
        %sign3A_1086 = arith.cmpi slt, %add3A_1079, %sign3A_1085 : i32
        %sign3A_1087 = arith.extui %sign3A_1086 : i1 to i32
        %sign3A_1088 = arith.subi %sign3A_1084, %sign3A_1087 : i32
        %sign3A_1089 = arith.constant 0 : i32
        %sign3A_1090 = arith.cmpi sgt, %jit3A_1080, %sign3A_1089 : i32
        %sign3A_1091 = arith.extui %sign3A_1090 : i1 to i32
        %sign3A_1092 = arith.constant 0 : i32
        %sign3A_1093 = arith.cmpi slt, %jit3A_1080, %sign3A_1092 : i32
        %sign3A_1094 = arith.extui %sign3A_1093 : i1 to i32
        %sign3A_1095 = arith.subi %sign3A_1091, %sign3A_1094 : i32
        %ne3A_1096 = arith.cmpi ne, %sign3A_1088, %sign3A_1095 : i32
        %rem3A_1097 = arith.remsi %add3A_1079, %jit3A_1080 : i32
        %ne3A_1098 = arith.constant 0 : i32
        %ne3A_1099 = arith.cmpi ne, %rem3A_1097, %ne3A_1098 : i32
        %and3A_1100 = arith.andi %ne3A_1096, %ne3A_1099 : i1
        %sub3A_1101 = arith.constant 1 : i32
        %sub3A_1102 = arith.subi %div3A_1081, %sub3A_1101 : i32
        %select_n3A_1103 = arith.select %and3A_1100, %sub3A_1102, %div3A_1081 : i32
        %jit3A_1104 = arith.constant 128 : i32
        %eq3A_1105 = arith.constant 0 : i32
        %eq3A_1106 = arith.cmpi eq, %jit3A_1104, %eq3A_1105 : i32
        %jit3A_1107 = arith.constant 1 : i32
        %select_n3A_1108 = arith.select %eq3A_1106, %jit3A_1107, %jit3A_1104 : i32
        %rem3A_1109 = arith.remsi %add3A_1079, %select_n3A_1108 : i32
        %ne3A_1110 = arith.constant 0 : i32
        %ne3A_1111 = arith.cmpi ne, %rem3A_1109, %ne3A_1110 : i32
        %lt3A_1112 = arith.constant 0 : i32
        %lt3A_1113 = arith.cmpi slt, %rem3A_1109, %lt3A_1112 : i32
        %lt3A_1114 = arith.constant 0 : i32
        %lt3A_1115 = arith.cmpi slt, %select_n3A_1108, %lt3A_1114 : i32
        %ne3A_1116 = arith.xori %lt3A_1113, %lt3A_1115 : i1
        %and3A_1117 = arith.andi %ne3A_1116, %ne3A_1111 : i1
        %add3A_1118 = arith.addi %rem3A_1109, %select_n3A_1108 : i32
        %select_n3A_1119 = arith.select %and3A_1117, %add3A_1118, %rem3A_1109 : i32
        %mul3A_1120 = arith.constant 128 : i32
        %mul3A_1121 = arith.muli %select_n3A_1119, %mul3A_1120 : i32
        %dma_wait3A_1122 = arith.constant 2 : i32
        %dma_wait3A_1123 = arith.constant 0 : i32
        %dma_wait3A_1124 = tpu.memref_slice %arg5[%dma_wait3A_1122, %dma_wait3A_1123] : memref<4x128xi32, #tpu.memory_space<vmem>> -> memref<1x128xi32, #tpu.memory_space<vmem>>
        %dma_wait3A_1125 = tpu.memref_squeeze %dma_wait3A_1124 : memref<1x128xi32, #tpu.memory_space<vmem>> -> memref<128xi32, #tpu.memory_space<vmem>>
        %dma_wait3A_1126 = tpu.memref_slice %arg3[%select_n3A_1103, %mul3A_1121] : memref<50x16384xi32, #tpu.memory_space<hbm>> -> memref<1x128xi32, #tpu.memory_space<hbm>>
        %dma_wait3A_1127 = tpu.memref_squeeze %dma_wait3A_1126 : memref<1x128xi32, #tpu.memory_space<hbm>> -> memref<128xi32, #tpu.memory_space<hbm>>
        %dma_wait3A_1128 = arith.constant 0 : i32
        %dma_wait3A_1129 = tpu.memref_slice %arg5[%dma_wait3A_1122, %dma_wait3A_1128] : memref<4x128xi32, #tpu.memory_space<vmem>> -> memref<1x128xi32, #tpu.memory_space<vmem>>
        %dma_wait3A_1130 = tpu.memref_squeeze %dma_wait3A_1129 : memref<1x128xi32, #tpu.memory_space<vmem>> -> memref<128xi32, #tpu.memory_space<vmem>>
        %dma_wait3A_1131 = tpu.memref_slice %arg3[%select_n3A_1103, %mul3A_1121] : memref<50x16384xi32, #tpu.memory_space<hbm>> -> memref<1x128xi32, #tpu.memory_space<hbm>>
        %dma_wait3A_1132 = tpu.memref_squeeze %dma_wait3A_1131 : memref<1x128xi32, #tpu.memory_space<hbm>> -> memref<128xi32, #tpu.memory_space<hbm>>
        tpu.wait_dma2 semaphore(%arg10 : memref<!tpu.dma_semaphore, #tpu.memory_space<semaphore_mem>>) src(%dma_wait3A_1132 : memref<128xi32, #tpu.memory_space<hbm>>) dst(%dma_wait3A_1130 : memref<128xi32, #tpu.memory_space<vmem>>)
        %dma_start3A_1133 = arith.constant 2 : i32
        %dma_start3A_1134 = arith.constant 2 : i32
        %dma_start3A_1135 = arith.constant 0 : i32
        %dma_start3A_1136 = arith.constant 0 : i32
        %dma_start3A_1137 = tpu.memref_slice %arg6[%dma_start3A_1134, %dma_start3A_1135, %dma_start3A_1136] : memref<4x128x128xf32, #tpu.memory_space<vmem>> -> memref<1x128x128xf32, #tpu.memory_space<vmem>>
        %dma_start3A_1138 = tpu.memref_squeeze %dma_start3A_1137 : memref<1x128x128xf32, #tpu.memory_space<vmem>> -> memref<128x128xf32, #tpu.memory_space<vmem>>
        %dma_start3A_1139 = arith.constant 0 : i32
        %dma_start3A_1140 = tpu.memref_slice %arg5[%dma_start3A_1133, %dma_start3A_1139] : memref<4x128xi32, #tpu.memory_space<vmem>> -> memref<1x128xi32, #tpu.memory_space<vmem>>
        %dma_start3A_1141 = tpu.memref_squeeze %dma_start3A_1140 : memref<1x128xi32, #tpu.memory_space<vmem>> -> memref<128xi32, #tpu.memory_space<vmem>>
        %dma_start3A_1142 = arith.constant 0 : i32
        %dma_start3A_1143 = arith.constant 0 : i32
        %dma_start3A_1144 = tpu.memref_slice %arg2[%dma_start3A_1142, %dma_start3A_1143] : memref<1000000x128xf32, #tpu.memory_space<hbm>> -> memref<1000000x128xf32, #tpu.memory_space<hbm>>
        tpu.enqueue_indirect_dma source(%dma_start3A_1144 : memref<1000000x128xf32, #tpu.memory_space<hbm>>) target(%dma_start3A_1138 : memref<128x128xf32, #tpu.memory_space<vmem>>) offsets(%dma_start3A_1141 : memref<128xi32, #tpu.memory_space<vmem>>) semaphore(%arg14 : memref<!tpu.dma_semaphore, #tpu.memory_space<semaphore_mem>>)
        %add3A_1145 = arith.constant 4 : i32
        %add3A_1146 = arith.addi %add3A_888, %add3A_1145 : i32
        %add3A_1147 = arith.constant 1 : i32
        %add3A_1148 = arith.addi %add3A_1146, %add3A_1147 : i32
        %lt3A_1149 = arith.constant 200 : i32
        %lt3A_1150 = arith.cmpi slt, %add3A_1148, %lt3A_1149 : i32
        %convert_element_type3A_1151 = arith.extui %lt3A_1150 : i1 to i32
        %cond3A_1152 = arith.constant 0 : i32
        %cond3A_1153 = arith.cmpi ne, %convert_element_type3A_1151, %cond3A_1152 : i32
        scf.if %cond3A_1153 {
          %add3A_1154 = arith.constant 4 : i32
          %add3A_1155 = arith.addi %add3A_888, %add3A_1154 : i32
          %add3A_1156 = arith.constant 1 : i32
          %add3A_1157 = arith.addi %add3A_1155, %add3A_1156 : i32
          %mul3A_1158 = arith.constant 32 : i32
          %mul3A_1159 = arith.muli %add3A_1157, %mul3A_1158 : i32
          %add3A_1160 = arith.addi %add3A, %mul3A_1159 : i32
          %jit3A_1161 = arith.constant 128 : i32
          %div3A_1162 = arith.divsi %add3A_1160, %jit3A_1161 : i32
          %sign3A_1163 = arith.constant 0 : i32
          %sign3A_1164 = arith.cmpi sgt, %add3A_1160, %sign3A_1163 : i32
          %sign3A_1165 = arith.extui %sign3A_1164 : i1 to i32
          %sign3A_1166 = arith.constant 0 : i32
          %sign3A_1167 = arith.cmpi slt, %add3A_1160, %sign3A_1166 : i32
          %sign3A_1168 = arith.extui %sign3A_1167 : i1 to i32
          %sign3A_1169 = arith.subi %sign3A_1165, %sign3A_1168 : i32
          %sign3A_1170 = arith.constant 0 : i32
          %sign3A_1171 = arith.cmpi sgt, %jit3A_1161, %sign3A_1170 : i32
          %sign3A_1172 = arith.extui %sign3A_1171 : i1 to i32
          %sign3A_1173 = arith.constant 0 : i32
          %sign3A_1174 = arith.cmpi slt, %jit3A_1161, %sign3A_1173 : i32
          %sign3A_1175 = arith.extui %sign3A_1174 : i1 to i32
          %sign3A_1176 = arith.subi %sign3A_1172, %sign3A_1175 : i32
          %ne3A_1177 = arith.cmpi ne, %sign3A_1169, %sign3A_1176 : i32
          %rem3A_1178 = arith.remsi %add3A_1160, %jit3A_1161 : i32
          %ne3A_1179 = arith.constant 0 : i32
          %ne3A_1180 = arith.cmpi ne, %rem3A_1178, %ne3A_1179 : i32
          %and3A_1181 = arith.andi %ne3A_1177, %ne3A_1180 : i1
          %sub3A_1182 = arith.constant 1 : i32
          %sub3A_1183 = arith.subi %div3A_1162, %sub3A_1182 : i32
          %select_n3A_1184 = arith.select %and3A_1181, %sub3A_1183, %div3A_1162 : i32
          %jit3A_1185 = arith.constant 128 : i32
          %eq3A_1186 = arith.constant 0 : i32
          %eq3A_1187 = arith.cmpi eq, %jit3A_1185, %eq3A_1186 : i32
          %jit3A_1188 = arith.constant 1 : i32
          %select_n3A_1189 = arith.select %eq3A_1187, %jit3A_1188, %jit3A_1185 : i32
          %rem3A_1190 = arith.remsi %add3A_1160, %select_n3A_1189 : i32
          %ne3A_1191 = arith.constant 0 : i32
          %ne3A_1192 = arith.cmpi ne, %rem3A_1190, %ne3A_1191 : i32
          %lt3A_1193 = arith.constant 0 : i32
          %lt3A_1194 = arith.cmpi slt, %rem3A_1190, %lt3A_1193 : i32
          %lt3A_1195 = arith.constant 0 : i32
          %lt3A_1196 = arith.cmpi slt, %select_n3A_1189, %lt3A_1195 : i32
          %ne3A_1197 = arith.xori %lt3A_1194, %lt3A_1196 : i1
          %and3A_1198 = arith.andi %ne3A_1197, %ne3A_1192 : i1
          %add3A_1199 = arith.addi %rem3A_1190, %select_n3A_1189 : i32
          %select_n3A_1200 = arith.select %and3A_1198, %add3A_1199, %rem3A_1190 : i32
          %mul3A_1201 = arith.constant 128 : i32
          %mul3A_1202 = arith.muli %select_n3A_1200, %mul3A_1201 : i32
          %dma_start3A_1203 = arith.constant 3 : i32
          %dma_start3A_1204 = arith.constant 0 : i32
          %dma_start3A_1205 = tpu.memref_slice %arg5[%dma_start3A_1203, %dma_start3A_1204] : memref<4x128xi32, #tpu.memory_space<vmem>> -> memref<1x128xi32, #tpu.memory_space<vmem>>
          %dma_start3A_1206 = tpu.memref_squeeze %dma_start3A_1205 : memref<1x128xi32, #tpu.memory_space<vmem>> -> memref<128xi32, #tpu.memory_space<vmem>>
          %dma_start3A_1207 = tpu.memref_slice %arg3[%select_n3A_1184, %mul3A_1202] : memref<50x16384xi32, #tpu.memory_space<hbm>> -> memref<1x128xi32, #tpu.memory_space<hbm>>
          %dma_start3A_1208 = tpu.memref_squeeze %dma_start3A_1207 : memref<1x128xi32, #tpu.memory_space<hbm>> -> memref<128xi32, #tpu.memory_space<hbm>>
          %dma_start3A_1209 = arith.constant 0 : i32
          %dma_start3A_1210 = tpu.memref_slice %arg5[%dma_start3A_1203, %dma_start3A_1209] : memref<4x128xi32, #tpu.memory_space<vmem>> -> memref<1x128xi32, #tpu.memory_space<vmem>>
          %dma_start3A_1211 = tpu.memref_squeeze %dma_start3A_1210 : memref<1x128xi32, #tpu.memory_space<vmem>> -> memref<128xi32, #tpu.memory_space<vmem>>
          %dma_start3A_1212 = tpu.memref_slice %arg3[%select_n3A_1184, %mul3A_1202] : memref<50x16384xi32, #tpu.memory_space<hbm>> -> memref<1x128xi32, #tpu.memory_space<hbm>>
          %dma_start3A_1213 = tpu.memref_squeeze %dma_start3A_1212 : memref<1x128xi32, #tpu.memory_space<hbm>> -> memref<128xi32, #tpu.memory_space<hbm>>
          tpu.enqueue_dma source(%dma_start3A_1213 : memref<128xi32, #tpu.memory_space<hbm>>) target(%dma_start3A_1211 : memref<128xi32, #tpu.memory_space<vmem>>) target_semaphore(%arg11 : memref<!tpu.dma_semaphore, #tpu.memory_space<semaphore_mem>>)
        } else {
        }
      } else {
      }
      %mul3A_980 = arith.constant 4 : i32
      %mul3A_981 = arith.muli %mul3A_980, %scan3A_698 : i32
      %add3A_982 = arith.constant 3 : i32
      %add3A_983 = arith.addi %mul3A_981, %add3A_982 : i32
      %dma_wait3A_984 = arith.constant 3 : i32
      %dma_wait3A_985 = arith.constant 3 : i32
      %dma_wait3A_986 = arith.constant 0 : i32
      %dma_wait3A_987 = arith.constant 0 : i32
      %dma_wait3A_988 = tpu.memref_slice %arg6[%dma_wait3A_985, %dma_wait3A_986, %dma_wait3A_987] : memref<4x128x128xf32, #tpu.memory_space<vmem>> -> memref<1x128x128xf32, #tpu.memory_space<vmem>>
      %dma_wait3A_989 = tpu.memref_squeeze %dma_wait3A_988 : memref<1x128x128xf32, #tpu.memory_space<vmem>> -> memref<128x128xf32, #tpu.memory_space<vmem>>
      %dma_wait3A_990 = arith.constant 0 : i32
      %dma_wait3A_991 = tpu.memref_slice %arg5[%dma_wait3A_984, %dma_wait3A_990] : memref<4x128xi32, #tpu.memory_space<vmem>> -> memref<1x128xi32, #tpu.memory_space<vmem>>
      %dma_wait3A_992 = tpu.memref_squeeze %dma_wait3A_991 : memref<1x128xi32, #tpu.memory_space<vmem>> -> memref<128xi32, #tpu.memory_space<vmem>>
      %dma_wait3A_993 = arith.constant 0 : i32
      %dma_wait3A_994 = arith.constant 0 : i32
      %dma_wait3A_995 = tpu.memref_slice %arg2[%dma_wait3A_993, %dma_wait3A_994] : memref<1000000x128xf32, #tpu.memory_space<hbm>> -> memref<1000000x128xf32, #tpu.memory_space<hbm>>
      tpu.wait_indirect_dma semaphore(%arg15 : memref<!tpu.dma_semaphore, #tpu.memory_space<semaphore_mem>>) src(%dma_wait3A_995 : memref<1000000x128xf32, #tpu.memory_space<hbm>>) dst(%dma_wait3A_989 : memref<128x128xf32, #tpu.memory_space<vmem>>)
      %ge3A_996 = arith.constant 2 : i32
      %ge3A_997 = arith.cmpi sge, %add3A_983, %ge3A_996 : i32
      %convert_element_type3A_998 = arith.extui %ge3A_997 : i1 to i32
      %cond3A_999 = arith.constant 0 : i32
      %cond3A_1000 = arith.cmpi ne, %convert_element_type3A_998, %cond3A_999 : i32
      scf.if %cond3A_1000 {
        %sub3A_1075 = arith.constant 2 : i32
        %sub3A_1076 = arith.subi %add3A_983, %sub3A_1075 : i32
        %mul3A_1077 = arith.constant 32 : i32
        %mul3A_1078 = arith.muli %sub3A_1076, %mul3A_1077 : i32
        %add3A_1079 = arith.addi %add3A, %mul3A_1078 : i32
        %jit3A_1080 = arith.constant 128 : i32
        %div3A_1081 = arith.divsi %add3A_1079, %jit3A_1080 : i32
        %sign3A_1082 = arith.constant 0 : i32
        %sign3A_1083 = arith.cmpi sgt, %add3A_1079, %sign3A_1082 : i32
        %sign3A_1084 = arith.extui %sign3A_1083 : i1 to i32
        %sign3A_1085 = arith.constant 0 : i32
        %sign3A_1086 = arith.cmpi slt, %add3A_1079, %sign3A_1085 : i32
        %sign3A_1087 = arith.extui %sign3A_1086 : i1 to i32
        %sign3A_1088 = arith.subi %sign3A_1084, %sign3A_1087 : i32
        %sign3A_1089 = arith.constant 0 : i32
        %sign3A_1090 = arith.cmpi sgt, %jit3A_1080, %sign3A_1089 : i32
        %sign3A_1091 = arith.extui %sign3A_1090 : i1 to i32
        %sign3A_1092 = arith.constant 0 : i32
        %sign3A_1093 = arith.cmpi slt, %jit3A_1080, %sign3A_1092 : i32
        %sign3A_1094 = arith.extui %sign3A_1093 : i1 to i32
        %sign3A_1095 = arith.subi %sign3A_1091, %sign3A_1094 : i32
        %ne3A_1096 = arith.cmpi ne, %sign3A_1088, %sign3A_1095 : i32
        %rem3A_1097 = arith.remsi %add3A_1079, %jit3A_1080 : i32
        %ne3A_1098 = arith.constant 0 : i32
        %ne3A_1099 = arith.cmpi ne, %rem3A_1097, %ne3A_1098 : i32
        %and3A_1100 = arith.andi %ne3A_1096, %ne3A_1099 : i1
        %sub3A_1101 = arith.constant 1 : i32
        %sub3A_1102 = arith.subi %div3A_1081, %sub3A_1101 : i32
        %select_n3A_1103 = arith.select %and3A_1100, %sub3A_1102, %div3A_1081 : i32
        %jit3A_1104 = arith.constant 128 : i32
        %eq3A_1105 = arith.constant 0 : i32
        %eq3A_1106 = arith.cmpi eq, %jit3A_1104, %eq3A_1105 : i32
        %jit3A_1107 = arith.constant 1 : i32
        %select_n3A_1108 = arith.select %eq3A_1106, %jit3A_1107, %jit3A_1104 : i32
        %rem3A_1109 = arith.remsi %add3A_1079, %select_n3A_1108 : i32
        %ne3A_1110 = arith.constant 0 : i32
        %ne3A_1111 = arith.cmpi ne, %rem3A_1109, %ne3A_1110 : i32
        %lt3A_1112 = arith.constant 0 : i32
        %lt3A_1113 = arith.cmpi slt, %rem3A_1109, %lt3A_1112 : i32
        %lt3A_1114 = arith.constant 0 : i32
        %lt3A_1115 = arith.cmpi slt, %select_n3A_1108, %lt3A_1114 : i32
        %ne3A_1116 = arith.xori %lt3A_1113, %lt3A_1115 : i1
        %and3A_1117 = arith.andi %ne3A_1116, %ne3A_1111 : i1
        %add3A_1118 = arith.addi %rem3A_1109, %select_n3A_1108 : i32
        %select_n3A_1119 = arith.select %and3A_1117, %add3A_1118, %rem3A_1109 : i32
        %dma_wait3A_1120 = arith.constant 1 : i32
        %dma_wait3A_1121 = arith.constant 0 : i32
        %dma_wait3A_1122 = arith.constant 0 : i32
        %dma_wait3A_1123 = arith.constant 0 : i32
        %dma_wait3A_1124 = tpu.memref_slice %arg7[%dma_wait3A_1120, %dma_wait3A_1121, %dma_wait3A_1122, %dma_wait3A_1123] : memref<2x8x8x129xf32, #tpu.memory_space<vmem>> -> memref<1x8x8x128xf32, #tpu.memory_space<vmem>>
        %dma_wait3A_1125 = tpu.memref_squeeze %dma_wait3A_1124 : memref<1x8x8x128xf32, #tpu.memory_space<vmem>> -> memref<8x8x128xf32, #tpu.memory_space<vmem>>
        %dma_wait3A_1126 = arith.constant 0 : i32
        %dma_wait3A_1127 = arith.constant 0 : i32
        %dma_wait3A_1128 = arith.constant 0 : i32
        %dma_wait3A_1129 = tpu.memref_slice %arg4[%select_n3A_1103, %dma_wait3A_1126, %select_n3A_1119, %dma_wait3A_1127, %dma_wait3A_1128] : memref<50x8x128x8x128xf32, #tpu.memory_space<hbm>> -> memref<1x8x1x8x128xf32, #tpu.memory_space<hbm>>
        %dma_wait3A_1130 = tpu.memref_squeeze %dma_wait3A_1129 : memref<1x8x1x8x128xf32, #tpu.memory_space<hbm>> -> memref<8x8x128xf32, #tpu.memory_space<hbm>>
        %dma_wait3A_1131 = arith.constant 0 : i32
        %dma_wait3A_1132 = arith.constant 0 : i32
        %dma_wait3A_1133 = arith.constant 0 : i32
        %dma_wait3A_1134 = tpu.memref_slice %arg4[%select_n3A_1103, %dma_wait3A_1131, %select_n3A_1119, %dma_wait3A_1132, %dma_wait3A_1133] : memref<50x8x128x8x128xf32, #tpu.memory_space<hbm>> -> memref<1x8x1x8x128xf32, #tpu.memory_space<hbm>>
        %dma_wait3A_1135 = tpu.memref_squeeze %dma_wait3A_1134 : memref<1x8x1x8x128xf32, #tpu.memory_space<hbm>> -> memref<8x8x128xf32, #tpu.memory_space<hbm>>
        %dma_wait3A_1136 = arith.constant 0 : i32
        %dma_wait3A_1137 = arith.constant 0 : i32
        %dma_wait3A_1138 = arith.constant 0 : i32
        %dma_wait3A_1139 = tpu.memref_slice %arg7[%dma_wait3A_1120, %dma_wait3A_1136, %dma_wait3A_1137, %dma_wait3A_1138] : memref<2x8x8x129xf32, #tpu.memory_space<vmem>> -> memref<1x8x8x128xf32, #tpu.memory_space<vmem>>
        %dma_wait3A_1140 = tpu.memref_squeeze %dma_wait3A_1139 : memref<1x8x8x128xf32, #tpu.memory_space<vmem>> -> memref<8x8x128xf32, #tpu.memory_space<vmem>>
        tpu.wait_dma2 semaphore(%arg17 : memref<!tpu.dma_semaphore, #tpu.memory_space<semaphore_mem>>) src(%dma_wait3A_1140 : memref<8x8x128xf32, #tpu.memory_space<vmem>>) dst(%dma_wait3A_1135 : memref<8x8x128xf32, #tpu.memory_space<hbm>>)
      } else {
      }
      %parallel_loop3A_1001 = arith.constant 0 : i32
      %parallel_loop3A_1002 = arith.constant 128 : i32
      %parallel_loop3A_1003 = arith.constant 1 : i32
      scf.for %parallel_loop3A_1075 = %parallel_loop3A_1001 to %parallel_loop3A_1002 step %parallel_loop3A_1003  : i32 {
        %parallel_loop3A_1076 = vector.broadcast %parallel_loop3A_1075 : i32 to vector<16xi32>
        %parallel_loop3A_1077 = arith.constant 3 : i32
        %parallel_loop3A_1078 = arith.constant 0 : i32
        %parallel_loop3A_1079 = arith.constant 0 : i32
        %parallel_loop3A_1080 = tpu.memref_slice %arg6[%parallel_loop3A_1077, %parallel_loop3A_1078, %parallel_loop3A_1079] : memref<4x128x128xf32, #tpu.memory_space<vmem>> -> memref<1x128x128xf32, #tpu.memory_space<vmem>>
        %parallel_loop3A_1081 = tpu.memref_squeeze %parallel_loop3A_1080 : memref<1x128x128xf32, #tpu.memory_space<vmem>> -> memref<128x128xf32, #tpu.memory_space<vmem>>
        %parallel_loop3A_1082 = tpu.vector_load_idx %parallel_loop3A_1081[%parallel_loop3A_1076, %add3A_3] : memref<128x128xf32, #tpu.memory_space<vmem>>[vector<16xi32>, vector<16xi32>], vector<16xf32>,
        %parallel_loop3A_1083 = arith.constant 1 : i32
        %parallel_loop3A_1084 = arith.constant 0 : i32
        %parallel_loop3A_1085 = arith.constant 0 : i32
        %parallel_loop3A_1086 = arith.constant 0 : i32
        %parallel_loop3A_1087 = tpu.memref_slice %arg7[%parallel_loop3A_1083, %parallel_loop3A_1084, %parallel_loop3A_1085, %parallel_loop3A_1086] : memref<2x8x8x129xf32, #tpu.memory_space<vmem>> -> memref<1x8x8x129xf32, #tpu.memory_space<vmem>>
        %parallel_loop3A_1088 = tpu.memref_squeeze %parallel_loop3A_1087 : memref<1x8x8x129xf32, #tpu.memory_space<vmem>> -> memref<8x8x129xf32, #tpu.memory_space<vmem>>
        tpu.vector_store_idx %parallel_loop3A_1088[%shift_right_logical3A_14, %and3A_25, %parallel_loop3A_1076], %parallel_loop3A_1082 : memref<8x8x129xf32, #tpu.memory_space<vmem>>[vector<16xi32>, vector<16xi32>, vector<16xi32>], vector<16xf32>,
        %parallel_loop3A_1089 = arith.constant 3 : i32
        %parallel_loop3A_1090 = arith.constant 0 : i32
        %parallel_loop3A_1091 = arith.constant 0 : i32
        %parallel_loop3A_1092 = tpu.memref_slice %arg6[%parallel_loop3A_1089, %parallel_loop3A_1090, %parallel_loop3A_1091] : memref<4x128x128xf32, #tpu.memory_space<vmem>> -> memref<1x128x128xf32, #tpu.memory_space<vmem>>
        %parallel_loop3A_1093 = tpu.memref_squeeze %parallel_loop3A_1092 : memref<1x128x128xf32, #tpu.memory_space<vmem>> -> memref<128x128xf32, #tpu.memory_space<vmem>>
        %parallel_loop3A_1094 = tpu.vector_load_idx %parallel_loop3A_1093[%parallel_loop3A_1076, %add3A_6] : memref<128x128xf32, #tpu.memory_space<vmem>>[vector<16xi32>, vector<16xi32>], vector<16xf32>,
        %parallel_loop3A_1095 = arith.constant 1 : i32
        %parallel_loop3A_1096 = arith.constant 0 : i32
        %parallel_loop3A_1097 = arith.constant 0 : i32
        %parallel_loop3A_1098 = arith.constant 0 : i32
        %parallel_loop3A_1099 = tpu.memref_slice %arg7[%parallel_loop3A_1095, %parallel_loop3A_1096, %parallel_loop3A_1097, %parallel_loop3A_1098] : memref<2x8x8x129xf32, #tpu.memory_space<vmem>> -> memref<1x8x8x129xf32, #tpu.memory_space<vmem>>
        %parallel_loop3A_1100 = tpu.memref_squeeze %parallel_loop3A_1099 : memref<1x8x8x129xf32, #tpu.memory_space<vmem>> -> memref<8x8x129xf32, #tpu.memory_space<vmem>>
        tpu.vector_store_idx %parallel_loop3A_1100[%shift_right_logical3A_17, %and3A_28, %parallel_loop3A_1076], %parallel_loop3A_1094 : memref<8x8x129xf32, #tpu.memory_space<vmem>>[vector<16xi32>, vector<16xi32>, vector<16xi32>], vector<16xf32>,
        %parallel_loop3A_1101 = arith.constant 3 : i32
        %parallel_loop3A_1102 = arith.constant 0 : i32
        %parallel_loop3A_1103 = arith.constant 0 : i32
        %parallel_loop3A_1104 = tpu.memref_slice %arg6[%parallel_loop3A_1101, %parallel_loop3A_1102, %parallel_loop3A_1103] : memref<4x128x128xf32, #tpu.memory_space<vmem>> -> memref<1x128x128xf32, #tpu.memory_space<vmem>>
        %parallel_loop3A_1105 = tpu.memref_squeeze %parallel_loop3A_1104 : memref<1x128x128xf32, #tpu.memory_space<vmem>> -> memref<128x128xf32, #tpu.memory_space<vmem>>
        %parallel_loop3A_1106 = tpu.vector_load_idx %parallel_loop3A_1105[%parallel_loop3A_1076, %add3A_9] : memref<128x128xf32, #tpu.memory_space<vmem>>[vector<16xi32>, vector<16xi32>], vector<16xf32>,
        %parallel_loop3A_1107 = arith.constant 1 : i32
        %parallel_loop3A_1108 = arith.constant 0 : i32
        %parallel_loop3A_1109 = arith.constant 0 : i32
        %parallel_loop3A_1110 = arith.constant 0 : i32
        %parallel_loop3A_1111 = tpu.memref_slice %arg7[%parallel_loop3A_1107, %parallel_loop3A_1108, %parallel_loop3A_1109, %parallel_loop3A_1110] : memref<2x8x8x129xf32, #tpu.memory_space<vmem>> -> memref<1x8x8x129xf32, #tpu.memory_space<vmem>>
        %parallel_loop3A_1112 = tpu.memref_squeeze %parallel_loop3A_1111 : memref<1x8x8x129xf32, #tpu.memory_space<vmem>> -> memref<8x8x129xf32, #tpu.memory_space<vmem>>
        tpu.vector_store_idx %parallel_loop3A_1112[%shift_right_logical3A_20, %and3A_31, %parallel_loop3A_1076], %parallel_loop3A_1106 : memref<8x8x129xf32, #tpu.memory_space<vmem>>[vector<16xi32>, vector<16xi32>, vector<16xi32>], vector<16xf32>,
        %parallel_loop3A_1113 = arith.constant 3 : i32
        %parallel_loop3A_1114 = arith.constant 0 : i32
        %parallel_loop3A_1115 = arith.constant 0 : i32
        %parallel_loop3A_1116 = tpu.memref_slice %arg6[%parallel_loop3A_1113, %parallel_loop3A_1114, %parallel_loop3A_1115] : memref<4x128x128xf32, #tpu.memory_space<vmem>> -> memref<1x128x128xf32, #tpu.memory_space<vmem>>
        %parallel_loop3A_1117 = tpu.memref_squeeze %parallel_loop3A_1116 : memref<1x128x128xf32, #tpu.memory_space<vmem>> -> memref<128x128xf32, #tpu.memory_space<vmem>>
        %parallel_loop3A_1118 = tpu.vector_load_idx %parallel_loop3A_1117[%parallel_loop3A_1076, %add3A_12] : memref<128x128xf32, #tpu.memory_space<vmem>>[vector<16xi32>, vector<16xi32>], vector<16xf32>,
        %parallel_loop3A_1119 = arith.constant 1 : i32
        %parallel_loop3A_1120 = arith.constant 0 : i32
        %parallel_loop3A_1121 = arith.constant 0 : i32
        %parallel_loop3A_1122 = arith.constant 0 : i32
        %parallel_loop3A_1123 = tpu.memref_slice %arg7[%parallel_loop3A_1119, %parallel_loop3A_1120, %parallel_loop3A_1121, %parallel_loop3A_1122] : memref<2x8x8x129xf32, #tpu.memory_space<vmem>> -> memref<1x8x8x129xf32, #tpu.memory_space<vmem>>
        %parallel_loop3A_1124 = tpu.memref_squeeze %parallel_loop3A_1123 : memref<1x8x8x129xf32, #tpu.memory_space<vmem>> -> memref<8x8x129xf32, #tpu.memory_space<vmem>>
        tpu.vector_store_idx %parallel_loop3A_1124[%shift_right_logical3A_23, %and3A_34, %parallel_loop3A_1076], %parallel_loop3A_1118 : memref<8x8x129xf32, #tpu.memory_space<vmem>>[vector<16xi32>, vector<16xi32>, vector<16xi32>], vector<16xf32>,
      } {sc.loop_unroll_factor = 16 : i64, sc.parallel_access}
      %mul3A_1004 = arith.constant 32 : i32
      %mul3A_1005 = arith.muli %add3A_983, %mul3A_1004 : i32
      %add3A_1006 = arith.addi %add3A, %mul3A_1005 : i32
      %jit3A_1007 = arith.constant 128 : i32
      %div3A_1008 = arith.divsi %add3A_1006, %jit3A_1007 : i32
      %sign3A_1009 = arith.constant 0 : i32
      %sign3A_1010 = arith.cmpi sgt, %add3A_1006, %sign3A_1009 : i32
      %sign3A_1011 = arith.extui %sign3A_1010 : i1 to i32
      %sign3A_1012 = arith.constant 0 : i32
      %sign3A_1013 = arith.cmpi slt, %add3A_1006, %sign3A_1012 : i32
      %sign3A_1014 = arith.extui %sign3A_1013 : i1 to i32
      %sign3A_1015 = arith.subi %sign3A_1011, %sign3A_1014 : i32
      %sign3A_1016 = arith.constant 0 : i32
      %sign3A_1017 = arith.cmpi sgt, %jit3A_1007, %sign3A_1016 : i32
      %sign3A_1018 = arith.extui %sign3A_1017 : i1 to i32
      %sign3A_1019 = arith.constant 0 : i32
      %sign3A_1020 = arith.cmpi slt, %jit3A_1007, %sign3A_1019 : i32
      %sign3A_1021 = arith.extui %sign3A_1020 : i1 to i32
      %sign3A_1022 = arith.subi %sign3A_1018, %sign3A_1021 : i32
      %ne3A_1023 = arith.cmpi ne, %sign3A_1015, %sign3A_1022 : i32
      %rem3A_1024 = arith.remsi %add3A_1006, %jit3A_1007 : i32
      %ne3A_1025 = arith.constant 0 : i32
      %ne3A_1026 = arith.cmpi ne, %rem3A_1024, %ne3A_1025 : i32
      %and3A_1027 = arith.andi %ne3A_1023, %ne3A_1026 : i1
      %sub3A_1028 = arith.constant 1 : i32
      %sub3A_1029 = arith.subi %div3A_1008, %sub3A_1028 : i32
      %select_n3A_1030 = arith.select %and3A_1027, %sub3A_1029, %div3A_1008 : i32
      %jit3A_1031 = arith.constant 128 : i32
      %eq3A_1032 = arith.constant 0 : i32
      %eq3A_1033 = arith.cmpi eq, %jit3A_1031, %eq3A_1032 : i32
      %jit3A_1034 = arith.constant 1 : i32
      %select_n3A_1035 = arith.select %eq3A_1033, %jit3A_1034, %jit3A_1031 : i32
      %rem3A_1036 = arith.remsi %add3A_1006, %select_n3A_1035 : i32
      %ne3A_1037 = arith.constant 0 : i32
      %ne3A_1038 = arith.cmpi ne, %rem3A_1036, %ne3A_1037 : i32
      %lt3A_1039 = arith.constant 0 : i32
      %lt3A_1040 = arith.cmpi slt, %rem3A_1036, %lt3A_1039 : i32
      %lt3A_1041 = arith.constant 0 : i32
      %lt3A_1042 = arith.cmpi slt, %select_n3A_1035, %lt3A_1041 : i32
      %ne3A_1043 = arith.xori %lt3A_1040, %lt3A_1042 : i1
      %and3A_1044 = arith.andi %ne3A_1043, %ne3A_1038 : i1
      %add3A_1045 = arith.addi %rem3A_1036, %select_n3A_1035 : i32
      %select_n3A_1046 = arith.select %and3A_1044, %add3A_1045, %rem3A_1036 : i32
      %dma_start3A_1047 = arith.constant 1 : i32
      %dma_start3A_1048 = arith.constant 0 : i32
      %dma_start3A_1049 = arith.constant 0 : i32
      %dma_start3A_1050 = arith.constant 0 : i32
      %dma_start3A_1051 = tpu.memref_slice %arg7[%dma_start3A_1047, %dma_start3A_1048, %dma_start3A_1049, %dma_start3A_1050] : memref<2x8x8x129xf32, #tpu.memory_space<vmem>> -> memref<1x8x8x128xf32, #tpu.memory_space<vmem>>
      %dma_start3A_1052 = tpu.memref_squeeze %dma_start3A_1051 : memref<1x8x8x128xf32, #tpu.memory_space<vmem>> -> memref<8x8x128xf32, #tpu.memory_space<vmem>>
      %dma_start3A_1053 = arith.constant 0 : i32
      %dma_start3A_1054 = arith.constant 0 : i32
      %dma_start3A_1055 = arith.constant 0 : i32
      %dma_start3A_1056 = tpu.memref_slice %arg4[%select_n3A_1030, %dma_start3A_1053, %select_n3A_1046, %dma_start3A_1054, %dma_start3A_1055] : memref<50x8x128x8x128xf32, #tpu.memory_space<hbm>> -> memref<1x8x1x8x128xf32, #tpu.memory_space<hbm>>
      %dma_start3A_1057 = tpu.memref_squeeze %dma_start3A_1056 : memref<1x8x1x8x128xf32, #tpu.memory_space<hbm>> -> memref<8x8x128xf32, #tpu.memory_space<hbm>>
      %dma_start3A_1058 = arith.constant 0 : i32
      %dma_start3A_1059 = arith.constant 0 : i32
      %dma_start3A_1060 = arith.constant 0 : i32
      %dma_start3A_1061 = tpu.memref_slice %arg4[%select_n3A_1030, %dma_start3A_1058, %select_n3A_1046, %dma_start3A_1059, %dma_start3A_1060] : memref<50x8x128x8x128xf32, #tpu.memory_space<hbm>> -> memref<1x8x1x8x128xf32, #tpu.memory_space<hbm>>
      %dma_start3A_1062 = tpu.memref_squeeze %dma_start3A_1061 : memref<1x8x1x8x128xf32, #tpu.memory_space<hbm>> -> memref<8x8x128xf32, #tpu.memory_space<hbm>>
      %dma_start3A_1063 = arith.constant 0 : i32
      %dma_start3A_1064 = arith.constant 0 : i32
      %dma_start3A_1065 = arith.constant 0 : i32
      %dma_start3A_1066 = tpu.memref_slice %arg7[%dma_start3A_1047, %dma_start3A_1063, %dma_start3A_1064, %dma_start3A_1065] : memref<2x8x8x129xf32, #tpu.memory_space<vmem>> -> memref<1x8x8x128xf32, #tpu.memory_space<vmem>>
      %dma_start3A_1067 = tpu.memref_squeeze %dma_start3A_1066 : memref<1x8x8x128xf32, #tpu.memory_space<vmem>> -> memref<8x8x128xf32, #tpu.memory_space<vmem>>
      tpu.enqueue_dma source(%dma_start3A_1067 : memref<8x8x128xf32, #tpu.memory_space<vmem>>) target(%dma_start3A_1062 : memref<8x8x128xf32, #tpu.memory_space<hbm>>) target_semaphore(%arg17 : memref<!tpu.dma_semaphore, #tpu.memory_space<semaphore_mem>>)
      %add3A_1068 = arith.constant 4 : i32
      %add3A_1069 = arith.addi %add3A_983, %add3A_1068 : i32
      %lt3A_1070 = arith.constant 200 : i32
      %lt3A_1071 = arith.cmpi slt, %add3A_1069, %lt3A_1070 : i32
      %convert_element_type3A_1072 = arith.extui %lt3A_1071 : i1 to i32
      %cond3A_1073 = arith.constant 0 : i32
      %cond3A_1074 = arith.cmpi ne, %convert_element_type3A_1072, %cond3A_1073 : i32
      scf.if %cond3A_1074 {
        %add3A_1075 = arith.constant 4 : i32
        %add3A_1076 = arith.addi %add3A_983, %add3A_1075 : i32
        %mul3A_1077 = arith.constant 32 : i32
        %mul3A_1078 = arith.muli %add3A_1076, %mul3A_1077 : i32
        %add3A_1079 = arith.addi %add3A, %mul3A_1078 : i32
        %jit3A_1080 = arith.constant 128 : i32
        %div3A_1081 = arith.divsi %add3A_1079, %jit3A_1080 : i32
        %sign3A_1082 = arith.constant 0 : i32
        %sign3A_1083 = arith.cmpi sgt, %add3A_1079, %sign3A_1082 : i32
        %sign3A_1084 = arith.extui %sign3A_1083 : i1 to i32
        %sign3A_1085 = arith.constant 0 : i32
        %sign3A_1086 = arith.cmpi slt, %add3A_1079, %sign3A_1085 : i32
        %sign3A_1087 = arith.extui %sign3A_1086 : i1 to i32
        %sign3A_1088 = arith.subi %sign3A_1084, %sign3A_1087 : i32
        %sign3A_1089 = arith.constant 0 : i32
        %sign3A_1090 = arith.cmpi sgt, %jit3A_1080, %sign3A_1089 : i32
        %sign3A_1091 = arith.extui %sign3A_1090 : i1 to i32
        %sign3A_1092 = arith.constant 0 : i32
        %sign3A_1093 = arith.cmpi slt, %jit3A_1080, %sign3A_1092 : i32
        %sign3A_1094 = arith.extui %sign3A_1093 : i1 to i32
        %sign3A_1095 = arith.subi %sign3A_1091, %sign3A_1094 : i32
        %ne3A_1096 = arith.cmpi ne, %sign3A_1088, %sign3A_1095 : i32
        %rem3A_1097 = arith.remsi %add3A_1079, %jit3A_1080 : i32
        %ne3A_1098 = arith.constant 0 : i32
        %ne3A_1099 = arith.cmpi ne, %rem3A_1097, %ne3A_1098 : i32
        %and3A_1100 = arith.andi %ne3A_1096, %ne3A_1099 : i1
        %sub3A_1101 = arith.constant 1 : i32
        %sub3A_1102 = arith.subi %div3A_1081, %sub3A_1101 : i32
        %select_n3A_1103 = arith.select %and3A_1100, %sub3A_1102, %div3A_1081 : i32
        %jit3A_1104 = arith.constant 128 : i32
        %eq3A_1105 = arith.constant 0 : i32
        %eq3A_1106 = arith.cmpi eq, %jit3A_1104, %eq3A_1105 : i32
        %jit3A_1107 = arith.constant 1 : i32
        %select_n3A_1108 = arith.select %eq3A_1106, %jit3A_1107, %jit3A_1104 : i32
        %rem3A_1109 = arith.remsi %add3A_1079, %select_n3A_1108 : i32
        %ne3A_1110 = arith.constant 0 : i32
        %ne3A_1111 = arith.cmpi ne, %rem3A_1109, %ne3A_1110 : i32
        %lt3A_1112 = arith.constant 0 : i32
        %lt3A_1113 = arith.cmpi slt, %rem3A_1109, %lt3A_1112 : i32
        %lt3A_1114 = arith.constant 0 : i32
        %lt3A_1115 = arith.cmpi slt, %select_n3A_1108, %lt3A_1114 : i32
        %ne3A_1116 = arith.xori %lt3A_1113, %lt3A_1115 : i1
        %and3A_1117 = arith.andi %ne3A_1116, %ne3A_1111 : i1
        %add3A_1118 = arith.addi %rem3A_1109, %select_n3A_1108 : i32
        %select_n3A_1119 = arith.select %and3A_1117, %add3A_1118, %rem3A_1109 : i32
        %mul3A_1120 = arith.constant 128 : i32
        %mul3A_1121 = arith.muli %select_n3A_1119, %mul3A_1120 : i32
        %dma_wait3A_1122 = arith.constant 3 : i32
        %dma_wait3A_1123 = arith.constant 0 : i32
        %dma_wait3A_1124 = tpu.memref_slice %arg5[%dma_wait3A_1122, %dma_wait3A_1123] : memref<4x128xi32, #tpu.memory_space<vmem>> -> memref<1x128xi32, #tpu.memory_space<vmem>>
        %dma_wait3A_1125 = tpu.memref_squeeze %dma_wait3A_1124 : memref<1x128xi32, #tpu.memory_space<vmem>> -> memref<128xi32, #tpu.memory_space<vmem>>
        %dma_wait3A_1126 = tpu.memref_slice %arg3[%select_n3A_1103, %mul3A_1121] : memref<50x16384xi32, #tpu.memory_space<hbm>> -> memref<1x128xi32, #tpu.memory_space<hbm>>
        %dma_wait3A_1127 = tpu.memref_squeeze %dma_wait3A_1126 : memref<1x128xi32, #tpu.memory_space<hbm>> -> memref<128xi32, #tpu.memory_space<hbm>>
        %dma_wait3A_1128 = arith.constant 0 : i32
        %dma_wait3A_1129 = tpu.memref_slice %arg5[%dma_wait3A_1122, %dma_wait3A_1128] : memref<4x128xi32, #tpu.memory_space<vmem>> -> memref<1x128xi32, #tpu.memory_space<vmem>>
        %dma_wait3A_1130 = tpu.memref_squeeze %dma_wait3A_1129 : memref<1x128xi32, #tpu.memory_space<vmem>> -> memref<128xi32, #tpu.memory_space<vmem>>
        %dma_wait3A_1131 = tpu.memref_slice %arg3[%select_n3A_1103, %mul3A_1121] : memref<50x16384xi32, #tpu.memory_space<hbm>> -> memref<1x128xi32, #tpu.memory_space<hbm>>
        %dma_wait3A_1132 = tpu.memref_squeeze %dma_wait3A_1131 : memref<1x128xi32, #tpu.memory_space<hbm>> -> memref<128xi32, #tpu.memory_space<hbm>>
        tpu.wait_dma2 semaphore(%arg11 : memref<!tpu.dma_semaphore, #tpu.memory_space<semaphore_mem>>) src(%dma_wait3A_1132 : memref<128xi32, #tpu.memory_space<hbm>>) dst(%dma_wait3A_1130 : memref<128xi32, #tpu.memory_space<vmem>>)
        %dma_start3A_1133 = arith.constant 3 : i32
        %dma_start3A_1134 = arith.constant 3 : i32
        %dma_start3A_1135 = arith.constant 0 : i32
        %dma_start3A_1136 = arith.constant 0 : i32
        %dma_start3A_1137 = tpu.memref_slice %arg6[%dma_start3A_1134, %dma_start3A_1135, %dma_start3A_1136] : memref<4x128x128xf32, #tpu.memory_space<vmem>> -> memref<1x128x128xf32, #tpu.memory_space<vmem>>
        %dma_start3A_1138 = tpu.memref_squeeze %dma_start3A_1137 : memref<1x128x128xf32, #tpu.memory_space<vmem>> -> memref<128x128xf32, #tpu.memory_space<vmem>>
        %dma_start3A_1139 = arith.constant 0 : i32
        %dma_start3A_1140 = tpu.memref_slice %arg5[%dma_start3A_1133, %dma_start3A_1139] : memref<4x128xi32, #tpu.memory_space<vmem>> -> memref<1x128xi32, #tpu.memory_space<vmem>>
        %dma_start3A_1141 = tpu.memref_squeeze %dma_start3A_1140 : memref<1x128xi32, #tpu.memory_space<vmem>> -> memref<128xi32, #tpu.memory_space<vmem>>
        %dma_start3A_1142 = arith.constant 0 : i32
        %dma_start3A_1143 = arith.constant 0 : i32
        %dma_start3A_1144 = tpu.memref_slice %arg2[%dma_start3A_1142, %dma_start3A_1143] : memref<1000000x128xf32, #tpu.memory_space<hbm>> -> memref<1000000x128xf32, #tpu.memory_space<hbm>>
        tpu.enqueue_indirect_dma source(%dma_start3A_1144 : memref<1000000x128xf32, #tpu.memory_space<hbm>>) target(%dma_start3A_1138 : memref<128x128xf32, #tpu.memory_space<vmem>>) offsets(%dma_start3A_1141 : memref<128xi32, #tpu.memory_space<vmem>>) semaphore(%arg15 : memref<!tpu.dma_semaphore, #tpu.memory_space<semaphore_mem>>)
        %add3A_1145 = arith.constant 4 : i32
        %add3A_1146 = arith.addi %add3A_983, %add3A_1145 : i32
        %add3A_1147 = arith.constant 1 : i32
        %add3A_1148 = arith.addi %add3A_1146, %add3A_1147 : i32
        %lt3A_1149 = arith.constant 200 : i32
        %lt3A_1150 = arith.cmpi slt, %add3A_1148, %lt3A_1149 : i32
        %convert_element_type3A_1151 = arith.extui %lt3A_1150 : i1 to i32
        %cond3A_1152 = arith.constant 0 : i32
        %cond3A_1153 = arith.cmpi ne, %convert_element_type3A_1151, %cond3A_1152 : i32
        scf.if %cond3A_1153 {
          %add3A_1154 = arith.constant 4 : i32
          %add3A_1155 = arith.addi %add3A_983, %add3A_1154 : i32
          %add3A_1156 = arith.constant 1 : i32
          %add3A_1157 = arith.addi %add3A_1155, %add3A_1156 : i32
          %mul3A_1158 = arith.constant 32 : i32
          %mul3A_1159 = arith.muli %add3A_1157, %mul3A_1158 : i32
          %add3A_1160 = arith.addi %add3A, %mul3A_1159 : i32
          %jit3A_1161 = arith.constant 128 : i32
          %div3A_1162 = arith.divsi %add3A_1160, %jit3A_1161 : i32
          %sign3A_1163 = arith.constant 0 : i32
          %sign3A_1164 = arith.cmpi sgt, %add3A_1160, %sign3A_1163 : i32
          %sign3A_1165 = arith.extui %sign3A_1164 : i1 to i32
          %sign3A_1166 = arith.constant 0 : i32
          %sign3A_1167 = arith.cmpi slt, %add3A_1160, %sign3A_1166 : i32
          %sign3A_1168 = arith.extui %sign3A_1167 : i1 to i32
          %sign3A_1169 = arith.subi %sign3A_1165, %sign3A_1168 : i32
          %sign3A_1170 = arith.constant 0 : i32
          %sign3A_1171 = arith.cmpi sgt, %jit3A_1161, %sign3A_1170 : i32
          %sign3A_1172 = arith.extui %sign3A_1171 : i1 to i32
          %sign3A_1173 = arith.constant 0 : i32
          %sign3A_1174 = arith.cmpi slt, %jit3A_1161, %sign3A_1173 : i32
          %sign3A_1175 = arith.extui %sign3A_1174 : i1 to i32
          %sign3A_1176 = arith.subi %sign3A_1172, %sign3A_1175 : i32
          %ne3A_1177 = arith.cmpi ne, %sign3A_1169, %sign3A_1176 : i32
          %rem3A_1178 = arith.remsi %add3A_1160, %jit3A_1161 : i32
          %ne3A_1179 = arith.constant 0 : i32
          %ne3A_1180 = arith.cmpi ne, %rem3A_1178, %ne3A_1179 : i32
          %and3A_1181 = arith.andi %ne3A_1177, %ne3A_1180 : i1
          %sub3A_1182 = arith.constant 1 : i32
          %sub3A_1183 = arith.subi %div3A_1162, %sub3A_1182 : i32
          %select_n3A_1184 = arith.select %and3A_1181, %sub3A_1183, %div3A_1162 : i32
          %jit3A_1185 = arith.constant 128 : i32
          %eq3A_1186 = arith.constant 0 : i32
          %eq3A_1187 = arith.cmpi eq, %jit3A_1185, %eq3A_1186 : i32
          %jit3A_1188 = arith.constant 1 : i32
          %select_n3A_1189 = arith.select %eq3A_1187, %jit3A_1188, %jit3A_1185 : i32
          %rem3A_1190 = arith.remsi %add3A_1160, %select_n3A_1189 : i32
          %ne3A_1191 = arith.constant 0 : i32
          %ne3A_1192 = arith.cmpi ne, %rem3A_1190, %ne3A_1191 : i32
          %lt3A_1193 = arith.constant 0 : i32
          %lt3A_1194 = arith.cmpi slt, %rem3A_1190, %lt3A_1193 : i32
          %lt3A_1195 = arith.constant 0 : i32
          %lt3A_1196 = arith.cmpi slt, %select_n3A_1189, %lt3A_1195 : i32
          %ne3A_1197 = arith.xori %lt3A_1194, %lt3A_1196 : i1
          %and3A_1198 = arith.andi %ne3A_1197, %ne3A_1192 : i1
          %add3A_1199 = arith.addi %rem3A_1190, %select_n3A_1189 : i32
          %select_n3A_1200 = arith.select %and3A_1198, %add3A_1199, %rem3A_1190 : i32
          %mul3A_1201 = arith.constant 128 : i32
          %mul3A_1202 = arith.muli %select_n3A_1200, %mul3A_1201 : i32
          %dma_start3A_1203 = arith.constant 0 : i32
          %dma_start3A_1204 = arith.constant 0 : i32
          %dma_start3A_1205 = tpu.memref_slice %arg5[%dma_start3A_1203, %dma_start3A_1204] : memref<4x128xi32, #tpu.memory_space<vmem>> -> memref<1x128xi32, #tpu.memory_space<vmem>>
          %dma_start3A_1206 = tpu.memref_squeeze %dma_start3A_1205 : memref<1x128xi32, #tpu.memory_space<vmem>> -> memref<128xi32, #tpu.memory_space<vmem>>
          %dma_start3A_1207 = tpu.memref_slice %arg3[%select_n3A_1184, %mul3A_1202] : memref<50x16384xi32, #tpu.memory_space<hbm>> -> memref<1x128xi32, #tpu.memory_space<hbm>>
          %dma_start3A_1208 = tpu.memref_squeeze %dma_start3A_1207 : memref<1x128xi32, #tpu.memory_space<hbm>> -> memref<128xi32, #tpu.memory_space<hbm>>
          %dma_start3A_1209 = arith.constant 0 : i32
          %dma_start3A_1210 = tpu.memref_slice %arg5[%dma_start3A_1203, %dma_start3A_1209] : memref<4x128xi32, #tpu.memory_space<vmem>> -> memref<1x128xi32, #tpu.memory_space<vmem>>
          %dma_start3A_1211 = tpu.memref_squeeze %dma_start3A_1210 : memref<1x128xi32, #tpu.memory_space<vmem>> -> memref<128xi32, #tpu.memory_space<vmem>>
          %dma_start3A_1212 = tpu.memref_slice %arg3[%select_n3A_1184, %mul3A_1202] : memref<50x16384xi32, #tpu.memory_space<hbm>> -> memref<1x128xi32, #tpu.memory_space<hbm>>
          %dma_start3A_1213 = tpu.memref_squeeze %dma_start3A_1212 : memref<1x128xi32, #tpu.memory_space<hbm>> -> memref<128xi32, #tpu.memory_space<hbm>>
          tpu.enqueue_dma source(%dma_start3A_1213 : memref<128xi32, #tpu.memory_space<hbm>>) target(%dma_start3A_1211 : memref<128xi32, #tpu.memory_space<vmem>>) target_semaphore(%arg8 : memref<!tpu.dma_semaphore, #tpu.memory_space<semaphore_mem>>)
        } else {
        }
      } else {
      }
    }
    %scan3A_571 = arith.constant 50 : i32
    %add3A_572 = arith.constant 6336 : i32
    %add3A_573 = arith.addi %add3A, %add3A_572 : i32
    %jit3A_574 = arith.constant 128 : i32
    %div3A_575 = arith.divsi %add3A_573, %jit3A_574 : i32
    %sign3A_576 = arith.constant 0 : i32
    %sign3A_577 = arith.cmpi sgt, %add3A_573, %sign3A_576 : i32
    %sign3A_578 = arith.extui %sign3A_577 : i1 to i32
    %sign3A_579 = arith.constant 0 : i32
    %sign3A_580 = arith.cmpi slt, %add3A_573, %sign3A_579 : i32
    %sign3A_581 = arith.extui %sign3A_580 : i1 to i32
    %sign3A_582 = arith.subi %sign3A_578, %sign3A_581 : i32
    %sign3A_583 = arith.constant 0 : i32
    %sign3A_584 = arith.cmpi sgt, %jit3A_574, %sign3A_583 : i32
    %sign3A_585 = arith.extui %sign3A_584 : i1 to i32
    %sign3A_586 = arith.constant 0 : i32
    %sign3A_587 = arith.cmpi slt, %jit3A_574, %sign3A_586 : i32
    %sign3A_588 = arith.extui %sign3A_587 : i1 to i32
    %sign3A_589 = arith.subi %sign3A_585, %sign3A_588 : i32
    %ne3A_590 = arith.cmpi ne, %sign3A_582, %sign3A_589 : i32
    %rem3A_591 = arith.remsi %add3A_573, %jit3A_574 : i32
    %ne3A_592 = arith.constant 0 : i32
    %ne3A_593 = arith.cmpi ne, %rem3A_591, %ne3A_592 : i32
    %and3A_594 = arith.andi %ne3A_590, %ne3A_593 : i1
    %sub3A_595 = arith.constant 1 : i32
    %sub3A_596 = arith.subi %div3A_575, %sub3A_595 : i32
    %select_n3A_597 = arith.select %and3A_594, %sub3A_596, %div3A_575 : i32
    %jit3A_598 = arith.constant 128 : i32
    %eq3A_599 = arith.constant 0 : i32
    %eq3A_600 = arith.cmpi eq, %jit3A_598, %eq3A_599 : i32
    %jit3A_601 = arith.constant 1 : i32
    %select_n3A_602 = arith.select %eq3A_600, %jit3A_601, %jit3A_598 : i32
    %rem3A_603 = arith.remsi %add3A_573, %select_n3A_602 : i32
    %ne3A_604 = arith.constant 0 : i32
    %ne3A_605 = arith.cmpi ne, %rem3A_603, %ne3A_604 : i32
    %lt3A_606 = arith.constant 0 : i32
    %lt3A_607 = arith.cmpi slt, %rem3A_603, %lt3A_606 : i32
    %lt3A_608 = arith.constant 0 : i32
    %lt3A_609 = arith.cmpi slt, %select_n3A_602, %lt3A_608 : i32
    %ne3A_610 = arith.xori %lt3A_607, %lt3A_609 : i1
    %and3A_611 = arith.andi %ne3A_610, %ne3A_605 : i1
    %add3A_612 = arith.addi %rem3A_603, %select_n3A_602 : i32
    %select_n3A_613 = arith.select %and3A_611, %add3A_612, %rem3A_603 : i32
    %dma_wait3A_614 = arith.constant 0 : i32
    %dma_wait3A_615 = arith.constant 0 : i32
    %dma_wait3A_616 = arith.constant 0 : i32
    %dma_wait3A_617 = arith.constant 0 : i32
    %dma_wait3A_618 = tpu.memref_slice %arg7[%dma_wait3A_614, %dma_wait3A_615, %dma_wait3A_616, %dma_wait3A_617] : memref<2x8x8x129xf32, #tpu.memory_space<vmem>> -> memref<1x8x8x128xf32, #tpu.memory_space<vmem>>
    %dma_wait3A_619 = tpu.memref_squeeze %dma_wait3A_618 : memref<1x8x8x128xf32, #tpu.memory_space<vmem>> -> memref<8x8x128xf32, #tpu.memory_space<vmem>>
    %dma_wait3A_620 = arith.constant 0 : i32
    %dma_wait3A_621 = arith.constant 0 : i32
    %dma_wait3A_622 = arith.constant 0 : i32
    %dma_wait3A_623 = tpu.memref_slice %arg4[%select_n3A_597, %dma_wait3A_620, %select_n3A_613, %dma_wait3A_621, %dma_wait3A_622] : memref<50x8x128x8x128xf32, #tpu.memory_space<hbm>> -> memref<1x8x1x8x128xf32, #tpu.memory_space<hbm>>
    %dma_wait3A_624 = tpu.memref_squeeze %dma_wait3A_623 : memref<1x8x1x8x128xf32, #tpu.memory_space<hbm>> -> memref<8x8x128xf32, #tpu.memory_space<hbm>>
    %dma_wait3A_625 = arith.constant 0 : i32
    %dma_wait3A_626 = arith.constant 0 : i32
    %dma_wait3A_627 = arith.constant 0 : i32
    %dma_wait3A_628 = tpu.memref_slice %arg4[%select_n3A_597, %dma_wait3A_625, %select_n3A_613, %dma_wait3A_626, %dma_wait3A_627] : memref<50x8x128x8x128xf32, #tpu.memory_space<hbm>> -> memref<1x8x1x8x128xf32, #tpu.memory_space<hbm>>
    %dma_wait3A_629 = tpu.memref_squeeze %dma_wait3A_628 : memref<1x8x1x8x128xf32, #tpu.memory_space<hbm>> -> memref<8x8x128xf32, #tpu.memory_space<hbm>>
    %dma_wait3A_630 = arith.constant 0 : i32
    %dma_wait3A_631 = arith.constant 0 : i32
    %dma_wait3A_632 = arith.constant 0 : i32
    %dma_wait3A_633 = tpu.memref_slice %arg7[%dma_wait3A_614, %dma_wait3A_630, %dma_wait3A_631, %dma_wait3A_632] : memref<2x8x8x129xf32, #tpu.memory_space<vmem>> -> memref<1x8x8x128xf32, #tpu.memory_space<vmem>>
    %dma_wait3A_634 = tpu.memref_squeeze %dma_wait3A_633 : memref<1x8x8x128xf32, #tpu.memory_space<vmem>> -> memref<8x8x128xf32, #tpu.memory_space<vmem>>
    tpu.wait_dma2 semaphore(%arg16 : memref<!tpu.dma_semaphore, #tpu.memory_space<semaphore_mem>>) src(%dma_wait3A_634 : memref<8x8x128xf32, #tpu.memory_space<vmem>>) dst(%dma_wait3A_629 : memref<8x8x128xf32, #tpu.memory_space<hbm>>)
    %add3A_635 = arith.constant 6368 : i32
    %add3A_636 = arith.addi %add3A, %add3A_635 : i32
    %jit3A_637 = arith.constant 128 : i32
    %div3A_638 = arith.divsi %add3A_636, %jit3A_637 : i32
    %sign3A_639 = arith.constant 0 : i32
    %sign3A_640 = arith.cmpi sgt, %add3A_636, %sign3A_639 : i32
    %sign3A_641 = arith.extui %sign3A_640 : i1 to i32
    %sign3A_642 = arith.constant 0 : i32
    %sign3A_643 = arith.cmpi slt, %add3A_636, %sign3A_642 : i32
    %sign3A_644 = arith.extui %sign3A_643 : i1 to i32
    %sign3A_645 = arith.subi %sign3A_641, %sign3A_644 : i32
    %sign3A_646 = arith.constant 0 : i32
    %sign3A_647 = arith.cmpi sgt, %jit3A_637, %sign3A_646 : i32
    %sign3A_648 = arith.extui %sign3A_647 : i1 to i32
    %sign3A_649 = arith.constant 0 : i32
    %sign3A_650 = arith.cmpi slt, %jit3A_637, %sign3A_649 : i32
    %sign3A_651 = arith.extui %sign3A_650 : i1 to i32
    %sign3A_652 = arith.subi %sign3A_648, %sign3A_651 : i32
    %ne3A_653 = arith.cmpi ne, %sign3A_645, %sign3A_652 : i32
    %rem3A_654 = arith.remsi %add3A_636, %jit3A_637 : i32
    %ne3A_655 = arith.constant 0 : i32
    %ne3A_656 = arith.cmpi ne, %rem3A_654, %ne3A_655 : i32
    %and3A_657 = arith.andi %ne3A_653, %ne3A_656 : i1
    %sub3A_658 = arith.constant 1 : i32
    %sub3A_659 = arith.subi %div3A_638, %sub3A_658 : i32
    %select_n3A_660 = arith.select %and3A_657, %sub3A_659, %div3A_638 : i32
    %jit3A_661 = arith.constant 128 : i32
    %eq3A_662 = arith.constant 0 : i32
    %eq3A_663 = arith.cmpi eq, %jit3A_661, %eq3A_662 : i32
    %jit3A_664 = arith.constant 1 : i32
    %select_n3A_665 = arith.select %eq3A_663, %jit3A_664, %jit3A_661 : i32
    %rem3A_666 = arith.remsi %add3A_636, %select_n3A_665 : i32
    %ne3A_667 = arith.constant 0 : i32
    %ne3A_668 = arith.cmpi ne, %rem3A_666, %ne3A_667 : i32
    %lt3A_669 = arith.constant 0 : i32
    %lt3A_670 = arith.cmpi slt, %rem3A_666, %lt3A_669 : i32
    %lt3A_671 = arith.constant 0 : i32
    %lt3A_672 = arith.cmpi slt, %select_n3A_665, %lt3A_671 : i32
    %ne3A_673 = arith.xori %lt3A_670, %lt3A_672 : i1
    %and3A_674 = arith.andi %ne3A_673, %ne3A_668 : i1
    %add3A_675 = arith.addi %rem3A_666, %select_n3A_665 : i32
    %select_n3A_676 = arith.select %and3A_674, %add3A_675, %rem3A_666 : i32
    %dma_wait3A_677 = arith.constant 1 : i32
    %dma_wait3A_678 = arith.constant 0 : i32
    %dma_wait3A_679 = arith.constant 0 : i32
    %dma_wait3A_680 = arith.constant 0 : i32
    %dma_wait3A_681 = tpu.memref_slice %arg7[%dma_wait3A_677, %dma_wait3A_678, %dma_wait3A_679, %dma_wait3A_680] : memref<2x8x8x129xf32, #tpu.memory_space<vmem>> -> memref<1x8x8x128xf32, #tpu.memory_space<vmem>>
    %dma_wait3A_682 = tpu.memref_squeeze %dma_wait3A_681 : memref<1x8x8x128xf32, #tpu.memory_space<vmem>> -> memref<8x8x128xf32, #tpu.memory_space<vmem>>
    %dma_wait3A_683 = arith.constant 0 : i32
    %dma_wait3A_684 = arith.constant 0 : i32
    %dma_wait3A_685 = arith.constant 0 : i32
    %dma_wait3A_686 = tpu.memref_slice %arg4[%select_n3A_660, %dma_wait3A_683, %select_n3A_676, %dma_wait3A_684, %dma_wait3A_685] : memref<50x8x128x8x128xf32, #tpu.memory_space<hbm>> -> memref<1x8x1x8x128xf32, #tpu.memory_space<hbm>>
    %dma_wait3A_687 = tpu.memref_squeeze %dma_wait3A_686 : memref<1x8x1x8x128xf32, #tpu.memory_space<hbm>> -> memref<8x8x128xf32, #tpu.memory_space<hbm>>
    %dma_wait3A_688 = arith.constant 0 : i32
    %dma_wait3A_689 = arith.constant 0 : i32
    %dma_wait3A_690 = arith.constant 0 : i32
    %dma_wait3A_691 = tpu.memref_slice %arg4[%select_n3A_660, %dma_wait3A_688, %select_n3A_676, %dma_wait3A_689, %dma_wait3A_690] : memref<50x8x128x8x128xf32, #tpu.memory_space<hbm>> -> memref<1x8x1x8x128xf32, #tpu.memory_space<hbm>>
    %dma_wait3A_692 = tpu.memref_squeeze %dma_wait3A_691 : memref<1x8x1x8x128xf32, #tpu.memory_space<hbm>> -> memref<8x8x128xf32, #tpu.memory_space<hbm>>
    %dma_wait3A_693 = arith.constant 0 : i32
    %dma_wait3A_694 = arith.constant 0 : i32
    %dma_wait3A_695 = arith.constant 0 : i32
    %dma_wait3A_696 = tpu.memref_slice %arg7[%dma_wait3A_677, %dma_wait3A_693, %dma_wait3A_694, %dma_wait3A_695] : memref<2x8x8x129xf32, #tpu.memory_space<vmem>> -> memref<1x8x8x128xf32, #tpu.memory_space<vmem>>
    %dma_wait3A_697 = tpu.memref_squeeze %dma_wait3A_696 : memref<1x8x8x128xf32, #tpu.memory_space<vmem>> -> memref<8x8x128xf32, #tpu.memory_space<vmem>>
    tpu.wait_dma2 semaphore(%arg17 : memref<!tpu.dma_semaphore, #tpu.memory_space<semaphore_mem>>) src(%dma_wait3A_697 : memref<8x8x128xf32, #tpu.memory_space<vmem>>) dst(%dma_wait3A_692 : memref<8x8x128xf32, #tpu.memory_space<hbm>>)
    return
  }
}

</mosaic_0001>

<sc_bundles>
// kernel: kernel.3.cloned.1.call-start
scs
__scs_entry_jumppad:
0x0: {  	(pc) =	sbr.rel $0x88, $3  }
0x1: {  	(tag) =	ssettag $0x0;
	lr =	simm.s32 $0x1  }
0x2: {  	[smem:$0x3F9F] =	sst lr;
	_ =	strace $0xD0000000  }
0x3: {  	_ = 	snop  }
0x4: {  	_ = 	snop  }
0x5: {  	_ = 	snop  }
0x6: {  	_ = 	snop  }
0x7: {  	_ = 	snop  }
__scs_overlays_trampoline_lowered:
0x8: {  	[smem:$0x3FAE] =	sst s0  }
0x9: {  	[smem:$0x3FAF] =	sst s1  }
0xa: {  	[smem:$0x3FB0] =	sst s2  }
0xb: {  	[smem:$0x3FB1] =	sst s3  }
0xc: {  	[smem:$0x3FB2] =	sst s4  }
0xd: {  	[smem:$0x3FB3] =	sst s5  }
0xe: {  	[smem:$0x3FB4] =	sst s6  }
0xf: {  	[smem:$0x3FB5] =	sst s7  }
0x10: {  	[smem:$0x3FB6] =	sst s8  }
0x11: {  	[smem:$0x3FB7] =	sst s9;
	s0 =	simm.s32 @!p0 $0x0  }
0x12: {  	s1 =	sld [smem:$0x3F9D];
	s0 =	simm.s32 @p0 $0x1  }
0x13: {  	[smem:$0x3FB8] =	sst s0;
	s0 =	simm.s32 @!p1 $0x0  }
0x14: {  	s2 =	sld [smem:$0x3F9C];
	s0 =	simm.s32 @p1 $0x1  }
0x15: {  	[smem:$0x3FB9] =	sst s0;
	s0 =	simm.s32 @!p2 $0x0  }
0x16: {  	s3 =	sld [smem:$0x3FDB];
	s0 =	simm.s32 @p2 $0x1  }
0x17: {  	s4 =	simm.s32 $0x1BF5;
	[smem:$0x3FBB] =	sst s0  }
0x18: {  	s0 =	sld [smem:$0x3F9E];
	_ =	swait.ge [sflag:s4], $0x0  }
0x19: {  	s7 =	sld [smem:$0x3F9F]  }
0x1a: {  	s8 =	sadd.s32 $0xFFFFE003, lr  }
0x1b: {  	s9 =	sadd.s32 $0xFFFFFEF7, lr;
	s5 =	simm.s32 $0xFFFFFFFF;
	p2 =	slt.u32 s8, $0xFFFFF086  }
0x1c: {  	p1 =	slt.u32 s9, $0xF7A;
	s5 =	simm.s32 @!p2 $0x0  }
0x1d: {  	s5 =	simm.s32 @p1 $0x1;
	p0 =	seq.s32 s7, s2  }
0x1e: {  	s7 =	smul.u32 @!p0 $0xF7A, s2;
	p2 =	seq.s32 @!p0 s5, $0x0  }
0x1f: {  	s9 =	smul.u32 $0xF7A, s1;
	s8 =	simm.s32 @!p0 $0x1BF5;
	p2 =	por !p2, p0  }
0x20: {  	[sflag:s8] =	ssyncset.s32 @!p0 $0xFFFFF086;
	s6 =	sadd.s32 @!p0 s3, s7;
	s7 =	simm.s32 @!p0 $0x108  }
0x21: {  	s3 =	sadd.s32 s3, s9;
	s6 =	sadd.s32 @!p0 $0x88, s6;
	s7 =	simm.s32 @p2 $0x1082  }
0x22: {  	[simem:s7], [sflag:s8] =	dma.local @!p0 [hbm:s6], $0xF7A  }
0x23: {  	s9 =	sor.u32 $0xD0000000, s2;
	s6 =	simm.s32 $0x108;
	_ =	swait.ge @!p0 [sflag:s8], $0x0  }
0x24: {  	s3 =	sadd.s32 $0x88, s3;
	s6 =	simm.s32 @!p1 $0x1082;
	[sflag:s4] =	ssyncset.s32 $0xFFFFF086  }
0x25: {  	[simem:s6], [sflag:s4] =	dma.local [hbm:s3], $0xF7A  }
0x26: {  	[smem:$0x3F9F] =	sst s1;
	(tag) =	ssettag s2;
	_ =	strace s9  }
0x27: {  	s1 =	sld [smem:$0x3FAF]  }
0x28: {  	s2 =	sld [smem:$0x3FB0]  }
0x29: {  	s4 =	sld [smem:$0x3FB2]  }
0x2a: {  	p0 =	seq.s32 s5, $0x0;
	s5 =	sld [smem:$0x3FB3]  }
0x2b: {  	s6 =	sld [smem:$0x3FB4]  }
0x2c: {  	s7 =	sld [smem:$0x3FB5]  }
0x2d: {  	s3 =	simm.s32 $0x108;
	s8 =	sld [smem:$0x3FB6]  }
0x2e: {  	s3 =	simm.s32 @!p0 $0x1082;
	s9 =	sld [smem:$0x3FB7]  }
0x2f: {  	lr =	sadd.s32 s0, s3;
	s0 =	sld [smem:$0x3FAE]  }
0x30: {  	s3 =	sld [smem:$0x3FB1]  }
0x31: {  	[smem:$0x3FBA] =	sst s10  }
0x32: {  	s10 =	sld [smem:$0x3FB8];
	_ =	sdelay $0x3  }
0x33: {  	p0 =	seq.s32 s10, $0x1;
	s10 =	sld [smem:$0x3FBA];
	_ =	sdelay $0x3  }
0x34: {  	[smem:$0x3FBA] =	sst s10  }
0x35: {  	s10 =	sld [smem:$0x3FB9];
	_ =	sdelay $0x3  }
0x36: {  	p1 =	seq.s32 s10, $0x1;
	s10 =	sld [smem:$0x3FBA];
	_ =	sdelay $0x3  }
0x37: {  	[smem:$0x3FBA] =	sst s10  }
0x38: {  	s10 =	sld [smem:$0x3FBB]  }
0x39: {  	_ = 	snop;
	(pc) =	sbr.ind lr, $3  }
0x3a: {  	_ = 	snop  }
0x3b: {  	_ = 	snop  }
0x3c: {  	p2 =	seq.s32 s10, $0x1;
	s10 =	sld [smem:$0x3FBA]  }
0x3d: {  	_ =	shalt  }
0x3e: {  	_ =	shalt  }
0x3f: {  	_ =	shalt  }
0x40: {  	_ =	shalt  }
0x41: {  	_ =	shalt  }
0x42: {  	_ =	shalt  }
0x43: {  	_ =	shalt  }
0x44: {  	_ =	shalt  }
0x45: {  	_ =	shalt  }
0x46: {  	_ =	shalt  }
0x47: {  	_ =	shalt  }
0x48: {  	_ =	shalt  }
0x49: {  	_ =	shalt  }
0x4a: {  	_ =	shalt  }
0x4b: {  	_ =	shalt  }
0x4c: {  	_ =	shalt  }
0x4d: {  	_ =	shalt  }
0x4e: {  	_ =	shalt  }
0x4f: {  	_ =	shalt  }
0x50: {  	_ =	shalt  }
0x51: {  	_ =	shalt  }
0x52: {  	_ =	shalt  }
0x53: {  	_ =	shalt  }
0x54: {  	_ =	shalt  }
0x55: {  	_ =	shalt  }
0x56: {  	_ =	shalt  }
0x57: {  	_ =	shalt  }
0x58: {  	_ =	shalt  }
0x59: {  	_ =	shalt  }
0x5a: {  	_ =	shalt  }
0x5b: {  	_ =	shalt  }
0x5c: {  	_ =	shalt  }
0x5d: {  	_ =	shalt  }
0x5e: {  	_ =	shalt  }
0x5f: {  	_ =	shalt  }
0x60: {  	_ =	shalt  }
0x61: {  	_ =	shalt  }
0x62: {  	_ =	shalt  }
0x63: {  	_ =	shalt  }
0x64: {  	_ =	shalt  }
0x65: {  	_ =	shalt  }
0x66: {  	_ =	shalt  }
0x67: {  	_ =	shalt  }
0x68: {  	_ =	shalt  }
0x69: {  	_ =	shalt  }
0x6a: {  	_ =	shalt  }
0x6b: {  	_ =	shalt  }
0x6c: {  	_ =	shalt  }
0x6d: {  	_ =	shalt  }
0x6e: {  	_ =	shalt  }
0x6f: {  	_ =	shalt  }
0x70: {  	_ =	shalt  }
0x71: {  	_ =	shalt  }
0x72: {  	_ =	shalt  }
0x73: {  	_ =	shalt  }
0x74: {  	_ =	shalt  }
0x75: {  	_ =	shalt  }
0x76: {  	_ =	shalt  }
0x77: {  	_ =	shalt  }
0x78: {  	_ =	shalt  }
0x79: {  	_ =	shalt  }
0x7a: {  	_ =	shalt  }
0x7b: {  	_ =	shalt  }
0x7c: {  	_ =	shalt  }
0x7d: {  	_ =	shalt  }
0x7e: {  	_ =	shalt  }
0x7f: {  	_ =	shalt  }
0x80: {  	_ =	shalt  }
0x81: {  	_ =	shalt  }
0x82: {  	_ =	shalt  }
0x83: {  	_ =	shalt  }
0x84: {  	_ =	shalt  }
0x85: {  	_ =	shalt  }
0x86: {  	_ =	shalt  }
0x87: {  	_ =	shalt  }
.Lfunc_end0:
.L_simem_size_0:
called_computation_lowered:
.L_overlay_start_0:
0x88: {  	s2 =	sld [smem:$0x3FD9]  }
0x89: {  	s3 =	sld [smem:$0x3FFE];
	_ =	sdelay $0x1  }
0x8a: {  	s1 =	srdreg.scid  }
0x8b: {  	s0 =	sand.u32 $0x1, s1  }
0x8c: {  	s17 =	sshll.u32 s0, $0xA;
	s2 =	sadd.s32 s3, s2  }
0x8d: {  	s2 =	sadd.s32 s2, s17  }
0x8e: {  	[smem:$0x3FC6] =	sst s2  }
0x8f: {  	_ = 	snop  }
0x90: {  	s2 =	sld [smem:$0x3FD0];
	(tm) =	ssettm $0x1  }
0x91: {  	s18 =	sld [smem:$0x3FFB];
	_ =	sdelay $0x3  }
0x92: {  	_ =	strace s18  }
0x93: {  	s3 =	sld [smem:$0x3FFC];
	_ =	sdelay $0x3  }
0x94: {  	_ =	strace s3  }
0x95: {  	s3 =	sld [smem:$0x3FFD];
	_ =	sdelay $0x3  }
0x96: {  	_ =	strace s3  }
0x97: {  	_ =	strace $0x8FFFFFFF  }
0x98: {  	s19 =	sld [smem:$0x3FDB];
	_ =	sdelay $0x1  }
0x99: {  	s4 =	simm.s32 $_scs_section_size  }
0x9a: {  	s5 =	simm.s32 $_size__tile_overlayer_lowered;
	s6 =	simm.s32 $_tile_overlayer_lowered  }
0x9b: {  	s22 =	simm.s32 $0x1BFF;
	s21 =	sshll.u32 s6, $0x1;
	s3 =	sadd.s32 s4, s19  }
0x9c: {  	s7 =	simm.s32 $0x0;
	s20 =	sshll.u32 s5, $0x1;
	s5 =	sadd.s32 s21, s3  }
0x9d: {  	[timem:s7], [sflag:s22] =	dma.local [hbm:s5], s20  }
0x9e: {  	_ =	swait.ge [sflag:s22], s20  }
0x9f: {  	s4 =	ssub.s32 $0x0, s20;
	[sflag:s22] =	ssyncset.done $0x0  }
0xa0: {  	[sflag:s22] =	ssyncadd.s32 s4;
	_ =	sdelay $0x1  }
0xa1: {  	s23 =	simm.s32 $0x1B8B  }
0xa2: {  	_ =	swait.ge [sflag:s23], $0x1  }
0xa3: {  	[sflag:s23] =	ssyncset.done $0x0  }
0xa4: {  	s25 =	simm.s32 $0x1B8E;
	s24 =	sld [smem:$0x3FFE];
	[sflag:s23] =	ssyncadd.s32 $0xFFFFFFFF  }
0xa5: {  	s26 =	simm.s32 $execute0_lowered;
	[smem:$0x3FD2] =	sst s25  }
0xa6: {  	s5 =	sshll.u32 s26, $0x1;
	_ =	strace $0x80000046;
	[dreg:$0x1] =	wrdreg $0xFFFFFFFF  }
0xa7: {  	s28 =	simm.s32 $_size_execute0_lowered;
	s3 =	sadd.s32 s3, s5;
	[dreg:$0x0] =	wrdreg $0x0  }
0xa8: {  	s5 =	sshll.u32 s28, $0x1;
	[dreg:$0x2] =	wrdreg s3  }
0xa9: {  	[dreg:$0x3] =	wrdreg s5  }
0xaa: {  	[dreg:$0x4] =	wrdreg $0xC0  }
0xab: {  	_ =	task [dreg:s7], $0x5FFFF  }
0xac: {  	[dreg:$0x1] =	wrdreg $0xFFFFFFFF  }
0xad: {  	[dreg:$0x0] =	wrdreg $0x60  }
0xae: {  	[dreg:$0x2] =	wrdreg s24  }
0xaf: {  	[dreg:$0x3] =	wrdreg s2  }
0xb0: {  	[dreg:$0x4] =	wrdreg $0x9  }
0xb1: {  	_ =	task.clear_ibuf [dreg:s7], $0x5FFFF;
	_ =	strace $0x90000046  }
0xb2: {  	s29 =	simm.s32 $0x9;
	_ =	strace $0x80000048  }
0xb3: {  	_ =	swait.ge [sflag:s29], $0x1  }
0xb4: {  	[sflag:s29] =	ssyncadd.s32 $0xFFFFFFFF  }
0xb5: {  	_ =	strace $0x90000048  }
0xb6: {  	_ =	sfence  }
0xb7: {  	s30 =	sld [smem:$0x0];
	_ =	sdelay $0x2  }
0xb8: {  	s31 =	sshll.u32 s1, $0xD;
	s1 =	sshrl.u32 s1, $0x2  }
0xb9: {  	s3 =	sand.u32 $0x4000, s31;
	s1 =	sadd.s32 s1, s30  }
0xba: {  	s0 =	sor.u32 s3, s0;
	s1 =	sshll.u32 s1, $0x11  }
0xbb: {  	s0 =	sor.u32 s1, s0  }
0xbc: {  	s0 =	sadd.s32 $0x8F2B, s0  }
0xbd: {  	[sflag:s0] =	ssyncadd.remote.s32 $0x1  }
0xbe: {  	_ =	sfence.sel $0xFFFF  }
0xbf: {  	[dreg:$0x0] =	wrdreg $0xFFFFFFFF;
	(pc) =	sbr.abs _section_cstart, $3  }
0xc0: {  	[dreg:$0x1] =	wrdreg $0xFFFFFFFF  }
0xc1: {  	_ =	task.clear_ibuf [dreg:s7], $0x2FFFF;
	_ =	strace $0x9FFFFFFF  }
0xc2: {  	(tm) =	ssettm $0x7FFFFFFF  }
0xc3: {  	_ =	shalt  }
tec
execute0_lowered:
.L_overlay_start_1:
0x0: {  	(tag) =	ssettag $0x1  }
0x1: {  	s0 =	rddreg [dreg:$0x0]  }
0x2: {  	s11 =	rddreg [dreg:$0x1];
	s3 =	simm.s32 $0x0  }
0x3: {  	s1 =	srdreg.scid;
	s2 =	stileid.u32;
	s29 =	simm.s32 $0x8200  }
0x4: {  	s31 =	simm.s32 $0xC200;
	[smem:$0x7FF] =	sst s3;
	s1 =	sand.u32 $0x1, s1  }
0x5: {  	s2 =	sshll.u32 s2, $0x1;
	s4 =	sadd.s32 $0xF5BA00, s0;
	s21 =	sadd.s32 $0xF42A00, s0  }
0x6: {  	s0 =	sadd.s32 $0xF43200, s0;
	s6 =	ssub.s32 $0x2, s1;
	s5 =	sor.u32 s1, s2  }
0x7: {  	v0 =	vlaneseq.u32;
	_ =	strace $0x80000047;
	s22 =	sshrl.u32 s6, $0x1;
	s7 =	sshll.u32 s5, $0x4  }
0x8: {  	v1 =	vmul.u32 $0x88, v0;
	s10 =	sshll.u32 s5, $0x7;
	p0 =	sne.s32 s5, $0x0;
	s2 =	ssub.s32 s6, s22  }
0x9: {  	v2 =	vor.u32 $0x10, v0;
	s23 =	sor.u32 $0x200, s7;
	s8 =	sor.u32 $0x400, s7;
	s12 =	sadd.s32 s21, s7  }
0xa: {  	v4 =	vor.u32 $0x20, v0;
	v6 =	vor.u32 $0x30, v0;
	v3 =	vadd.s32 $0x880, v1;
	s25 =	sor.u32 $0x600, s7;
	s26 =	sadd.s32 s7, s0;
	s28 =	sadd.s32 s10, s11  }
0xb: {  	v5 =	vadd.s32 $0x1100, v1;
	v7 =	vadd.s32 $0x1980, v1;
	v8 =	vor.u32 $0x1, v1;
	s11 =	sshll.u32 s5, $0xA;
	s7 =	simm.s32 $0x6;
	s22 =	simm.s32 $0x7  }
0xc: {  	v9 =	vadd.s32 $0x881, v1;
	v10 =	vadd.s32 $0x1101, v1;
	v11 =	vadd.s32 $0x1981, v1;
	s10 =	simm.s32 $0x8;
	s9 =	sadd.s32 s21, s23;
	s24 =	sadd.s32 s21, s8  }
0xd: {  	v12 =	vor.u32 $0x2, v1;
	v13 =	vadd.s32 $0x882, v1;
	v14 =	vadd.s32 $0x1102, v1;
	s1 =	sadd.s32 s21, s25;
	[dreg:$0x7] =	wrdreg s26;
	s6 =	sadd.s32 s23, s0  }
0xe: {  	v15 =	vadd.s32 $0x1982, v1;
	v16 =	vor.u32 $0x3, v1;
	v17 =	vadd.s32 $0x883, v1;
	s13 =	sadd.s32 $0x1000, s28;
	s14 =	sadd.s32 s8, s0;
	[dreg:$0x3] =	wrdreg s12  }
0xf: {  	v18 =	vadd.s32 $0x1103, v1;
	v19 =	vadd.s32 $0x1983, v1;
	v20 =	vor.u32 $0x4, v1;
	s15 =	sadd.s32 $0x2000, s28;
	s16 =	sadd.s32 s25, s0;
	[dreg:$0x4] =	wrdreg s9  }
0x10: {  	v21 =	vadd.s32 $0x884, v1;
	v22 =	vadd.s32 $0x1104, v1;
	v23 =	vadd.s32 $0x1984, v1;
	s17 =	sadd.s32 $0x3000, s28;
	s18 =	sadd.s32 $0x1000, s12;
	[dreg:$0x5] =	wrdreg s24  }
0x11: {  	v24 =	vor.u32 $0x5, v1;
	v25 =	vadd.s32 $0x885, v1;
	v26 =	vadd.s32 $0x1105, v1;
	s30 =	smax.u32 s2, $0x1;
	s26 =	simm.s32 $0x4200;
	[dreg:$0x6] =	wrdreg s1  }
0x12: {  	v27 =	vadd.s32 $0x1985, v1;
	v28 =	vor.u32 $0x6, v1;
	v29 =	vadd.s32 $0x886, v1;
	s0 =	simm.s32 $0x5;
	s2 =	simm.s32 $0x10200;
	[dreg:$0x8] =	wrdreg s6  }
0x13: {  	v30 =	vadd.s32 $0x1106, v1;
	v31 =	vadd.s32 $0x1986, v1;
	v32 =	vor.u32 $0x7, v1;
	s8 =	simm.s32 $0xA;
	s21 =	simm.s32 $0x12400;
	[dreg:$0x9] =	wrdreg s30  }
0x14: {  	v33 =	vadd.s32 $0x887, v1;
	v34 =	vadd.s32 $0x1107, v1;
	v35 =	vadd.s32 $0x1987, v1;
	s24 =	simm.s32 $0x200;
	s9 =	simm.s32 $0x9;
	s6 =	simm.s32 $0x0  }
.LBB2_1:
0x15: {  	[dreg:$0xa] =	wrdreg s6  }
0x16: {  	s1 =	rddreg [dreg:$0x3]  }
0x17: {  	[tilespmem:s3], [sflag:$0x1] =	stream.linear.gather [hbm4b:s1+s3], $0x80, $0x38;
	[tilespmem:$0x14600] =	vst v63  }
0x18: {  	s25 =	rddreg [dreg:$0x4];
	s6 =	simm.s32 $0x80  }
0x19: {  	[tilespmem:s6], [sflag:$0x2] =	stream.linear.gather [hbm4b:s25+s3], $0x80, $0x38;
	[tilespmem:$0x14600] =	vst v63  }
0x1a: {  	s28 =	rddreg [dreg:$0x5];
	s12 =	simm.s32 $0x100  }
0x1b: {  	[tilespmem:s12], [sflag:$0x3] =	stream.linear.gather [hbm4b:s28+s3], $0x80, $0x38;
	[tilespmem:$0x14600] =	vst v63  }
0x1c: {  	s30 =	rddreg [dreg:$0x6];
	s19 =	simm.s32 $0x180;
	s20 =	simm.s32 $0x1  }
0x1d: {  	[tilespmem:s19], [sflag:$0x4] =	stream.linear.gather [hbm4b:s30+s3], $0x80, $0x38;
	[tilespmem:$0x14600] =	vst v63  }
0x1e: {  	_ =	swait.ge [sflag:s20], $0x80  }
0x1f: {  	[sflag:s20] =	ssyncset.done $0x0  }
0x20: {  	s23 =	simm.s32 $0x2;
	[sflag:s20] =	ssyncadd.s32 $0xFFFFFF80  }
0x21: {  	[tilespmem:s24], [sflag:$0x5] =	stream.indirect.gather [hbm4b:s4+s6], $0x80, s3, s6, $0xb8;
	[tilespmem:$0x14600] =	vst v63  }
0x22: {  	_ =	swait.ge [sflag:s23], $0x80  }
0x23: {  	[sflag:s23] =	ssyncset.done $0x0  }
0x24: {  	s25 =	simm.s32 $0x3;
	[sflag:s23] =	ssyncadd.s32 $0xFFFFFF80  }
0x25: {  	[tilespmem:s26], [sflag:$0x6] =	stream.indirect.gather [hbm4b:s4+s6], $0x80, s6, s6, $0xb8;
	[tilespmem:$0x14600] =	vst v63  }
0x26: {  	_ =	swait.ge [sflag:s25], $0x80  }
0x27: {  	[sflag:s25] =	ssyncset.done $0x0  }
0x28: {  	s28 =	simm.s32 $0x4;
	[sflag:s25] =	ssyncadd.s32 $0xFFFFFF80  }
0x29: {  	[tilespmem:s29], [sflag:$0x7] =	stream.indirect.gather [hbm4b:s4+s6], $0x80, s12, s6, $0xb8;
	[tilespmem:$0x14600] =	vst v63  }
0x2a: {  	_ =	swait.ge [sflag:s28], $0x80  }
0x2b: {  	[sflag:s28] =	ssyncset.done $0x0  }
0x2c: {  	[sflag:s28] =	ssyncadd.s32 $0xFFFFFF80  }
0x2d: {  	[tilespmem:s31], [sflag:$0x8] =	stream.indirect.gather [hbm4b:s4+s6], $0x80, s19, s6, $0xb8;
	[tilespmem:$0x14600] =	vst v63  }
0x2e: {  	s30 =	rddreg [dreg:$0x7];
	s6 =	simm.s32 $0x0  }
0x2f: {  	[tilespmem:s3], [sflag:$0x1] =	stream.linear.gather [hbm4b:s30+s3], $0x80, $0x38;
	[tilespmem:$0x14600] =	vst v63  }
.LBB2_2:
0x30: {  	_ =	swait.ge [sflag:s0], $0x4000  }
0x31: {  	p1 =	seq.s32 s6, $0x0;
	[sflag:s0] =	ssyncset.done $0x0  }
0x32: {  	s1 =	simm.s32 @!p1 $0x9;
	[sflag:s0] =	ssyncadd.s32 $0xFFFFC000  }
0x33: {  	_ =	swait.ge @!p1 [sflag:s1], $0x2000  }
0x34: {  	[sflag:s1] =	ssyncset.done @!p1 $0x0  }
0x35: {  	s25 =	simm.s32 $0x0;
	[sflag:s1] =	ssyncadd.s32 @!p1 $0xFFFFE000  }
.LBB2_3:
0x36: {  	v36 =	vmov s25;
	s1 =	sadd.s32 $0x1, s25  }
0x37: {  	v36 =	vshll.u32 v36, $0x7;
	v38 =	vmov s1  }
0x38: {  	v37 =	vor.u32 v0, v36;
	v39 =	vshll.u32 v38, $0x7  }
0x39: {  	s30 =	sadd.s32 $0x2, s25;
	v40 =	vor.u32 v0, v39  }
0x3a: {  	s12 =	sadd.s32 $0x3, s25;
	v43 =	vmov s30  }
0x3b: {  	v45 =	vmov s12;
	v44 =	vshll.u32 v43, $0x7  }
0x3c: {  	v47 =	vshll.u32 v45, $0x7;
	v46 =	vor.u32 v0, v44  }
0x3d: {  	v41 =	vadd.s32 s25, v1;
	v38 =	vand.u32 $0x70, v38;
	v49 =	vor.u32 v0, v47;
	v37 =	vld.idx.msk [tilespmem:v37+s24+$0x0], $0xffff  }
0x3e: {  	v42 =	vor.u32 v2, v36;
	v48 =	vadd.s32 v8, v38;
	v40 =	vld.idx.msk [tilespmem:v40+s24+$0x0], $0xffff  }
0x3f: {  	v60 =	vor.u32 v2, v39  }
0x40: {  	v43 =	vand.u32 $0x70, v43  }
0x41: {  	v45 =	vand.u32 $0x70, v45;
	v51 =	vadd.s32 v12, v43;
	v46 =	vld.idx.msk [tilespmem:v46+s24+$0x0], $0xffff  }
0x42: {  	v62 =	vor.u32 v2, v44;
	v56 =	vadd.s32 v16, v45;
	v63 =	vld.idx.msk [tilespmem:v49+s24+$0x0], $0xffff;
	[tilespmem:v41+s2+$0x0] =	vst.idx.msk $0xffff, v37  }
0x43: {  	v61 =	vadd.s32 s25, v3;
	v53 =	vor.u32 v2, v47;
	v41 =	vld.idx.msk [tilespmem:v42+s24+$0x0], $0xffff;
	[tilespmem:v48+s2+$0x0] =	vst.idx.msk $0xffff, v40  }
0x44: {  	v50 =	vor.u32 v4, v36;
	v52 =	vadd.s32 v9, v38;
	v37 =	vld.idx.msk [tilespmem:v60+s24+$0x0], $0xffff  }
0x45: {  	v57 =	vor.u32 v4, v39  }
0x46: {  	[tilespmem:v51+s2+$0x0] =	vst.idx.msk $0xffff, v46  }
0x47: {  	v59 =	vadd.s32 v13, v43;
	[tilespmem:v56+s2+$0x0] =	vst.idx.msk $0xffff, v63;
	v40 =	vld.idx.msk [tilespmem:v62+s24+$0x0], $0xffff  }
0x48: {  	v60 =	vor.u32 v4, v44;
	v48 =	vld.idx.msk [tilespmem:v53+s24+$0x0], $0xffff;
	[tilespmem:v61+s2+$0x0] =	vst.idx.msk $0xffff, v41;
	v61 =	vadd.s32 v17, v45  }
0x49: {  	v58 =	vadd.s32 s25, v5;
	v63 =	vor.u32 v4, v47;
	v42 =	vld.idx.msk [tilespmem:v50+s24+$0x0], $0xffff;
	[tilespmem:v52+s2+$0x0] =	vst.idx.msk $0xffff, v37  }
0x4a: {  	v36 =	vor.u32 v6, v36;
	v62 =	vadd.s32 v10, v38;
	v41 =	vld.idx.msk [tilespmem:v57+s24+$0x0], $0xffff  }
0x4b: {  	v39 =	vor.u32 v6, v39  }
0x4c: {  	s28 =	sadd.s32 $0x7, s25;
	[tilespmem:v59+s2+$0x0] =	vst.idx.msk $0xffff, v40  }
0x4d: {  	v54 =	vmov s28;
	s28 =	sadd.s32 $0x8, s25;
	v40 =	vadd.s32 v14, v43;
	v37 =	vld.idx.msk [tilespmem:v60+s24+$0x0], $0xffff;
	[tilespmem:v61+s2+$0x0] =	vst.idx.msk $0xffff, v48  }
0x4e: {  	s20 =	sadd.s32 $0x5, s25;
	v55 =	vmov s28;
	v56 =	vadd.s32 s25, v7;
	[tilespmem:v58+s2+$0x0] =	vst.idx.msk $0xffff, v42;
	v57 =	vld.idx.msk [tilespmem:v63+s24+$0x0], $0xffff;
	v58 =	vadd.s32 v18, v45  }
0x4f: {  	s19 =	sadd.s32 $0x4, s25;
	v47 =	vor.u32 v6, v47;
	v44 =	vor.u32 v6, v44;
	v60 =	vmov s20;
	v36 =	vld.idx.msk [tilespmem:v36+s24+$0x0], $0xffff;
	[tilespmem:v62+s2+$0x0] =	vst.idx.msk $0xffff, v41  }
0x50: {  	s23 =	sadd.s32 $0x6, s25;
	v38 =	vadd.s32 v11, v38;
	v59 =	vmov s19;
	v52 =	vshll.u32 v60, $0x7;
	v39 =	vld.idx.msk [tilespmem:v39+s24+$0x0], $0xffff  }
0x51: {  	v49 =	vshll.u32 v59, $0x7;
	v63 =	vor.u32 v0, v52;
	v62 =	vmov s23  }
0x52: {  	s30 =	sadd.s32 $0x9, s25;
	v46 =	vshll.u32 v55, $0x7;
	v61 =	vor.u32 v0, v49;
	[tilespmem:v40+s2+$0x0] =	vst.idx.msk $0xffff, v37;
	v42 =	vshll.u32 v62, $0x7  }
0x53: {  	v55 =	vmov s30;
	v43 =	vadd.s32 v15, v43;
	v37 =	vor.u32 v0, v42;
	[tilespmem:v58+s2+$0x0] =	vst.idx.msk $0xffff, v57  }
0x54: {  	v50 =	vand.u32 $0x70, v60;
	v48 =	vshll.u32 v55, $0x7;
	v40 =	vshll.u32 v54, $0x7;
	v44 =	vld.idx.msk [tilespmem:v44+s24+$0x0], $0xffff;
	[tilespmem:v56+s2+$0x0] =	vst.idx.msk $0xffff, v36  }
0x55: {  	v45 =	vadd.s32 v19, v45;
	v41 =	vor.u32 v0, v40;
	[tilespmem:v38+s2+$0x0] =	vst.idx.msk $0xffff, v39;
	v38 =	vld.idx.msk [tilespmem:v47+s24+$0x0], $0xffff  }
0x56: {  	v36 =	vld.idx.msk [tilespmem:v63+s24+$0x0], $0xffff;
	v39 =	vand.u32 $0x70, v59;
	v47 =	vor.u32 v0, v46;
	v59 =	vadd.s32 v24, v50  }
0x57: {  	v53 =	vand.u32 $0x70, v62;
	v51 =	vld.idx.msk [tilespmem:v61+s24+$0x0], $0xffff;
	v57 =	vor.u32 v0, v48;
	v56 =	vadd.s32 v20, v39  }
0x58: {  	v60 =	vor.u32 v2, v52;
	v61 =	vadd.s32 v28, v53;
	v37 =	vld.idx.msk [tilespmem:v37+s24+$0x0], $0xffff  }
0x59: {  	v54 =	vand.u32 $0x70, v54;
	v58 =	vor.u32 v2, v49;
	[tilespmem:v43+s2+$0x0] =	vst.idx.msk $0xffff, v44  }
0x5a: {  	v41 =	vld.idx.msk [tilespmem:v41+s24+$0x0], $0xffff;
	v44 =	vadd.s32 v32, v54;
	[tilespmem:v45+s2+$0x0] =	vst.idx.msk $0xffff, v38  }
0x5b: {  	v55 =	vand.u32 $0x78, v55;
	v43 =	vor.u32 v2, v42;
	v45 =	vld.idx.msk [tilespmem:v47+s24+$0x0], $0xffff;
	v47 =	vadd.s32 s28, v1;
	[tilespmem:v59+s2+$0x0] =	vst.idx.msk $0xffff, v36  }
0x5c: {  	v38 =	vor.u32 v2, v40;
	[tilespmem:v56+s2+$0x0] =	vst.idx.msk $0xffff, v51;
	v56 =	vld.idx.msk [tilespmem:v57+s24+$0x0], $0xffff;
	v57 =	vadd.s32 v8, v55  }
0x5d: {  	v51 =	vor.u32 v2, v46;
	v60 =	vld.idx.msk [tilespmem:v60+s24+$0x0], $0xffff;
	[tilespmem:v61+s2+$0x0] =	vst.idx.msk $0xffff, v37;
	v37 =	vadd.s32 v25, v50  }
0x5e: {  	v62 =	vadd.s32 v21, v39;
	v36 =	vor.u32 v2, v48;
	v58 =	vld.idx.msk [tilespmem:v58+s24+$0x0], $0xffff  }
0x5f: {  	[tilespmem:v44+s2+$0x0] =	vst.idx.msk $0xffff, v41;
	v61 =	vor.u32 v4, v52  }
0x60: {  	v59 =	vor.u32 v4, v49;
	v41 =	vadd.s32 v29, v53;
	v43 =	vld.idx.msk [tilespmem:v43+s24+$0x0], $0xffff;
	[tilespmem:v47+s2+$0x0] =	vst.idx.msk $0xffff, v45  }
0x61: {  	v44 =	vor.u32 v4, v42;
	v38 =	vld.idx.msk [tilespmem:v38+s24+$0x0], $0xffff;
	v45 =	vadd.s32 v33, v54;
	[tilespmem:v57+s2+$0x0] =	vst.idx.msk $0xffff, v56  }
0x62: {  	v47 =	vor.u32 v4, v40;
	v51 =	vld.idx.msk [tilespmem:v51+s24+$0x0], $0xffff;
	v56 =	vadd.s32 s28, v3;
	[tilespmem:v37+s2+$0x0] =	vst.idx.msk $0xffff, v60  }
0x63: {  	v57 =	vor.u32 v4, v46;
	[tilespmem:v62+s2+$0x0] =	vst.idx.msk $0xffff, v58;
	v36 =	vld.idx.msk [tilespmem:v36+s24+$0x0], $0xffff;
	v58 =	vadd.s32 v9, v55  }
0x64: {  	v37 =	vor.u32 v4, v48;
	v60 =	vld.idx.msk [tilespmem:v61+s24+$0x0], $0xffff;
	v61 =	vadd.s32 v26, v50  }
0x65: {  	v49 =	vor.u32 v6, v49;
	v62 =	vadd.s32 v22, v39;
	[tilespmem:v41+s2+$0x0] =	vst.idx.msk $0xffff, v43;
	v59 =	vld.idx.msk [tilespmem:v59+s24+$0x0], $0xffff  }
0x66: {  	v41 =	vor.u32 v6, v52;
	v43 =	vld.idx.msk [tilespmem:v44+s24+$0x0], $0xffff;
	v44 =	vadd.s32 v30, v53;
	[tilespmem:v45+s2+$0x0] =	vst.idx.msk $0xffff, v38  }
0x67: {  	v38 =	vor.u32 v6, v42;
	v45 =	vadd.s32 v34, v54;
	v42 =	vld.idx.msk [tilespmem:v47+s24+$0x0], $0xffff;
	[tilespmem:v56+s2+$0x0] =	vst.idx.msk $0xffff, v51  }
0x68: {  	v56 =	vld.idx.msk [tilespmem:v57+s24+$0x0], $0xffff;
	v57 =	vadd.s32 s28, v5;
	[tilespmem:v58+s2+$0x0] =	vst.idx.msk $0xffff, v36  }
0x69: {  	v63 =	vadd.s32 v10, v55;
	v40 =	vor.u32 v6, v40;
	[tilespmem:v61+s2+$0x0] =	vst.idx.msk $0xffff, v60;
	v37 =	vld.idx.msk [tilespmem:v37+s24+$0x0], $0xffff  }
0x6a: {  	[tilespmem:v62+s2+$0x0] =	vst.idx.msk $0xffff, v59;
	v62 =	vor.u32 v6, v46  }
0x6b: {  	v48 =	vor.u32 v6, v48;
	v39 =	vadd.s32 v23, v39;
	[tilespmem:v44+s2+$0x0] =	vst.idx.msk $0xffff, v43;
	v49 =	vld.idx.msk [tilespmem:v49+s24+$0x0], $0xffff  }
0x6c: {  	s19 =	sadd.s32 $0xB, s25;
	v50 =	vadd.s32 v27, v50;
	v52 =	vadd.s32 v31, v53;
	v41 =	vld.idx.msk [tilespmem:v41+s24+$0x0], $0xffff;
	[tilespmem:v45+s2+$0x0] =	vst.idx.msk $0xffff, v42  }
0x6d: {  	s12 =	sadd.s32 $0xA, s25;
	v53 =	vadd.s32 v35, v54;
	v54 =	vadd.s32 s28, v7;
	v58 =	vmov s19;
	s28 =	sadd.s32 $0xE, s25;
	v38 =	vld.idx.msk [tilespmem:v38+s24+$0x0], $0xffff;
	[tilespmem:v57+s2+$0x0] =	vst.idx.msk $0xffff, v56  }
0x6e: {  	v51 =	vmov s28;
	v40 =	vld.idx.msk [tilespmem:v40+s24+$0x0], $0xffff;
	[tilespmem:v63+s2+$0x0] =	vst.idx.msk $0xffff, v37;
	v37 =	vmov s12  }
0x6f: {  	s20 =	sadd.s32 $0xC, s25;
	v47 =	vand.u32 $0x78, v58;
	v57 =	vadd.s32 v11, v55;
	v36 =	vld.idx.msk [tilespmem:v62+s24+$0x0], $0xffff;
	v46 =	vshll.u32 v37, $0x7  }
0x70: {  	s23 =	sadd.s32 $0xD, s25;
	[tilespmem:v39+s2+$0x0] =	vst.idx.msk $0xffff, v49;
	v56 =	vld.idx.msk [tilespmem:v48+s24+$0x0], $0xffff;
	v48 =	vshll.u32 v58, $0x7;
	v49 =	vmov s20;
	v59 =	vor.u32 v0, v46  }
0x71: {  	v62 =	vmov s23;
	v61 =	vor.u32 v0, v48;
	v43 =	vshll.u32 v49, $0x7  }
0x72: {  	s30 =	sadd.s32 $0xF, s25;
	v44 =	vshll.u32 v51, $0x7;
	[tilespmem:v50+s2+$0x0] =	vst.idx.msk $0xffff, v41;
	v42 =	vshll.u32 v62, $0x7;
	v63 =	vor.u32 v0, v43  }
0x73: {  	v37 =	vand.u32 $0x78, v37;
	[tilespmem:v52+s2+$0x0] =	vst.idx.msk $0xffff, v38;
	v60 =	vor.u32 v0, v42;
	v52 =	vmov s30  }
0x74: {  	v39 =	vor.u32 v0, v44;
	v55 =	vor.u32 v2, v46;
	v45 =	vshll.u32 v52, $0x7;
	[tilespmem:v53+s2+$0x0] =	vst.idx.msk $0xffff, v40  }
0x75: {  	v53 =	vadd.s32 v12, v37;
	[tilespmem:v54+s2+$0x0] =	vst.idx.msk $0xffff, v36;
	v54 =	vor.u32 v0, v45;
	v41 =	vld.idx.msk [tilespmem:v59+s24+$0x0], $0xffff  }
0x76: {  	v49 =	vand.u32 $0x78, v49;
	[tilespmem:v57+s2+$0x0] =	vst.idx.msk $0xffff, v56;
	v56 =	vadd.s32 v16, v47;
	v38 =	vld.idx.msk [tilespmem:v61+s24+$0x0], $0xffff  }
0x77: {  	v50 =	vand.u32 $0x78, v62;
	v58 =	vadd.s32 v20, v49;
	v57 =	vor.u32 v2, v48;
	v40 =	vld.idx.msk [tilespmem:v63+s24+$0x0], $0xffff  }
0x78: {  	v51 =	vand.u32 $0x78, v51;
	v59 =	vor.u32 v2, v43;
	v36 =	vld.idx.msk [tilespmem:v60+s24+$0x0], $0xffff;
	v60 =	vadd.s32 v24, v50  }
0x79: {  	v62 =	vadd.s32 v28, v51;
	v52 =	vand.u32 $0x78, v52;
	v39 =	vld.idx.msk [tilespmem:v39+s24+$0x0], $0xffff;
	v61 =	vor.u32 v2, v42  }
0x7a: {  	[tilespmem:v53+s2+$0x0] =	vst.idx.msk $0xffff, v41;
	v41 =	vor.u32 v2, v44;
	v53 =	vld.idx.msk [tilespmem:v54+s24+$0x0], $0xffff;
	v54 =	vadd.s32 v32, v52  }
0x7b: {  	[tilespmem:v56+s2+$0x0] =	vst.idx.msk $0xffff, v38;
	v38 =	vadd.s32 v13, v37;
	v56 =	vor.u32 v2, v45;
	v55 =	vld.idx.msk [tilespmem:v55+s24+$0x0], $0xffff  }
0x7c: {  	[tilespmem:v58+s2+$0x0] =	vst.idx.msk $0xffff, v40;
	v40 =	vor.u32 v4, v46;
	v57 =	vld.idx.msk [tilespmem:v57+s24+$0x0], $0xffff;
	v58 =	vadd.s32 v17, v47  }
0x7d: {  	[tilespmem:v60+s2+$0x0] =	vst.idx.msk $0xffff, v36;
	v36 =	vor.u32 v4, v48;
	v60 =	vadd.s32 v21, v49;
	v59 =	vld.idx.msk [tilespmem:v59+s24+$0x0], $0xffff  }
0x7e: {  	[tilespmem:v62+s2+$0x0] =	vst.idx.msk $0xffff, v39;
	v39 =	vor.u32 v4, v43;
	v62 =	vadd.s32 v25, v50;
	v61 =	vld.idx.msk [tilespmem:v61+s24+$0x0], $0xffff  }
0x7f: {  	[tilespmem:v54+s2+$0x0] =	vst.idx.msk $0xffff, v53;
	v53 =	vor.u32 v4, v42;
	v41 =	vld.idx.msk [tilespmem:v41+s24+$0x0], $0xffff;
	v54 =	vadd.s32 v29, v51  }
0x80: {  	[tilespmem:v38+s2+$0x0] =	vst.idx.msk $0xffff, v55;
	v38 =	vor.u32 v4, v44;
	v55 =	vld.idx.msk [tilespmem:v56+s24+$0x0], $0xffff;
	v56 =	vadd.s32 v33, v52  }
0x81: {  	[tilespmem:v58+s2+$0x0] =	vst.idx.msk $0xffff, v57;
	v57 =	vadd.s32 v14, v37;
	v58 =	vor.u32 v4, v45;
	v40 =	vld.idx.msk [tilespmem:v40+s24+$0x0], $0xffff  }
0x82: {  	v46 =	vor.u32 v6, v46;
	[tilespmem:v60+s2+$0x0] =	vst.idx.msk $0xffff, v59;
	v36 =	vld.idx.msk [tilespmem:v36+s24+$0x0], $0xffff;
	v59 =	vadd.s32 v18, v47  }
0x83: {  	v48 =	vor.u32 v6, v48;
	[tilespmem:v62+s2+$0x0] =	vst.idx.msk $0xffff, v61;
	v60 =	vadd.s32 v22, v49;
	v39 =	vld.idx.msk [tilespmem:v39+s24+$0x0], $0xffff  }
0x84: {  	[tilespmem:v54+s2+$0x0] =	vst.idx.msk $0xffff, v41;
	v41 =	vor.u32 v6, v43;
	v43 =	vld.idx.msk [tilespmem:v53+s24+$0x0], $0xffff;
	v53 =	vadd.s32 v26, v50  }
0x85: {  	v42 =	vor.u32 v6, v42;
	v54 =	vadd.s32 v30, v51;
	[tilespmem:v56+s2+$0x0] =	vst.idx.msk $0xffff, v55;
	v38 =	vld.idx.msk [tilespmem:v38+s24+$0x0], $0xffff  }
0x86: {  	v62 =	vadd.s32 v34, v52;
	[tilespmem:v57+s2+$0x0] =	vst.idx.msk $0xffff, v40;
	v40 =	vor.u32 v6, v44;
	v61 =	vld.idx.msk [tilespmem:v58+s24+$0x0], $0xffff  }
0x87: {  	v37 =	vadd.s32 v15, v37;
	v45 =	vor.u32 v6, v45;
	[tilespmem:v59+s2+$0x0] =	vst.idx.msk $0xffff, v36;
	v63 =	vld.idx.msk [tilespmem:v46+s24+$0x0], $0xffff  }
0x88: {  	v57 =	vadd.s32 v19, v47;
	[tilespmem:v60+s2+$0x0] =	vst.idx.msk $0xffff, v39;
	v56 =	vld.idx.msk [tilespmem:v48+s24+$0x0], $0xffff  }
0x89: {  	v58 =	vadd.s32 v23, v49;
	[tilespmem:v53+s2+$0x0] =	vst.idx.msk $0xffff, v43;
	v41 =	vld.idx.msk [tilespmem:v41+s24+$0x0], $0xffff  }
0x8a: {  	v60 =	vadd.s32 v27, v50;
	[tilespmem:v54+s2+$0x0] =	vst.idx.msk $0xffff, v38;
	v59 =	vld.idx.msk [tilespmem:v42+s24+$0x0], $0xffff  }
0x8b: {  	[tilespmem:v62+s2+$0x0] =	vst.idx.msk $0xffff, v61;
	v40 =	vld.idx.msk [tilespmem:v40+s24+$0x0], $0xffff;
	v61 =	vadd.s32 v31, v51  }
0x8c: {  	p2 =	slt.u32 s25, $0x70;
	[tilespmem:v37+s2+$0x0] =	vst.idx.msk $0xffff, v63;
	v62 =	vld.idx.msk [tilespmem:v45+s24+$0x0], $0xffff;
	v63 =	vadd.s32 v35, v52  }
.Ltmp0:
0x8d: {  	[tilespmem:v57+s2+$0x0] =	vst.idx.msk $0xffff, v56;
	(pc) =	sbr.rel @p2 .LBB2_3-.Ltmp0, $4  }
0x8e: {  	[tilespmem:v58+s2+$0x0] =	vst.idx.msk $0xffff, v41  }
0x8f: {  	[tilespmem:v60+s2+$0x0] =	vst.idx.msk $0xffff, v59  }
0x90: {  	[tilespmem:v61+s2+$0x0] =	vst.idx.msk $0xffff, v40  }
0x91: {  	s25 =	sadd.s32 $0x10, s25;
	[tilespmem:v63+s2+$0x0] =	vst.idx.msk $0xffff, v62  }
0x92: {  	s1 =	sor.u32 s5, s6  }
0x93: {  	p2 =	seq.s32 s1, $0x0  }
0x94: {  	p2 =	por !p0, !p2  }
0x95: {  	s1 =	simm.s32 $0x1;
	p2 =	por !p2, !p2  }
0x96: {  	s1 =	simm.s32 @!p2 $0x0  }
0x97: {  	s1 =	ssub.s32 s6, s1  }
0x98: {  	s1 =	sshll.u32 s1, $0x14  }
0x99: {  	s1 =	sor.u32 s11, s1  }
0x9a: {  	s12 =	rddreg [dreg:$0x1];
	s1 =	sshrl.u32 s1, $0x3  }
0x9b: {  	s19 =	simm.s32 $0x10200;
	s20 =	sadd.s32 s12, s1  }
0x9c: {  	[hbm4b:s20+s3] =	stream.linear.scatter [tilespmem:s19], [sflag:$0x9], $0x80, $0x38;
	[tilespmem:$0x14600] =	vst v63  }
0x9d: {  	s23 =	simm.s32 $0x10288;
	s12 =	sadd.s32 $0x10, s20  }
0x9e: {  	[hbm4b:s12+s3] =	stream.linear.scatter [tilespmem:s23], [sflag:$0x9], $0x80, $0x38;
	[tilespmem:$0x14600] =	vst v63  }
0x9f: {  	s25 =	simm.s32 $0x10310;
	s30 =	sadd.s32 $0x20, s20  }
0xa0: {  	[hbm4b:s30+s3] =	stream.linear.scatter [tilespmem:s25], [sflag:$0x9], $0x80, $0x38;
	[tilespmem:$0x14600] =	vst v63  }
0xa1: {  	s19 =	simm.s32 $0x10398;
	s23 =	sadd.s32 $0x30, s20  }
0xa2: {  	[hbm4b:s23+s3] =	stream.linear.scatter [tilespmem:s19], [sflag:$0x9], $0x80, $0x38;
	[tilespmem:$0x14600] =	vst v63  }
0xa3: {  	s25 =	simm.s32 $0x10420;
	s30 =	sadd.s32 $0x40, s20  }
0xa4: {  	[hbm4b:s30+s3] =	stream.linear.scatter [tilespmem:s25], [sflag:$0x9], $0x80, $0x38;
	[tilespmem:$0x14600] =	vst v63  }
0xa5: {  	s28 =	simm.s32 $0x2200;
	s19 =	simm.s32 $0x104A8;
	s23 =	sadd.s32 $0x50, s20  }
0xa6: {  	[hbm4b:s23+s3] =	stream.linear.scatter [tilespmem:s19], [sflag:$0x9], $0x80, $0x38;
	[tilespmem:$0x14600] =	vst v63  }
0xa7: {  	s1 =	simm.s32 $0x105B8;
	s25 =	simm.s32 $0x10530;
	s30 =	sadd.s32 $0x60, s20  }
0xa8: {  	[hbm4b:s30+s3] =	stream.linear.scatter [tilespmem:s25], [sflag:$0x9], $0x80, $0x38;
	[tilespmem:$0x14600] =	vst v63  }
0xa9: {  	s12 =	sadd.s32 $0x70, s20;
	s19 =	simm.s32 $0x440;
	s25 =	sadd.s32 $0x4000, s20  }
.LBB2_5:
0xaa: {  	[hbm4b:s12+s3] =	stream.linear.scatter [tilespmem:s1], [sflag:$0x9], $0x80, $0x38;
	[tilespmem:$0x14600] =	vst v63  }
0xab: {  	s1 =	smov.u32 s19;
	s12 =	smov.u32 s28  }
0xac: {  	s20 =	sadd.s32 $0x1100, s28;
	s19 =	sshra.s32 s12, $0x2;
	s12 =	sadd.s32 $0x10200, s1  }
0xad: {  	[hbm4b:s25+s3] =	stream.linear.scatter [tilespmem:s12], [sflag:$0x9], $0x80, $0x38;
	[tilespmem:$0x14600] =	vst v63  }
0xae: {  	p2 =	sne.s32 s28, $0x7700;
	s28 =	sadd.s32 $0x10, s25;
	s12 =	sadd.s32 $0x10288, s1  }
0xaf: {  	[hbm4b:s28+s3] =	stream.linear.scatter [tilespmem:s12], [sflag:$0x9], $0x80, $0x38;
	[tilespmem:$0x14600] =	vst v63  }
0xb0: {  	s12 =	sadd.s32 $0x10310, s1;
	s28 =	sadd.s32 $0x20, s25  }
0xb1: {  	[hbm4b:s28+s3] =	stream.linear.scatter [tilespmem:s12], [sflag:$0x9], $0x80, $0x38;
	[tilespmem:$0x14600] =	vst v63  }
0xb2: {  	s12 =	sadd.s32 $0x10398, s1;
	s28 =	sadd.s32 $0x30, s25  }
0xb3: {  	[hbm4b:s28+s3] =	stream.linear.scatter [tilespmem:s12], [sflag:$0x9], $0x80, $0x38;
	[tilespmem:$0x14600] =	vst v63  }
0xb4: {  	s12 =	sadd.s32 $0x10420, s1;
	s28 =	sadd.s32 $0x40, s25  }
0xb5: {  	[hbm4b:s28+s3] =	stream.linear.scatter [tilespmem:s12], [sflag:$0x9], $0x80, $0x38;
	[tilespmem:$0x14600] =	vst v63  }
.Ltmp1:
0xb6: {  	s12 =	sadd.s32 $0x104A8, s1;
	s28 =	sadd.s32 $0x50, s25;
	(pc) =	sbr.rel @p2 .LBB2_5-.Ltmp1, $4  }
0xb7: {  	[hbm4b:s28+s3] =	stream.linear.scatter [tilespmem:s12], [sflag:$0x9], $0x80, $0x38;
	[tilespmem:$0x14600] =	vst v63  }
0xb8: {  	s12 =	sadd.s32 $0x10530, s1;
	s28 =	sadd.s32 $0x60, s25;
	s1 =	sadd.s32 $0x105B8, s1  }
0xb9: {  	[hbm4b:s28+s3] =	stream.linear.scatter [tilespmem:s12], [sflag:$0x9], $0x80, $0x38;
	[tilespmem:$0x14600] =	vst v63  }
0xba: {  	s12 =	sadd.s32 $0x70, s25;
	s25 =	sadd.s32 $0x4000, s25;
	s28 =	smov.u32 s20  }
0xbb: {  	[hbm4b:s12+s3] =	stream.linear.scatter [tilespmem:s1], [sflag:$0x9], $0x80, $0x38;
	[tilespmem:$0x14600] =	vst v63  }
0xbc: {  	s23 =	sadd.s32 $0x10200, s19  }
0xbd: {  	[hbm4b:s25+s3] =	stream.linear.scatter [tilespmem:s23], [sflag:$0x9], $0x80, $0x38;
	[tilespmem:$0x14600] =	vst v63  }
0xbe: {  	s28 =	sadd.s32 $0x10288, s19;
	s30 =	sadd.s32 $0x10, s25  }
0xbf: {  	[hbm4b:s30+s3] =	stream.linear.scatter [tilespmem:s28], [sflag:$0x9], $0x80, $0x38;
	[tilespmem:$0x14600] =	vst v63  }
0xc0: {  	s20 =	sadd.s32 $0x10310, s19;
	s23 =	sadd.s32 $0x20, s25  }
0xc1: {  	[hbm4b:s23+s3] =	stream.linear.scatter [tilespmem:s20], [sflag:$0x9], $0x80, $0x38;
	[tilespmem:$0x14600] =	vst v63  }
0xc2: {  	s28 =	sadd.s32 $0x10398, s19;
	s30 =	sadd.s32 $0x30, s25  }
0xc3: {  	[hbm4b:s30+s3] =	stream.linear.scatter [tilespmem:s28], [sflag:$0x9], $0x80, $0x38;
	[tilespmem:$0x14600] =	vst v63  }
0xc4: {  	s20 =	sadd.s32 $0x10420, s19;
	s23 =	sadd.s32 $0x40, s25  }
0xc5: {  	[hbm4b:s23+s3] =	stream.linear.scatter [tilespmem:s20], [sflag:$0x9], $0x80, $0x38;
	[tilespmem:$0x14600] =	vst v63  }
0xc6: {  	p2 =	sne.s32 s6, $0x31;
	s28 =	sadd.s32 $0x104A8, s19;
	s30 =	sadd.s32 $0x50, s25  }
0xc7: {  	[hbm4b:s30+s3] =	stream.linear.scatter [tilespmem:s28], [sflag:$0x9], $0x80, $0x38;
	[tilespmem:$0x14600] =	vst v63  }
.Ltmp2:
0xc8: {  	_ = 	snop;
	(pc) =	sbr.rel @p2 .LBB2_8-.Ltmp2, $4  }
0xc9: {  	s20 =	sadd.s32 $0x10530, s19;
	s23 =	sadd.s32 $0x60, s25  }
0xca: {  	[hbm4b:s23+s3] =	stream.linear.scatter [tilespmem:s20], [sflag:$0x9], $0x80, $0x38;
	[tilespmem:$0x14600] =	vst v63  }
0xcb: {  	s28 =	sadd.s32 $0x105B8, s19;
	s30 =	sadd.s32 $0x70, s25  }
0xcc: {  	[hbm4b:s30+s3] =	stream.linear.scatter [tilespmem:s28], [sflag:$0x9], $0x80, $0x38;
	[tilespmem:$0x14600] =	vst v63  }
.Ltmp3:
0xcd: {  	(pc) =	sbr.rel .LBB2_9-.Ltmp3, $4  }
0xce: {  	_ = 	snop  }
0xcf: {  	_ =	swait.ge [sflag:s7], $0x4000  }
0xd0: {  	[sflag:s7] =	ssyncset.done $0x0  }
0xd1: {  	[sflag:s7] =	ssyncadd.s32 $0xFFFFC000  }
.LBB2_8:
0xd2: {  	s1 =	simm.s32 $0x1  }
0xd3: {  	_ =	swait.ge [sflag:s1], $0x80  }
0xd4: {  	s19 =	simm.s32 $0x80;
	[sflag:s1] =	ssyncset.done $0x0  }
0xd5: {  	s30 =	sshll.u32 s6, $0xB;
	s12 =	rddreg [dreg:$0x8];
	[sflag:s1] =	ssyncadd.s32 $0xFFFFFF80  }
0xd6: {  	[tilespmem:s24], [sflag:$0x5] =	stream.indirect.gather [hbm4b:s4+s19], $0x80, s3, s19, $0xb8;
	[tilespmem:$0x14600] =	vst v63  }
.Ltmp4:
0xd7: {  	s1 =	sadd.s32 s30, s12;
	(pc) =	sbr.rel @p1 .LBB2_10-.Ltmp4, $4  }
0xd8: {  	[tilespmem:s19], [sflag:$0x2] =	stream.linear.gather [hbm4b:s1+s3], $0x80, $0x38;
	[tilespmem:$0x14600] =	vst v63  }
0xd9: {  	_ =	swait.ge [sflag:s7], $0x4000  }
0xda: {  	[sflag:s7] =	ssyncset.done $0x0  }
0xdb: {  	[sflag:s7] =	ssyncadd.s32 $0xFFFFC000  }
.LBB2_9:
0xdc: {  	_ =	swait.ge [sflag:s8], $0x2000  }
0xdd: {  	[sflag:s8] =	ssyncset.done $0x0  }
0xde: {  	[sflag:s8] =	ssyncadd.s32 $0xFFFFE000  }
.LBB2_10:
0xdf: {  	s25 =	simm.s32 $0x0  }
.LBB2_11:
0xe0: {  	v36 =	vmov s25;
	s1 =	sadd.s32 $0x1, s25  }
0xe1: {  	v36 =	vshll.u32 v36, $0x7;
	v38 =	vmov s1  }
0xe2: {  	v37 =	vor.u32 v0, v36;
	v39 =	vshll.u32 v38, $0x7  }
0xe3: {  	s30 =	sadd.s32 $0x2, s25;
	v40 =	vor.u32 v0, v39  }
0xe4: {  	s12 =	sadd.s32 $0x3, s25;
	v43 =	vmov s30  }
0xe5: {  	v45 =	vmov s12;
	v44 =	vshll.u32 v43, $0x7  }
0xe6: {  	v47 =	vshll.u32 v45, $0x7;
	v46 =	vor.u32 v0, v44  }
0xe7: {  	v41 =	vadd.s32 s25, v1;
	v38 =	vand.u32 $0x70, v38;
	v49 =	vor.u32 v0, v47;
	v37 =	vld.idx.msk [tilespmem:v37+s26+$0x0], $0xffff  }
0xe8: {  	v42 =	vor.u32 v2, v36;
	v48 =	vadd.s32 v8, v38;
	v40 =	vld.idx.msk [tilespmem:v40+s26+$0x0], $0xffff  }
0xe9: {  	v60 =	vor.u32 v2, v39  }
0xea: {  	v43 =	vand.u32 $0x70, v43  }
0xeb: {  	v45 =	vand.u32 $0x70, v45;
	v51 =	vadd.s32 v12, v43;
	v46 =	vld.idx.msk [tilespmem:v46+s26+$0x0], $0xffff  }
0xec: {  	v62 =	vor.u32 v2, v44;
	v56 =	vadd.s32 v16, v45;
	v63 =	vld.idx.msk [tilespmem:v49+s26+$0x0], $0xffff;
	[tilespmem:v41+s21+$0x0] =	vst.idx.msk $0xffff, v37  }
0xed: {  	v61 =	vadd.s32 s25, v3;
	v53 =	vor.u32 v2, v47;
	v41 =	vld.idx.msk [tilespmem:v42+s26+$0x0], $0xffff;
	[tilespmem:v48+s21+$0x0] =	vst.idx.msk $0xffff, v40  }
0xee: {  	v50 =	vor.u32 v4, v36;
	v52 =	vadd.s32 v9, v38;
	v37 =	vld.idx.msk [tilespmem:v60+s26+$0x0], $0xffff  }
0xef: {  	v57 =	vor.u32 v4, v39  }
0xf0: {  	[tilespmem:v51+s21+$0x0] =	vst.idx.msk $0xffff, v46  }
0xf1: {  	v59 =	vadd.s32 v13, v43;
	[tilespmem:v56+s21+$0x0] =	vst.idx.msk $0xffff, v63;
	v40 =	vld.idx.msk [tilespmem:v62+s26+$0x0], $0xffff  }
0xf2: {  	v60 =	vor.u32 v4, v44;
	v48 =	vld.idx.msk [tilespmem:v53+s26+$0x0], $0xffff;
	[tilespmem:v61+s21+$0x0] =	vst.idx.msk $0xffff, v41;
	v61 =	vadd.s32 v17, v45  }
0xf3: {  	v58 =	vadd.s32 s25, v5;
	v63 =	vor.u32 v4, v47;
	v42 =	vld.idx.msk [tilespmem:v50+s26+$0x0], $0xffff;
	[tilespmem:v52+s21+$0x0] =	vst.idx.msk $0xffff, v37  }
0xf4: {  	v36 =	vor.u32 v6, v36;
	v62 =	vadd.s32 v10, v38;
	v41 =	vld.idx.msk [tilespmem:v57+s26+$0x0], $0xffff  }
0xf5: {  	v39 =	vor.u32 v6, v39  }
0xf6: {  	s28 =	sadd.s32 $0x7, s25;
	[tilespmem:v59+s21+$0x0] =	vst.idx.msk $0xffff, v40  }
0xf7: {  	v54 =	vmov s28;
	s28 =	sadd.s32 $0x8, s25;
	v40 =	vadd.s32 v14, v43;
	v37 =	vld.idx.msk [tilespmem:v60+s26+$0x0], $0xffff;
	[tilespmem:v61+s21+$0x0] =	vst.idx.msk $0xffff, v48  }
0xf8: {  	s20 =	sadd.s32 $0x5, s25;
	v55 =	vmov s28;
	v56 =	vadd.s32 s25, v7;
	[tilespmem:v58+s21+$0x0] =	vst.idx.msk $0xffff, v42;
	v57 =	vld.idx.msk [tilespmem:v63+s26+$0x0], $0xffff;
	v58 =	vadd.s32 v18, v45  }
0xf9: {  	s19 =	sadd.s32 $0x4, s25;
	v47 =	vor.u32 v6, v47;
	v44 =	vor.u32 v6, v44;
	v60 =	vmov s20;
	v36 =	vld.idx.msk [tilespmem:v36+s26+$0x0], $0xffff;
	[tilespmem:v62+s21+$0x0] =	vst.idx.msk $0xffff, v41  }
0xfa: {  	s23 =	sadd.s32 $0x6, s25;
	v38 =	vadd.s32 v11, v38;
	v59 =	vmov s19;
	v52 =	vshll.u32 v60, $0x7;
	v39 =	vld.idx.msk [tilespmem:v39+s26+$0x0], $0xffff  }
0xfb: {  	v49 =	vshll.u32 v59, $0x7;
	v63 =	vor.u32 v0, v52;
	v62 =	vmov s23  }
0xfc: {  	s30 =	sadd.s32 $0x9, s25;
	v46 =	vshll.u32 v55, $0x7;
	v61 =	vor.u32 v0, v49;
	[tilespmem:v40+s21+$0x0] =	vst.idx.msk $0xffff, v37;
	v42 =	vshll.u32 v62, $0x7  }
0xfd: {  	v55 =	vmov s30;
	v43 =	vadd.s32 v15, v43;
	v37 =	vor.u32 v0, v42;
	[tilespmem:v58+s21+$0x0] =	vst.idx.msk $0xffff, v57  }
0xfe: {  	v50 =	vand.u32 $0x70, v60;
	v48 =	vshll.u32 v55, $0x7;
	v40 =	vshll.u32 v54, $0x7;
	v44 =	vld.idx.msk [tilespmem:v44+s26+$0x0], $0xffff;
	[tilespmem:v56+s21+$0x0] =	vst.idx.msk $0xffff, v36  }
0xff: {  	v45 =	vadd.s32 v19, v45;
	v41 =	vor.u32 v0, v40;
	[tilespmem:v38+s21+$0x0] =	vst.idx.msk $0xffff, v39;
	v38 =	vld.idx.msk [tilespmem:v47+s26+$0x0], $0xffff  }
0x100: {  	v36 =	vld.idx.msk [tilespmem:v63+s26+$0x0], $0xffff;
	v39 =	vand.u32 $0x70, v59;
	v47 =	vor.u32 v0, v46;
	v59 =	vadd.s32 v24, v50  }
0x101: {  	v53 =	vand.u32 $0x70, v62;
	v51 =	vld.idx.msk [tilespmem:v61+s26+$0x0], $0xffff;
	v57 =	vor.u32 v0, v48;
	v56 =	vadd.s32 v20, v39  }
0x102: {  	v60 =	vor.u32 v2, v52;
	v61 =	vadd.s32 v28, v53;
	v37 =	vld.idx.msk [tilespmem:v37+s26+$0x0], $0xffff  }
0x103: {  	v54 =	vand.u32 $0x70, v54;
	v58 =	vor.u32 v2, v49;
	[tilespmem:v43+s21+$0x0] =	vst.idx.msk $0xffff, v44  }
0x104: {  	v41 =	vld.idx.msk [tilespmem:v41+s26+$0x0], $0xffff;
	v44 =	vadd.s32 v32, v54;
	[tilespmem:v45+s21+$0x0] =	vst.idx.msk $0xffff, v38  }
0x105: {  	v55 =	vand.u32 $0x78, v55;
	v43 =	vor.u32 v2, v42;
	v45 =	vld.idx.msk [tilespmem:v47+s26+$0x0], $0xffff;
	v47 =	vadd.s32 s28, v1;
	[tilespmem:v59+s21+$0x0] =	vst.idx.msk $0xffff, v36  }
0x106: {  	v38 =	vor.u32 v2, v40;
	[tilespmem:v56+s21+$0x0] =	vst.idx.msk $0xffff, v51;
	v56 =	vld.idx.msk [tilespmem:v57+s26+$0x0], $0xffff;
	v57 =	vadd.s32 v8, v55  }
0x107: {  	v51 =	vor.u32 v2, v46;
	v60 =	vld.idx.msk [tilespmem:v60+s26+$0x0], $0xffff;
	[tilespmem:v61+s21+$0x0] =	vst.idx.msk $0xffff, v37;
	v37 =	vadd.s32 v25, v50  }
0x108: {  	v62 =	vadd.s32 v21, v39;
	v36 =	vor.u32 v2, v48;
	v58 =	vld.idx.msk [tilespmem:v58+s26+$0x0], $0xffff  }
0x109: {  	[tilespmem:v44+s21+$0x0] =	vst.idx.msk $0xffff, v41;
	v61 =	vor.u32 v4, v52  }
0x10a: {  	v59 =	vor.u32 v4, v49;
	v41 =	vadd.s32 v29, v53;
	v43 =	vld.idx.msk [tilespmem:v43+s26+$0x0], $0xffff;
	[tilespmem:v47+s21+$0x0] =	vst.idx.msk $0xffff, v45  }
0x10b: {  	v44 =	vor.u32 v4, v42;
	v38 =	vld.idx.msk [tilespmem:v38+s26+$0x0], $0xffff;
	v45 =	vadd.s32 v33, v54;
	[tilespmem:v57+s21+$0x0] =	vst.idx.msk $0xffff, v56  }
0x10c: {  	v47 =	vor.u32 v4, v40;
	v51 =	vld.idx.msk [tilespmem:v51+s26+$0x0], $0xffff;
	v56 =	vadd.s32 s28, v3;
	[tilespmem:v37+s21+$0x0] =	vst.idx.msk $0xffff, v60  }
0x10d: {  	v57 =	vor.u32 v4, v46;
	[tilespmem:v62+s21+$0x0] =	vst.idx.msk $0xffff, v58;
	v36 =	vld.idx.msk [tilespmem:v36+s26+$0x0], $0xffff;
	v58 =	vadd.s32 v9, v55  }
0x10e: {  	v37 =	vor.u32 v4, v48;
	v60 =	vld.idx.msk [tilespmem:v61+s26+$0x0], $0xffff;
	v61 =	vadd.s32 v26, v50  }
0x10f: {  	v49 =	vor.u32 v6, v49;
	v62 =	vadd.s32 v22, v39;
	[tilespmem:v41+s21+$0x0] =	vst.idx.msk $0xffff, v43;
	v59 =	vld.idx.msk [tilespmem:v59+s26+$0x0], $0xffff  }
0x110: {  	v41 =	vor.u32 v6, v52;
	v43 =	vld.idx.msk [tilespmem:v44+s26+$0x0], $0xffff;
	v44 =	vadd.s32 v30, v53;
	[tilespmem:v45+s21+$0x0] =	vst.idx.msk $0xffff, v38  }
0x111: {  	v38 =	vor.u32 v6, v42;
	v45 =	vadd.s32 v34, v54;
	v42 =	vld.idx.msk [tilespmem:v47+s26+$0x0], $0xffff;
	[tilespmem:v56+s21+$0x0] =	vst.idx.msk $0xffff, v51  }
0x112: {  	v56 =	vld.idx.msk [tilespmem:v57+s26+$0x0], $0xffff;
	v57 =	vadd.s32 s28, v5;
	[tilespmem:v58+s21+$0x0] =	vst.idx.msk $0xffff, v36  }
0x113: {  	v63 =	vadd.s32 v10, v55;
	v40 =	vor.u32 v6, v40;
	[tilespmem:v61+s21+$0x0] =	vst.idx.msk $0xffff, v60;
	v37 =	vld.idx.msk [tilespmem:v37+s26+$0x0], $0xffff  }
0x114: {  	[tilespmem:v62+s21+$0x0] =	vst.idx.msk $0xffff, v59;
	v62 =	vor.u32 v6, v46  }
0x115: {  	v48 =	vor.u32 v6, v48;
	v39 =	vadd.s32 v23, v39;
	[tilespmem:v44+s21+$0x0] =	vst.idx.msk $0xffff, v43;
	v49 =	vld.idx.msk [tilespmem:v49+s26+$0x0], $0xffff  }
0x116: {  	s19 =	sadd.s32 $0xB, s25;
	v50 =	vadd.s32 v27, v50;
	v52 =	vadd.s32 v31, v53;
	v41 =	vld.idx.msk [tilespmem:v41+s26+$0x0], $0xffff;
	[tilespmem:v45+s21+$0x0] =	vst.idx.msk $0xffff, v42  }
0x117: {  	s12 =	sadd.s32 $0xA, s25;
	v53 =	vadd.s32 v35, v54;
	v54 =	vadd.s32 s28, v7;
	v58 =	vmov s19;
	s28 =	sadd.s32 $0xE, s25;
	v38 =	vld.idx.msk [tilespmem:v38+s26+$0x0], $0xffff;
	[tilespmem:v57+s21+$0x0] =	vst.idx.msk $0xffff, v56  }
0x118: {  	v51 =	vmov s28;
	v40 =	vld.idx.msk [tilespmem:v40+s26+$0x0], $0xffff;
	[tilespmem:v63+s21+$0x0] =	vst.idx.msk $0xffff, v37;
	v37 =	vmov s12  }
0x119: {  	s20 =	sadd.s32 $0xC, s25;
	v47 =	vand.u32 $0x78, v58;
	v57 =	vadd.s32 v11, v55;
	v36 =	vld.idx.msk [tilespmem:v62+s26+$0x0], $0xffff;
	v46 =	vshll.u32 v37, $0x7  }
0x11a: {  	s23 =	sadd.s32 $0xD, s25;
	[tilespmem:v39+s21+$0x0] =	vst.idx.msk $0xffff, v49;
	v56 =	vld.idx.msk [tilespmem:v48+s26+$0x0], $0xffff;
	v48 =	vshll.u32 v58, $0x7;
	v49 =	vmov s20;
	v59 =	vor.u32 v0, v46  }
0x11b: {  	v62 =	vmov s23;
	v61 =	vor.u32 v0, v48;
	v43 =	vshll.u32 v49, $0x7  }
0x11c: {  	s30 =	sadd.s32 $0xF, s25;
	v44 =	vshll.u32 v51, $0x7;
	[tilespmem:v50+s21+$0x0] =	vst.idx.msk $0xffff, v41;
	v42 =	vshll.u32 v62, $0x7;
	v63 =	vor.u32 v0, v43  }
0x11d: {  	v37 =	vand.u32 $0x78, v37;
	[tilespmem:v52+s21+$0x0] =	vst.idx.msk $0xffff, v38;
	v60 =	vor.u32 v0, v42;
	v52 =	vmov s30  }
0x11e: {  	v39 =	vor.u32 v0, v44;
	v55 =	vor.u32 v2, v46;
	v45 =	vshll.u32 v52, $0x7;
	[tilespmem:v53+s21+$0x0] =	vst.idx.msk $0xffff, v40  }
0x11f: {  	v53 =	vadd.s32 v12, v37;
	[tilespmem:v54+s21+$0x0] =	vst.idx.msk $0xffff, v36;
	v54 =	vor.u32 v0, v45;
	v41 =	vld.idx.msk [tilespmem:v59+s26+$0x0], $0xffff  }
0x120: {  	v49 =	vand.u32 $0x78, v49;
	[tilespmem:v57+s21+$0x0] =	vst.idx.msk $0xffff, v56;
	v56 =	vadd.s32 v16, v47;
	v38 =	vld.idx.msk [tilespmem:v61+s26+$0x0], $0xffff  }
0x121: {  	v50 =	vand.u32 $0x78, v62;
	v58 =	vadd.s32 v20, v49;
	v57 =	vor.u32 v2, v48;
	v40 =	vld.idx.msk [tilespmem:v63+s26+$0x0], $0xffff  }
0x122: {  	v51 =	vand.u32 $0x78, v51;
	v59 =	vor.u32 v2, v43;
	v36 =	vld.idx.msk [tilespmem:v60+s26+$0x0], $0xffff;
	v60 =	vadd.s32 v24, v50  }
0x123: {  	v62 =	vadd.s32 v28, v51;
	v52 =	vand.u32 $0x78, v52;
	v39 =	vld.idx.msk [tilespmem:v39+s26+$0x0], $0xffff;
	v61 =	vor.u32 v2, v42  }
0x124: {  	[tilespmem:v53+s21+$0x0] =	vst.idx.msk $0xffff, v41;
	v41 =	vor.u32 v2, v44;
	v53 =	vld.idx.msk [tilespmem:v54+s26+$0x0], $0xffff;
	v54 =	vadd.s32 v32, v52  }
0x125: {  	[tilespmem:v56+s21+$0x0] =	vst.idx.msk $0xffff, v38;
	v38 =	vadd.s32 v13, v37;
	v56 =	vor.u32 v2, v45;
	v55 =	vld.idx.msk [tilespmem:v55+s26+$0x0], $0xffff  }
0x126: {  	[tilespmem:v58+s21+$0x0] =	vst.idx.msk $0xffff, v40;
	v40 =	vor.u32 v4, v46;
	v57 =	vld.idx.msk [tilespmem:v57+s26+$0x0], $0xffff;
	v58 =	vadd.s32 v17, v47  }
0x127: {  	[tilespmem:v60+s21+$0x0] =	vst.idx.msk $0xffff, v36;
	v36 =	vor.u32 v4, v48;
	v60 =	vadd.s32 v21, v49;
	v59 =	vld.idx.msk [tilespmem:v59+s26+$0x0], $0xffff  }
0x128: {  	[tilespmem:v62+s21+$0x0] =	vst.idx.msk $0xffff, v39;
	v39 =	vor.u32 v4, v43;
	v62 =	vadd.s32 v25, v50;
	v61 =	vld.idx.msk [tilespmem:v61+s26+$0x0], $0xffff  }
0x129: {  	[tilespmem:v54+s21+$0x0] =	vst.idx.msk $0xffff, v53;
	v53 =	vor.u32 v4, v42;
	v41 =	vld.idx.msk [tilespmem:v41+s26+$0x0], $0xffff;
	v54 =	vadd.s32 v29, v51  }
0x12a: {  	[tilespmem:v38+s21+$0x0] =	vst.idx.msk $0xffff, v55;
	v38 =	vor.u32 v4, v44;
	v55 =	vld.idx.msk [tilespmem:v56+s26+$0x0], $0xffff;
	v56 =	vadd.s32 v33, v52  }
0x12b: {  	[tilespmem:v58+s21+$0x0] =	vst.idx.msk $0xffff, v57;
	v57 =	vadd.s32 v14, v37;
	v58 =	vor.u32 v4, v45;
	v40 =	vld.idx.msk [tilespmem:v40+s26+$0x0], $0xffff  }
0x12c: {  	v46 =	vor.u32 v6, v46;
	[tilespmem:v60+s21+$0x0] =	vst.idx.msk $0xffff, v59;
	v36 =	vld.idx.msk [tilespmem:v36+s26+$0x0], $0xffff;
	v59 =	vadd.s32 v18, v47  }
0x12d: {  	v48 =	vor.u32 v6, v48;
	[tilespmem:v62+s21+$0x0] =	vst.idx.msk $0xffff, v61;
	v60 =	vadd.s32 v22, v49;
	v39 =	vld.idx.msk [tilespmem:v39+s26+$0x0], $0xffff  }
0x12e: {  	[tilespmem:v54+s21+$0x0] =	vst.idx.msk $0xffff, v41;
	v41 =	vor.u32 v6, v43;
	v43 =	vld.idx.msk [tilespmem:v53+s26+$0x0], $0xffff;
	v53 =	vadd.s32 v26, v50  }
0x12f: {  	v42 =	vor.u32 v6, v42;
	v54 =	vadd.s32 v30, v51;
	[tilespmem:v56+s21+$0x0] =	vst.idx.msk $0xffff, v55;
	v38 =	vld.idx.msk [tilespmem:v38+s26+$0x0], $0xffff  }
0x130: {  	v62 =	vadd.s32 v34, v52;
	[tilespmem:v57+s21+$0x0] =	vst.idx.msk $0xffff, v40;
	v40 =	vor.u32 v6, v44;
	v61 =	vld.idx.msk [tilespmem:v58+s26+$0x0], $0xffff  }
0x131: {  	v37 =	vadd.s32 v15, v37;
	v45 =	vor.u32 v6, v45;
	[tilespmem:v59+s21+$0x0] =	vst.idx.msk $0xffff, v36;
	v63 =	vld.idx.msk [tilespmem:v46+s26+$0x0], $0xffff  }
0x132: {  	v57 =	vadd.s32 v19, v47;
	[tilespmem:v60+s21+$0x0] =	vst.idx.msk $0xffff, v39;
	v56 =	vld.idx.msk [tilespmem:v48+s26+$0x0], $0xffff  }
0x133: {  	v58 =	vadd.s32 v23, v49;
	[tilespmem:v53+s21+$0x0] =	vst.idx.msk $0xffff, v43;
	v41 =	vld.idx.msk [tilespmem:v41+s26+$0x0], $0xffff  }
0x134: {  	v60 =	vadd.s32 v27, v50;
	[tilespmem:v54+s21+$0x0] =	vst.idx.msk $0xffff, v38;
	v59 =	vld.idx.msk [tilespmem:v42+s26+$0x0], $0xffff  }
0x135: {  	[tilespmem:v62+s21+$0x0] =	vst.idx.msk $0xffff, v61;
	v40 =	vld.idx.msk [tilespmem:v40+s26+$0x0], $0xffff;
	v61 =	vadd.s32 v31, v51  }
0x136: {  	p1 =	slt.u32 s25, $0x70;
	[tilespmem:v37+s21+$0x0] =	vst.idx.msk $0xffff, v63;
	v62 =	vld.idx.msk [tilespmem:v45+s26+$0x0], $0xffff;
	v63 =	vadd.s32 v35, v52  }
.Ltmp5:
0x137: {  	[tilespmem:v57+s21+$0x0] =	vst.idx.msk $0xffff, v56;
	(pc) =	sbr.rel @p1 .LBB2_11-.Ltmp5, $4  }
0x138: {  	[tilespmem:v58+s21+$0x0] =	vst.idx.msk $0xffff, v41  }
0x139: {  	[tilespmem:v60+s21+$0x0] =	vst.idx.msk $0xffff, v59  }
0x13a: {  	[tilespmem:v61+s21+$0x0] =	vst.idx.msk $0xffff, v40  }
0x13b: {  	s25 =	sadd.s32 $0x10, s25;
	[tilespmem:v63+s21+$0x0] =	vst.idx.msk $0xffff, v62  }
0x13c: {  	s25 =	sshll.u32 s6, $0x11  }
0x13d: {  	s1 =	simm.s32 $0x12400;
	s20 =	sadd.s32 s25, s13  }
0x13e: {  	[hbm4b:s20+s3] =	stream.linear.scatter [tilespmem:s1], [sflag:$0xA], $0x80, $0x38;
	[tilespmem:$0x14600] =	vst v63  }
0x13f: {  	s23 =	simm.s32 $0x12488;
	s12 =	sadd.s32 $0x10, s20  }
0x140: {  	[hbm4b:s12+s3] =	stream.linear.scatter [tilespmem:s23], [sflag:$0xA], $0x80, $0x38;
	[tilespmem:$0x14600] =	vst v63  }
0x141: {  	s19 =	simm.s32 $0x12510;
	s23 =	sadd.s32 $0x20, s20  }
0x142: {  	[hbm4b:s23+s3] =	stream.linear.scatter [tilespmem:s19], [sflag:$0xA], $0x80, $0x38;
	[tilespmem:$0x14600] =	vst v63  }
0x143: {  	s19 =	simm.s32 $0x12598;
	s23 =	sadd.s32 $0x30, s20  }
0x144: {  	[hbm4b:s23+s3] =	stream.linear.scatter [tilespmem:s19], [sflag:$0xA], $0x80, $0x38;
	[tilespmem:$0x14600] =	vst v63  }
0x145: {  	s19 =	simm.s32 $0x12620;
	s23 =	sadd.s32 $0x40, s20  }
0x146: {  	[hbm4b:s23+s3] =	stream.linear.scatter [tilespmem:s19], [sflag:$0xA], $0x80, $0x38;
	[tilespmem:$0x14600] =	vst v63  }
0x147: {  	s30 =	simm.s32 $0x2200;
	s19 =	simm.s32 $0x126A8;
	s23 =	sadd.s32 $0x50, s20  }
0x148: {  	[hbm4b:s23+s3] =	stream.linear.scatter [tilespmem:s19], [sflag:$0xA], $0x80, $0x38;
	[tilespmem:$0x14600] =	vst v63  }
0x149: {  	s1 =	simm.s32 $0x127B8;
	s19 =	simm.s32 $0x12730;
	s23 =	sadd.s32 $0x60, s20  }
0x14a: {  	[hbm4b:s23+s3] =	stream.linear.scatter [tilespmem:s19], [sflag:$0xA], $0x80, $0x38;
	[tilespmem:$0x14600] =	vst v63  }
0x14b: {  	s28 =	sadd.s32 $0x4000, s20;
	s12 =	sadd.s32 $0x70, s20;
	s19 =	simm.s32 $0x440  }
.LBB2_13:
0x14c: {  	[hbm4b:s12+s3] =	stream.linear.scatter [tilespmem:s1], [sflag:$0xA], $0x80, $0x38;
	[tilespmem:$0x14600] =	vst v63  }
0x14d: {  	s1 =	smov.u32 s19;
	s12 =	smov.u32 s30  }
0x14e: {  	s20 =	sadd.s32 $0x1100, s30;
	s19 =	sshra.s32 s12, $0x2;
	s12 =	sadd.s32 $0x12400, s1  }
0x14f: {  	[hbm4b:s28+s3] =	stream.linear.scatter [tilespmem:s12], [sflag:$0xA], $0x80, $0x38;
	[tilespmem:$0x14600] =	vst v63  }
0x150: {  	p1 =	sne.s32 s30, $0x7700;
	s30 =	sadd.s32 $0x10, s28;
	s12 =	sadd.s32 $0x12488, s1  }
0x151: {  	[hbm4b:s30+s3] =	stream.linear.scatter [tilespmem:s12], [sflag:$0xA], $0x80, $0x38;
	[tilespmem:$0x14600] =	vst v63  }
0x152: {  	s12 =	sadd.s32 $0x12510, s1;
	s30 =	sadd.s32 $0x20, s28  }
0x153: {  	[hbm4b:s30+s3] =	stream.linear.scatter [tilespmem:s12], [sflag:$0xA], $0x80, $0x38;
	[tilespmem:$0x14600] =	vst v63  }
0x154: {  	s12 =	sadd.s32 $0x12598, s1;
	s30 =	sadd.s32 $0x30, s28  }
0x155: {  	[hbm4b:s30+s3] =	stream.linear.scatter [tilespmem:s12], [sflag:$0xA], $0x80, $0x38;
	[tilespmem:$0x14600] =	vst v63  }
0x156: {  	s12 =	sadd.s32 $0x12620, s1;
	s30 =	sadd.s32 $0x40, s28  }
0x157: {  	[hbm4b:s30+s3] =	stream.linear.scatter [tilespmem:s12], [sflag:$0xA], $0x80, $0x38;
	[tilespmem:$0x14600] =	vst v63  }
.Ltmp6:
0x158: {  	s12 =	sadd.s32 $0x126A8, s1;
	s30 =	sadd.s32 $0x50, s28;
	(pc) =	sbr.rel @p1 .LBB2_13-.Ltmp6, $4  }
0x159: {  	[hbm4b:s30+s3] =	stream.linear.scatter [tilespmem:s12], [sflag:$0xA], $0x80, $0x38;
	[tilespmem:$0x14600] =	vst v63  }
0x15a: {  	s12 =	sadd.s32 $0x12730, s1;
	s30 =	sadd.s32 $0x60, s28;
	s1 =	sadd.s32 $0x127B8, s1  }
0x15b: {  	[hbm4b:s30+s3] =	stream.linear.scatter [tilespmem:s12], [sflag:$0xA], $0x80, $0x38;
	[tilespmem:$0x14600] =	vst v63  }
0x15c: {  	s12 =	sadd.s32 $0x70, s28;
	s28 =	sadd.s32 $0x4000, s28;
	s30 =	smov.u32 s20  }
0x15d: {  	[hbm4b:s12+s3] =	stream.linear.scatter [tilespmem:s1], [sflag:$0xA], $0x80, $0x38;
	[tilespmem:$0x14600] =	vst v63  }
0x15e: {  	s12 =	sadd.s32 $0x12400, s19  }
0x15f: {  	[hbm4b:s28+s3] =	stream.linear.scatter [tilespmem:s12], [sflag:$0xA], $0x80, $0x38;
	[tilespmem:$0x14600] =	vst v63  }
0x160: {  	s20 =	sadd.s32 $0x12488, s19;
	s23 =	sadd.s32 $0x10, s28  }
0x161: {  	[hbm4b:s23+s3] =	stream.linear.scatter [tilespmem:s20], [sflag:$0xA], $0x80, $0x38;
	[tilespmem:$0x14600] =	vst v63  }
0x162: {  	s20 =	sadd.s32 $0x12510, s19;
	s23 =	sadd.s32 $0x20, s28  }
0x163: {  	[hbm4b:s23+s3] =	stream.linear.scatter [tilespmem:s20], [sflag:$0xA], $0x80, $0x38;
	[tilespmem:$0x14600] =	vst v63  }
0x164: {  	s20 =	sadd.s32 $0x12598, s19;
	s23 =	sadd.s32 $0x30, s28  }
0x165: {  	[hbm4b:s23+s3] =	stream.linear.scatter [tilespmem:s20], [sflag:$0xA], $0x80, $0x38;
	[tilespmem:$0x14600] =	vst v63  }
0x166: {  	s20 =	sadd.s32 $0x12620, s19;
	s23 =	sadd.s32 $0x40, s28  }
0x167: {  	[hbm4b:s23+s3] =	stream.linear.scatter [tilespmem:s20], [sflag:$0xA], $0x80, $0x38;
	[tilespmem:$0x14600] =	vst v63  }
0x168: {  	s20 =	sadd.s32 $0x126A8, s19;
	s23 =	sadd.s32 $0x50, s28  }
0x169: {  	[hbm4b:s23+s3] =	stream.linear.scatter [tilespmem:s20], [sflag:$0xA], $0x80, $0x38;
	[tilespmem:$0x14600] =	vst v63  }
0x16a: {  	p1 =	seq.s32 s6, $0x31;
	s20 =	sadd.s32 $0x12730, s19;
	s23 =	sadd.s32 $0x60, s28  }
0x16b: {  	[hbm4b:s23+s3] =	stream.linear.scatter [tilespmem:s20], [sflag:$0xA], $0x80, $0x38;
	[tilespmem:$0x14600] =	vst v63  }
0x16c: {  	s1 =	simm.s32 @!p1 $0x2;
	s20 =	sadd.s32 $0x127B8, s19;
	s23 =	sadd.s32 $0x70, s28  }
0x16d: {  	[hbm4b:s23+s3] =	stream.linear.scatter [tilespmem:s20], [sflag:$0xA], $0x80, $0x38;
	[tilespmem:$0x14600] =	vst v63  }
0x16e: {  	_ =	swait.ge @!p1 [sflag:s1], $0x80  }
0x16f: {  	s12 =	simm.s32 @!p1 $0x4200;
	[sflag:s1] =	ssyncset.done @!p1 $0x0  }
0x170: {  	s28 =	sshll.u32 @!p1 s6, $0xB;
	[sflag:s1] =	ssyncadd.s32 @!p1 $0xFFFFFF80;
	s1 =	simm.s32 @!p1 $0x80  }
0x171: {  	[tilespmem:s12], [sflag:$0x6] =	stream.indirect.gather @!p1 [hbm4b:s4+s1], $0x80, s1, s1, $0xb8;
	[tilespmem:$0x14600] =	vst v63  }
0x172: {  	s19 =	simm.s32 @!p1 $0x100;
	s1 =	sadd.s32 @!p1 s28, s14;
	s12 =	simm.s32 @!p1 $0x0  }
0x173: {  	[tilespmem:s19], [sflag:$0x3] =	stream.linear.gather @!p1 [hbm4b:s1+s12], $0x80, $0x38;
	[tilespmem:$0x14600] =	vst v63  }
0x174: {  	_ =	swait.ge [sflag:s22], $0x4000  }
0x175: {  	[sflag:s22] =	ssyncset.done $0x0  }
0x176: {  	[sflag:s22] =	ssyncadd.s32 $0xFFFFC000  }
0x177: {  	_ =	swait.ge [sflag:s9], $0x2000  }
0x178: {  	[sflag:s9] =	ssyncset.done $0x0  }
0x179: {  	s30 =	simm.s32 $0x0;
	[sflag:s9] =	ssyncadd.s32 $0xFFFFE000  }
.LBB2_15:
0x17a: {  	v36 =	vmov s30;
	s1 =	sadd.s32 $0x1, s30  }
0x17b: {  	v36 =	vshll.u32 v36, $0x7;
	v38 =	vmov s1  }
0x17c: {  	v37 =	vor.u32 v0, v36;
	v39 =	vshll.u32 v38, $0x7  }
0x17d: {  	s20 =	sadd.s32 $0x2, s30;
	v40 =	vor.u32 v0, v39  }
0x17e: {  	s23 =	sadd.s32 $0x3, s30;
	v43 =	vmov s20  }
0x17f: {  	v45 =	vmov s23;
	v44 =	vshll.u32 v43, $0x7  }
0x180: {  	v47 =	vshll.u32 v45, $0x7;
	v46 =	vor.u32 v0, v44  }
0x181: {  	v41 =	vadd.s32 s30, v1;
	v38 =	vand.u32 $0x70, v38;
	v49 =	vor.u32 v0, v47;
	v37 =	vld.idx.msk [tilespmem:v37+s29+$0x0], $0xffff  }
0x182: {  	v42 =	vor.u32 v2, v36;
	v48 =	vadd.s32 v8, v38;
	v40 =	vld.idx.msk [tilespmem:v40+s29+$0x0], $0xffff  }
0x183: {  	v60 =	vor.u32 v2, v39  }
0x184: {  	v43 =	vand.u32 $0x70, v43  }
0x185: {  	v45 =	vand.u32 $0x70, v45;
	v51 =	vadd.s32 v12, v43;
	v46 =	vld.idx.msk [tilespmem:v46+s29+$0x0], $0xffff  }
0x186: {  	v62 =	vor.u32 v2, v44;
	v56 =	vadd.s32 v16, v45;
	v63 =	vld.idx.msk [tilespmem:v49+s29+$0x0], $0xffff;
	[tilespmem:v41+s2+$0x0] =	vst.idx.msk $0xffff, v37  }
0x187: {  	v61 =	vadd.s32 s30, v3;
	v53 =	vor.u32 v2, v47;
	v41 =	vld.idx.msk [tilespmem:v42+s29+$0x0], $0xffff;
	[tilespmem:v48+s2+$0x0] =	vst.idx.msk $0xffff, v40  }
0x188: {  	v50 =	vor.u32 v4, v36;
	v52 =	vadd.s32 v9, v38;
	v37 =	vld.idx.msk [tilespmem:v60+s29+$0x0], $0xffff  }
0x189: {  	v57 =	vor.u32 v4, v39  }
0x18a: {  	[tilespmem:v51+s2+$0x0] =	vst.idx.msk $0xffff, v46  }
0x18b: {  	v59 =	vadd.s32 v13, v43;
	[tilespmem:v56+s2+$0x0] =	vst.idx.msk $0xffff, v63;
	v40 =	vld.idx.msk [tilespmem:v62+s29+$0x0], $0xffff  }
0x18c: {  	v60 =	vor.u32 v4, v44;
	v48 =	vld.idx.msk [tilespmem:v53+s29+$0x0], $0xffff;
	[tilespmem:v61+s2+$0x0] =	vst.idx.msk $0xffff, v41;
	v61 =	vadd.s32 v17, v45  }
0x18d: {  	v58 =	vadd.s32 s30, v5;
	v63 =	vor.u32 v4, v47;
	v42 =	vld.idx.msk [tilespmem:v50+s29+$0x0], $0xffff;
	[tilespmem:v52+s2+$0x0] =	vst.idx.msk $0xffff, v37  }
0x18e: {  	v36 =	vor.u32 v6, v36;
	v62 =	vadd.s32 v10, v38;
	v41 =	vld.idx.msk [tilespmem:v57+s29+$0x0], $0xffff  }
0x18f: {  	v39 =	vor.u32 v6, v39  }
0x190: {  	[tilespmem:v59+s2+$0x0] =	vst.idx.msk $0xffff, v40  }
0x191: {  	s23 =	sadd.s32 $0x7, s30;
	v56 =	vadd.s32 s30, v7;
	v40 =	vadd.s32 v14, v43;
	v37 =	vld.idx.msk [tilespmem:v60+s29+$0x0], $0xffff;
	[tilespmem:v61+s2+$0x0] =	vst.idx.msk $0xffff, v48  }
0x192: {  	s19 =	sadd.s32 $0x5, s30;
	v54 =	vmov s23;
	v47 =	vor.u32 v6, v47;
	[tilespmem:v58+s2+$0x0] =	vst.idx.msk $0xffff, v42;
	v57 =	vld.idx.msk [tilespmem:v63+s29+$0x0], $0xffff;
	v58 =	vadd.s32 v18, v45  }
0x193: {  	s12 =	sadd.s32 $0x4, s30;
	v38 =	vadd.s32 v11, v38;
	v44 =	vor.u32 v6, v44;
	v60 =	vmov s19;
	v36 =	vld.idx.msk [tilespmem:v36+s29+$0x0], $0xffff;
	[tilespmem:v62+s2+$0x0] =	vst.idx.msk $0xffff, v41  }
0x194: {  	s20 =	sadd.s32 $0x6, s30;
	v43 =	vadd.s32 v15, v43;
	v59 =	vmov s12;
	v52 =	vshll.u32 v60, $0x7;
	v39 =	vld.idx.msk [tilespmem:v39+s29+$0x0], $0xffff  }
0x195: {  	v49 =	vshll.u32 v59, $0x7;
	s19 =	sadd.s32 $0x8, s30;
	v63 =	vor.u32 v0, v52;
	v62 =	vmov s20  }
0x196: {  	s12 =	sadd.s32 $0x9, s30;
	v55 =	vmov s19;
	v61 =	vor.u32 v0, v49;
	[tilespmem:v40+s2+$0x0] =	vst.idx.msk $0xffff, v37;
	v42 =	vshll.u32 v62, $0x7  }
0x197: {  	v46 =	vshll.u32 v55, $0x7;
	v55 =	vmov s12;
	v37 =	vor.u32 v0, v42;
	[tilespmem:v58+s2+$0x0] =	vst.idx.msk $0xffff, v57  }
0x198: {  	v50 =	vand.u32 $0x70, v60;
	v48 =	vshll.u32 v55, $0x7;
	v40 =	vshll.u32 v54, $0x7;
	v44 =	vld.idx.msk [tilespmem:v44+s29+$0x0], $0xffff;
	[tilespmem:v56+s2+$0x0] =	vst.idx.msk $0xffff, v36  }
0x199: {  	v45 =	vadd.s32 v19, v45;
	v41 =	vor.u32 v0, v40;
	[tilespmem:v38+s2+$0x0] =	vst.idx.msk $0xffff, v39;
	v38 =	vld.idx.msk [tilespmem:v47+s29+$0x0], $0xffff  }
0x19a: {  	v36 =	vld.idx.msk [tilespmem:v63+s29+$0x0], $0xffff;
	v39 =	vand.u32 $0x70, v59;
	v47 =	vor.u32 v0, v46;
	v59 =	vadd.s32 v24, v50  }
0x19b: {  	v53 =	vand.u32 $0x70, v62;
	v51 =	vld.idx.msk [tilespmem:v61+s29+$0x0], $0xffff;
	v57 =	vor.u32 v0, v48;
	v56 =	vadd.s32 v20, v39  }
0x19c: {  	v60 =	vor.u32 v2, v52;
	v61 =	vadd.s32 v28, v53;
	v37 =	vld.idx.msk [tilespmem:v37+s29+$0x0], $0xffff  }
0x19d: {  	v54 =	vand.u32 $0x70, v54;
	v58 =	vor.u32 v2, v49;
	[tilespmem:v43+s2+$0x0] =	vst.idx.msk $0xffff, v44  }
0x19e: {  	v41 =	vld.idx.msk [tilespmem:v41+s29+$0x0], $0xffff;
	v44 =	vadd.s32 v32, v54;
	[tilespmem:v45+s2+$0x0] =	vst.idx.msk $0xffff, v38  }
0x19f: {  	v55 =	vand.u32 $0x78, v55;
	v43 =	vor.u32 v2, v42;
	v45 =	vld.idx.msk [tilespmem:v47+s29+$0x0], $0xffff;
	v47 =	vadd.s32 s19, v1;
	[tilespmem:v59+s2+$0x0] =	vst.idx.msk $0xffff, v36  }
0x1a0: {  	v38 =	vor.u32 v2, v40;
	[tilespmem:v56+s2+$0x0] =	vst.idx.msk $0xffff, v51;
	v56 =	vld.idx.msk [tilespmem:v57+s29+$0x0], $0xffff;
	v57 =	vadd.s32 v8, v55  }
0x1a1: {  	v51 =	vor.u32 v2, v46;
	v60 =	vld.idx.msk [tilespmem:v60+s29+$0x0], $0xffff;
	[tilespmem:v61+s2+$0x0] =	vst.idx.msk $0xffff, v37;
	v37 =	vadd.s32 v25, v50  }
0x1a2: {  	v62 =	vadd.s32 v21, v39;
	v36 =	vor.u32 v2, v48;
	v58 =	vld.idx.msk [tilespmem:v58+s29+$0x0], $0xffff  }
0x1a3: {  	[tilespmem:v44+s2+$0x0] =	vst.idx.msk $0xffff, v41;
	v61 =	vor.u32 v4, v52  }
0x1a4: {  	v59 =	vor.u32 v4, v49;
	v41 =	vadd.s32 v29, v53;
	v43 =	vld.idx.msk [tilespmem:v43+s29+$0x0], $0xffff;
	[tilespmem:v47+s2+$0x0] =	vst.idx.msk $0xffff, v45  }
0x1a5: {  	v44 =	vor.u32 v4, v42;
	v38 =	vld.idx.msk [tilespmem:v38+s29+$0x0], $0xffff;
	v45 =	vadd.s32 v33, v54;
	[tilespmem:v57+s2+$0x0] =	vst.idx.msk $0xffff, v56  }
0x1a6: {  	v47 =	vor.u32 v4, v40;
	v51 =	vld.idx.msk [tilespmem:v51+s29+$0x0], $0xffff;
	v56 =	vadd.s32 s19, v3;
	[tilespmem:v37+s2+$0x0] =	vst.idx.msk $0xffff, v60  }
0x1a7: {  	v57 =	vor.u32 v4, v46;
	[tilespmem:v62+s2+$0x0] =	vst.idx.msk $0xffff, v58;
	v36 =	vld.idx.msk [tilespmem:v36+s29+$0x0], $0xffff;
	v58 =	vadd.s32 v9, v55  }
0x1a8: {  	v37 =	vor.u32 v4, v48;
	v60 =	vld.idx.msk [tilespmem:v61+s29+$0x0], $0xffff;
	v61 =	vadd.s32 v26, v50  }
0x1a9: {  	v49 =	vor.u32 v6, v49;
	v62 =	vadd.s32 v22, v39;
	[tilespmem:v41+s2+$0x0] =	vst.idx.msk $0xffff, v43;
	v59 =	vld.idx.msk [tilespmem:v59+s29+$0x0], $0xffff  }
0x1aa: {  	v41 =	vor.u32 v6, v52;
	v43 =	vld.idx.msk [tilespmem:v44+s29+$0x0], $0xffff;
	v44 =	vadd.s32 v30, v53;
	[tilespmem:v45+s2+$0x0] =	vst.idx.msk $0xffff, v38  }
0x1ab: {  	v38 =	vor.u32 v6, v42;
	v45 =	vadd.s32 v34, v54;
	v42 =	vld.idx.msk [tilespmem:v47+s29+$0x0], $0xffff;
	[tilespmem:v56+s2+$0x0] =	vst.idx.msk $0xffff, v51  }
0x1ac: {  	v56 =	vld.idx.msk [tilespmem:v57+s29+$0x0], $0xffff;
	v57 =	vadd.s32 s19, v5;
	[tilespmem:v58+s2+$0x0] =	vst.idx.msk $0xffff, v36  }
0x1ad: {  	v63 =	vadd.s32 v10, v55;
	v40 =	vor.u32 v6, v40;
	[tilespmem:v61+s2+$0x0] =	vst.idx.msk $0xffff, v60;
	v37 =	vld.idx.msk [tilespmem:v37+s29+$0x0], $0xffff  }
0x1ae: {  	[tilespmem:v62+s2+$0x0] =	vst.idx.msk $0xffff, v59;
	v62 =	vor.u32 v6, v46  }
0x1af: {  	v48 =	vor.u32 v6, v48;
	v39 =	vadd.s32 v23, v39;
	[tilespmem:v44+s2+$0x0] =	vst.idx.msk $0xffff, v43;
	v49 =	vld.idx.msk [tilespmem:v49+s29+$0x0], $0xffff  }
0x1b0: {  	s23 =	sadd.s32 $0xB, s30;
	v50 =	vadd.s32 v27, v50;
	v41 =	vld.idx.msk [tilespmem:v41+s29+$0x0], $0xffff;
	[tilespmem:v45+s2+$0x0] =	vst.idx.msk $0xffff, v42  }
0x1b1: {  	s20 =	sadd.s32 $0xA, s30;
	v52 =	vadd.s32 v31, v53;
	v53 =	vadd.s32 v35, v54;
	v58 =	vmov s23;
	v38 =	vld.idx.msk [tilespmem:v38+s29+$0x0], $0xffff;
	[tilespmem:v57+s2+$0x0] =	vst.idx.msk $0xffff, v56  }
0x1b2: {  	v54 =	vadd.s32 s19, v7;
	s19 =	sadd.s32 $0xD, s30;
	v47 =	vand.u32 $0x78, v58;
	v40 =	vld.idx.msk [tilespmem:v40+s29+$0x0], $0xffff;
	[tilespmem:v63+s2+$0x0] =	vst.idx.msk $0xffff, v37;
	v37 =	vmov s20  }
0x1b3: {  	s12 =	sadd.s32 $0xC, s30;
	v57 =	vadd.s32 v11, v55;
	v36 =	vld.idx.msk [tilespmem:v62+s29+$0x0], $0xffff;
	v62 =	vmov s19;
	v46 =	vshll.u32 v37, $0x7  }
0x1b4: {  	[tilespmem:v39+s2+$0x0] =	vst.idx.msk $0xffff, v49;
	v56 =	vld.idx.msk [tilespmem:v48+s29+$0x0], $0xffff;
	v48 =	vshll.u32 v58, $0x7;
	v49 =	vmov s12;
	v59 =	vor.u32 v0, v46  }
0x1b5: {  	s20 =	sadd.s32 $0xE, s30;
	v42 =	vshll.u32 v62, $0x7;
	v61 =	vor.u32 v0, v48;
	v43 =	vshll.u32 v49, $0x7  }
0x1b6: {  	s23 =	sadd.s32 $0xF, s30;
	[tilespmem:v50+s2+$0x0] =	vst.idx.msk $0xffff, v41;
	v51 =	vmov s20;
	v37 =	vand.u32 $0x78, v37;
	v63 =	vor.u32 v0, v43  }
0x1b7: {  	[tilespmem:v52+s2+$0x0] =	vst.idx.msk $0xffff, v38;
	v60 =	vor.u32 v0, v42;
	v44 =	vshll.u32 v51, $0x7;
	v52 =	vmov s23  }
0x1b8: {  	v55 =	vor.u32 v2, v46;
	v39 =	vor.u32 v0, v44;
	v45 =	vshll.u32 v52, $0x7;
	[tilespmem:v53+s2+$0x0] =	vst.idx.msk $0xffff, v40  }
0x1b9: {  	v53 =	vadd.s32 v12, v37;
	[tilespmem:v54+s2+$0x0] =	vst.idx.msk $0xffff, v36;
	v54 =	vor.u32 v0, v45;
	v41 =	vld.idx.msk [tilespmem:v59+s29+$0x0], $0xffff  }
0x1ba: {  	v49 =	vand.u32 $0x78, v49;
	[tilespmem:v57+s2+$0x0] =	vst.idx.msk $0xffff, v56;
	v56 =	vadd.s32 v16, v47;
	v38 =	vld.idx.msk [tilespmem:v61+s29+$0x0], $0xffff  }
0x1bb: {  	v50 =	vand.u32 $0x78, v62;
	v58 =	vadd.s32 v20, v49;
	v57 =	vor.u32 v2, v48;
	v40 =	vld.idx.msk [tilespmem:v63+s29+$0x0], $0xffff  }
0x1bc: {  	v51 =	vand.u32 $0x78, v51;
	v59 =	vor.u32 v2, v43;
	v36 =	vld.idx.msk [tilespmem:v60+s29+$0x0], $0xffff;
	v60 =	vadd.s32 v24, v50  }
0x1bd: {  	v62 =	vadd.s32 v28, v51;
	v52 =	vand.u32 $0x78, v52;
	v61 =	vor.u32 v2, v42;
	v39 =	vld.idx.msk [tilespmem:v39+s29+$0x0], $0xffff  }
0x1be: {  	[tilespmem:v53+s2+$0x0] =	vst.idx.msk $0xffff, v41;
	v41 =	vor.u32 v2, v44;
	v53 =	vld.idx.msk [tilespmem:v54+s29+$0x0], $0xffff;
	v54 =	vadd.s32 v32, v52  }
0x1bf: {  	[tilespmem:v56+s2+$0x0] =	vst.idx.msk $0xffff, v38;
	v38 =	vadd.s32 v13, v37;
	v56 =	vor.u32 v2, v45;
	v55 =	vld.idx.msk [tilespmem:v55+s29+$0x0], $0xffff  }
0x1c0: {  	[tilespmem:v58+s2+$0x0] =	vst.idx.msk $0xffff, v40;
	v40 =	vor.u32 v4, v46;
	v57 =	vld.idx.msk [tilespmem:v57+s29+$0x0], $0xffff;
	v58 =	vadd.s32 v17, v47  }
0x1c1: {  	[tilespmem:v60+s2+$0x0] =	vst.idx.msk $0xffff, v36;
	v36 =	vor.u32 v4, v48;
	v60 =	vadd.s32 v21, v49;
	v59 =	vld.idx.msk [tilespmem:v59+s29+$0x0], $0xffff  }
0x1c2: {  	[tilespmem:v62+s2+$0x0] =	vst.idx.msk $0xffff, v39;
	v39 =	vor.u32 v4, v43;
	v61 =	vld.idx.msk [tilespmem:v61+s29+$0x0], $0xffff;
	v62 =	vadd.s32 v25, v50  }
0x1c3: {  	[tilespmem:v54+s2+$0x0] =	vst.idx.msk $0xffff, v53;
	v53 =	vor.u32 v4, v42;
	v41 =	vld.idx.msk [tilespmem:v41+s29+$0x0], $0xffff;
	v54 =	vadd.s32 v29, v51  }
0x1c4: {  	[tilespmem:v38+s2+$0x0] =	vst.idx.msk $0xffff, v55;
	v38 =	vor.u32 v4, v44;
	v55 =	vld.idx.msk [tilespmem:v56+s29+$0x0], $0xffff;
	v56 =	vadd.s32 v33, v52  }
0x1c5: {  	[tilespmem:v58+s2+$0x0] =	vst.idx.msk $0xffff, v57;
	v57 =	vadd.s32 v14, v37;
	v58 =	vor.u32 v4, v45;
	v40 =	vld.idx.msk [tilespmem:v40+s29+$0x0], $0xffff  }
0x1c6: {  	v46 =	vor.u32 v6, v46;
	[tilespmem:v60+s2+$0x0] =	vst.idx.msk $0xffff, v59;
	v36 =	vld.idx.msk [tilespmem:v36+s29+$0x0], $0xffff;
	v59 =	vadd.s32 v18, v47  }
0x1c7: {  	v48 =	vor.u32 v6, v48;
	[tilespmem:v62+s2+$0x0] =	vst.idx.msk $0xffff, v61;
	v60 =	vadd.s32 v22, v49;
	v39 =	vld.idx.msk [tilespmem:v39+s29+$0x0], $0xffff  }
0x1c8: {  	[tilespmem:v54+s2+$0x0] =	vst.idx.msk $0xffff, v41;
	v41 =	vor.u32 v6, v43;
	v43 =	vld.idx.msk [tilespmem:v53+s29+$0x0], $0xffff;
	v53 =	vadd.s32 v26, v50  }
0x1c9: {  	v42 =	vor.u32 v6, v42;
	v54 =	vadd.s32 v30, v51;
	[tilespmem:v56+s2+$0x0] =	vst.idx.msk $0xffff, v55;
	v38 =	vld.idx.msk [tilespmem:v38+s29+$0x0], $0xffff  }
0x1ca: {  	v62 =	vadd.s32 v34, v52;
	[tilespmem:v57+s2+$0x0] =	vst.idx.msk $0xffff, v40;
	v40 =	vor.u32 v6, v44;
	v61 =	vld.idx.msk [tilespmem:v58+s29+$0x0], $0xffff  }
0x1cb: {  	v37 =	vadd.s32 v15, v37;
	v45 =	vor.u32 v6, v45;
	[tilespmem:v59+s2+$0x0] =	vst.idx.msk $0xffff, v36;
	v63 =	vld.idx.msk [tilespmem:v46+s29+$0x0], $0xffff  }
0x1cc: {  	v57 =	vadd.s32 v19, v47;
	[tilespmem:v60+s2+$0x0] =	vst.idx.msk $0xffff, v39;
	v56 =	vld.idx.msk [tilespmem:v48+s29+$0x0], $0xffff  }
0x1cd: {  	v58 =	vadd.s32 v23, v49;
	[tilespmem:v53+s2+$0x0] =	vst.idx.msk $0xffff, v43;
	v41 =	vld.idx.msk [tilespmem:v41+s29+$0x0], $0xffff  }
0x1ce: {  	v60 =	vadd.s32 v27, v50;
	[tilespmem:v54+s2+$0x0] =	vst.idx.msk $0xffff, v38;
	v59 =	vld.idx.msk [tilespmem:v42+s29+$0x0], $0xffff  }
0x1cf: {  	[tilespmem:v62+s2+$0x0] =	vst.idx.msk $0xffff, v61;
	v40 =	vld.idx.msk [tilespmem:v40+s29+$0x0], $0xffff;
	v61 =	vadd.s32 v31, v51  }
0x1d0: {  	p2 =	slt.u32 s30, $0x70;
	[tilespmem:v37+s2+$0x0] =	vst.idx.msk $0xffff, v63;
	v62 =	vld.idx.msk [tilespmem:v45+s29+$0x0], $0xffff;
	v63 =	vadd.s32 v35, v52  }
.Ltmp7:
0x1d1: {  	[tilespmem:v57+s2+$0x0] =	vst.idx.msk $0xffff, v56;
	(pc) =	sbr.rel @p2 .LBB2_15-.Ltmp7, $4  }
0x1d2: {  	[tilespmem:v58+s2+$0x0] =	vst.idx.msk $0xffff, v41  }
0x1d3: {  	[tilespmem:v60+s2+$0x0] =	vst.idx.msk $0xffff, v59  }
0x1d4: {  	[tilespmem:v61+s2+$0x0] =	vst.idx.msk $0xffff, v40  }
0x1d5: {  	s30 =	sadd.s32 $0x10, s30;
	[tilespmem:v63+s2+$0x0] =	vst.idx.msk $0xffff, v62  }
0x1d6: {  	s30 =	sadd.s32 s25, s15;
	s1 =	simm.s32 $0x10200  }
0x1d7: {  	[hbm4b:s30+s3] =	stream.linear.scatter [tilespmem:s1], [sflag:$0x9], $0x80, $0x38;
	[tilespmem:$0x14600] =	vst v63  }
0x1d8: {  	s19 =	simm.s32 $0x10288;
	s12 =	sadd.s32 $0x10, s30  }
0x1d9: {  	[hbm4b:s12+s3] =	stream.linear.scatter [tilespmem:s19], [sflag:$0x9], $0x80, $0x38;
	[tilespmem:$0x14600] =	vst v63  }
0x1da: {  	s20 =	simm.s32 $0x10310;
	s23 =	sadd.s32 $0x20, s30  }
0x1db: {  	[hbm4b:s23+s3] =	stream.linear.scatter [tilespmem:s20], [sflag:$0x9], $0x80, $0x38;
	[tilespmem:$0x14600] =	vst v63  }
0x1dc: {  	s12 =	simm.s32 $0x10398;
	s19 =	sadd.s32 $0x30, s30  }
0x1dd: {  	[hbm4b:s19+s3] =	stream.linear.scatter [tilespmem:s12], [sflag:$0x9], $0x80, $0x38;
	[tilespmem:$0x14600] =	vst v63  }
0x1de: {  	s20 =	simm.s32 $0x10420;
	s23 =	sadd.s32 $0x40, s30  }
0x1df: {  	[hbm4b:s23+s3] =	stream.linear.scatter [tilespmem:s20], [sflag:$0x9], $0x80, $0x38;
	[tilespmem:$0x14600] =	vst v63  }
0x1e0: {  	s1 =	simm.s32 $0x2200;
	s12 =	simm.s32 $0x104A8;
	s19 =	sadd.s32 $0x50, s30  }
0x1e1: {  	[hbm4b:s19+s3] =	stream.linear.scatter [tilespmem:s12], [sflag:$0x9], $0x80, $0x38;
	[tilespmem:$0x14600] =	vst v63  }
0x1e2: {  	s20 =	simm.s32 $0x10530;
	s23 =	sadd.s32 $0x60, s30;
	s19 =	simm.s32 $0x440  }
0x1e3: {  	[hbm4b:s23+s3] =	stream.linear.scatter [tilespmem:s20], [sflag:$0x9], $0x80, $0x38;
	[tilespmem:$0x14600] =	vst v63  }
0x1e4: {  	s12 =	simm.s32 $0x105B8;
	s20 =	sadd.s32 $0x70, s30;
	s30 =	sadd.s32 $0x4000, s30  }
.LBB2_17:
0x1e5: {  	[hbm4b:s20+s3] =	stream.linear.scatter [tilespmem:s12], [sflag:$0x9], $0x80, $0x38;
	[tilespmem:$0x14600] =	vst v63  }
0x1e6: {  	s12 =	smov.u32 s19;
	s19 =	smov.u32 s1  }
0x1e7: {  	s23 =	sadd.s32 $0x1100, s1;
	s19 =	sshra.s32 s19, $0x2;
	s20 =	sadd.s32 $0x10200, s12  }
0x1e8: {  	[hbm4b:s30+s3] =	stream.linear.scatter [tilespmem:s20], [sflag:$0x9], $0x80, $0x38;
	[tilespmem:$0x14600] =	vst v63  }
0x1e9: {  	p2 =	sne.s32 s1, $0x7700;
	s1 =	sadd.s32 $0x10288, s12;
	s20 =	sadd.s32 $0x10, s30  }
0x1ea: {  	[hbm4b:s20+s3] =	stream.linear.scatter [tilespmem:s1], [sflag:$0x9], $0x80, $0x38;
	[tilespmem:$0x14600] =	vst v63  }
0x1eb: {  	s1 =	sadd.s32 $0x10310, s12;
	s20 =	sadd.s32 $0x20, s30  }
0x1ec: {  	[hbm4b:s20+s3] =	stream.linear.scatter [tilespmem:s1], [sflag:$0x9], $0x80, $0x38;
	[tilespmem:$0x14600] =	vst v63  }
0x1ed: {  	s1 =	sadd.s32 $0x10398, s12;
	s20 =	sadd.s32 $0x30, s30  }
0x1ee: {  	[hbm4b:s20+s3] =	stream.linear.scatter [tilespmem:s1], [sflag:$0x9], $0x80, $0x38;
	[tilespmem:$0x14600] =	vst v63  }
0x1ef: {  	s1 =	sadd.s32 $0x10420, s12;
	s20 =	sadd.s32 $0x40, s30  }
0x1f0: {  	[hbm4b:s20+s3] =	stream.linear.scatter [tilespmem:s1], [sflag:$0x9], $0x80, $0x38;
	[tilespmem:$0x14600] =	vst v63  }
.Ltmp8:
0x1f1: {  	s1 =	sadd.s32 $0x104A8, s12;
	s20 =	sadd.s32 $0x50, s30;
	(pc) =	sbr.rel @p2 .LBB2_17-.Ltmp8, $4  }
0x1f2: {  	[hbm4b:s20+s3] =	stream.linear.scatter [tilespmem:s1], [sflag:$0x9], $0x80, $0x38;
	[tilespmem:$0x14600] =	vst v63  }
0x1f3: {  	s1 =	sadd.s32 $0x10530, s12;
	s20 =	sadd.s32 $0x60, s30;
	s12 =	sadd.s32 $0x105B8, s12  }
0x1f4: {  	[hbm4b:s20+s3] =	stream.linear.scatter [tilespmem:s1], [sflag:$0x9], $0x80, $0x38;
	[tilespmem:$0x14600] =	vst v63  }
0x1f5: {  	s20 =	sadd.s32 $0x70, s30;
	s30 =	sadd.s32 $0x4000, s30;
	s1 =	smov.u32 s23  }
0x1f6: {  	[hbm4b:s20+s3] =	stream.linear.scatter [tilespmem:s12], [sflag:$0x9], $0x80, $0x38;
	[tilespmem:$0x14600] =	vst v63  }
0x1f7: {  	s1 =	sadd.s32 $0x10200, s19  }
0x1f8: {  	[hbm4b:s30+s3] =	stream.linear.scatter [tilespmem:s1], [sflag:$0x9], $0x80, $0x38;
	[tilespmem:$0x14600] =	vst v63  }
0x1f9: {  	s20 =	sadd.s32 $0x10288, s19;
	s23 =	sadd.s32 $0x10, s30  }
0x1fa: {  	[hbm4b:s23+s3] =	stream.linear.scatter [tilespmem:s20], [sflag:$0x9], $0x80, $0x38;
	[tilespmem:$0x14600] =	vst v63  }
0x1fb: {  	s20 =	sadd.s32 $0x10310, s19;
	s23 =	sadd.s32 $0x20, s30  }
0x1fc: {  	[hbm4b:s23+s3] =	stream.linear.scatter [tilespmem:s20], [sflag:$0x9], $0x80, $0x38;
	[tilespmem:$0x14600] =	vst v63  }
0x1fd: {  	s20 =	sadd.s32 $0x10398, s19;
	s23 =	sadd.s32 $0x30, s30  }
0x1fe: {  	[hbm4b:s23+s3] =	stream.linear.scatter [tilespmem:s20], [sflag:$0x9], $0x80, $0x38;
	[tilespmem:$0x14600] =	vst v63  }
0x1ff: {  	s20 =	sadd.s32 $0x10420, s19;
	s23 =	sadd.s32 $0x40, s30  }
0x200: {  	[hbm4b:s23+s3] =	stream.linear.scatter [tilespmem:s20], [sflag:$0x9], $0x80, $0x38;
	[tilespmem:$0x14600] =	vst v63  }
0x201: {  	s20 =	sadd.s32 $0x104A8, s19;
	s23 =	sadd.s32 $0x50, s30  }
0x202: {  	[hbm4b:s23+s3] =	stream.linear.scatter [tilespmem:s20], [sflag:$0x9], $0x80, $0x38;
	[tilespmem:$0x14600] =	vst v63  }
0x203: {  	s12 =	sadd.s32 $0x10530, s19;
	s20 =	sadd.s32 $0x60, s30  }
0x204: {  	[hbm4b:s20+s3] =	stream.linear.scatter [tilespmem:s12], [sflag:$0x9], $0x80, $0x38;
	[tilespmem:$0x14600] =	vst v63  }
0x205: {  	s1 =	simm.s32 @!p1 $0x3;
	s23 =	sadd.s32 $0x105B8, s19;
	s30 =	sadd.s32 $0x70, s30  }
0x206: {  	[hbm4b:s30+s3] =	stream.linear.scatter [tilespmem:s23], [sflag:$0x9], $0x80, $0x38;
	[tilespmem:$0x14600] =	vst v63  }
0x207: {  	_ =	swait.ge @!p1 [sflag:s1], $0x80  }
0x208: {  	s19 =	simm.s32 @!p1 $0x8200;
	[sflag:s1] =	ssyncset.done @!p1 $0x0  }
0x209: {  	s12 =	simm.s32 @!p1 $0x100;
	[sflag:s1] =	ssyncadd.s32 @!p1 $0xFFFFFF80;
	s1 =	simm.s32 @!p1 $0x80  }
0x20a: {  	[tilespmem:s19], [sflag:$0x7] =	stream.indirect.gather @!p1 [hbm4b:s4+s1], $0x80, s12, s1, $0xb8;
	[tilespmem:$0x14600] =	vst v63  }
0x20b: {  	s1 =	sadd.s32 @!p1 s28, s16;
	s12 =	simm.s32 @!p1 $0x0;
	s19 =	simm.s32 @!p1 $0x180  }
0x20c: {  	[tilespmem:s19], [sflag:$0x4] =	stream.linear.gather @!p1 [hbm4b:s1+s12], $0x80, $0x38;
	[tilespmem:$0x14600] =	vst v63  }
0x20d: {  	_ =	swait.ge [sflag:s10], $0x4000  }
0x20e: {  	[sflag:s10] =	ssyncset.done $0x0  }
0x20f: {  	[sflag:s10] =	ssyncadd.s32 $0xFFFFC000  }
0x210: {  	_ =	swait.ge [sflag:s8], $0x2000  }
0x211: {  	[sflag:s8] =	ssyncset.done $0x0  }
0x212: {  	s28 =	simm.s32 $0x0;
	[sflag:s8] =	ssyncadd.s32 $0xFFFFE000  }
.LBB2_19:
0x213: {  	v36 =	vmov s28;
	s1 =	sadd.s32 $0x1, s28  }
0x214: {  	v36 =	vshll.u32 v36, $0x7;
	v38 =	vmov s1  }
0x215: {  	v37 =	vor.u32 v0, v36;
	v39 =	vshll.u32 v38, $0x7  }
0x216: {  	s20 =	sadd.s32 $0x2, s28;
	v40 =	vor.u32 v0, v39  }
0x217: {  	s23 =	sadd.s32 $0x3, s28;
	v43 =	vmov s20  }
0x218: {  	v45 =	vmov s23;
	v44 =	vshll.u32 v43, $0x7  }
0x219: {  	v47 =	vshll.u32 v45, $0x7;
	v46 =	vor.u32 v0, v44  }
0x21a: {  	v41 =	vadd.s32 s28, v1;
	v38 =	vand.u32 $0x70, v38;
	v49 =	vor.u32 v0, v47;
	v37 =	vld.idx.msk [tilespmem:v37+s31+$0x0], $0xffff  }
0x21b: {  	v42 =	vor.u32 v2, v36;
	v48 =	vadd.s32 v8, v38;
	v40 =	vld.idx.msk [tilespmem:v40+s31+$0x0], $0xffff  }
0x21c: {  	v60 =	vor.u32 v2, v39  }
0x21d: {  	v43 =	vand.u32 $0x70, v43  }
0x21e: {  	v45 =	vand.u32 $0x70, v45;
	v51 =	vadd.s32 v12, v43;
	v46 =	vld.idx.msk [tilespmem:v46+s31+$0x0], $0xffff  }
0x21f: {  	v62 =	vor.u32 v2, v44;
	v56 =	vadd.s32 v16, v45;
	v63 =	vld.idx.msk [tilespmem:v49+s31+$0x0], $0xffff;
	[tilespmem:v41+s21+$0x0] =	vst.idx.msk $0xffff, v37  }
0x220: {  	v61 =	vadd.s32 s28, v3;
	v53 =	vor.u32 v2, v47;
	v41 =	vld.idx.msk [tilespmem:v42+s31+$0x0], $0xffff;
	[tilespmem:v48+s21+$0x0] =	vst.idx.msk $0xffff, v40  }
0x221: {  	v50 =	vor.u32 v4, v36;
	v52 =	vadd.s32 v9, v38;
	v37 =	vld.idx.msk [tilespmem:v60+s31+$0x0], $0xffff  }
0x222: {  	v57 =	vor.u32 v4, v39  }
0x223: {  	[tilespmem:v51+s21+$0x0] =	vst.idx.msk $0xffff, v46  }
0x224: {  	v59 =	vadd.s32 v13, v43;
	[tilespmem:v56+s21+$0x0] =	vst.idx.msk $0xffff, v63;
	v40 =	vld.idx.msk [tilespmem:v62+s31+$0x0], $0xffff  }
0x225: {  	v60 =	vor.u32 v4, v44;
	v48 =	vld.idx.msk [tilespmem:v53+s31+$0x0], $0xffff;
	[tilespmem:v61+s21+$0x0] =	vst.idx.msk $0xffff, v41;
	v61 =	vadd.s32 v17, v45  }
0x226: {  	v58 =	vadd.s32 s28, v5;
	v63 =	vor.u32 v4, v47;
	v42 =	vld.idx.msk [tilespmem:v50+s31+$0x0], $0xffff;
	[tilespmem:v52+s21+$0x0] =	vst.idx.msk $0xffff, v37  }
0x227: {  	v36 =	vor.u32 v6, v36;
	v62 =	vadd.s32 v10, v38;
	v41 =	vld.idx.msk [tilespmem:v57+s31+$0x0], $0xffff  }
0x228: {  	v39 =	vor.u32 v6, v39  }
0x229: {  	[tilespmem:v59+s21+$0x0] =	vst.idx.msk $0xffff, v40  }
0x22a: {  	s20 =	sadd.s32 $0x7, s28;
	v40 =	vadd.s32 v14, v43;
	v37 =	vld.idx.msk [tilespmem:v60+s31+$0x0], $0xffff;
	[tilespmem:v61+s21+$0x0] =	vst.idx.msk $0xffff, v48  }
0x22b: {  	s12 =	sadd.s32 $0x5, s28;
	v54 =	vmov s20;
	v56 =	vadd.s32 s28, v7;
	[tilespmem:v58+s21+$0x0] =	vst.idx.msk $0xffff, v42;
	v57 =	vld.idx.msk [tilespmem:v63+s31+$0x0], $0xffff;
	v58 =	vadd.s32 v18, v45  }
0x22c: {  	s30 =	sadd.s32 $0x4, s28;
	v47 =	vor.u32 v6, v47;
	v44 =	vor.u32 v6, v44;
	v60 =	vmov s12;
	v36 =	vld.idx.msk [tilespmem:v36+s31+$0x0], $0xffff;
	[tilespmem:v62+s21+$0x0] =	vst.idx.msk $0xffff, v41  }
0x22d: {  	s19 =	sadd.s32 $0x6, s28;
	v38 =	vadd.s32 v11, v38;
	v59 =	vmov s30;
	v52 =	vshll.u32 v60, $0x7;
	v39 =	vld.idx.msk [tilespmem:v39+s31+$0x0], $0xffff  }
0x22e: {  	v49 =	vshll.u32 v59, $0x7;
	v63 =	vor.u32 v0, v52;
	v62 =	vmov s19  }
0x22f: {  	v43 =	vadd.s32 v15, v43;
	v61 =	vor.u32 v0, v49;
	s19 =	sadd.s32 $0x8, s28;
	[tilespmem:v40+s21+$0x0] =	vst.idx.msk $0xffff, v37;
	v42 =	vshll.u32 v62, $0x7  }
0x230: {  	s23 =	sadd.s32 $0x9, s28;
	v45 =	vadd.s32 v19, v45;
	v55 =	vmov s19;
	v37 =	vor.u32 v0, v42;
	[tilespmem:v58+s21+$0x0] =	vst.idx.msk $0xffff, v57  }
0x231: {  	v40 =	vshll.u32 v54, $0x7;
	v44 =	vld.idx.msk [tilespmem:v44+s31+$0x0], $0xffff;
	v46 =	vshll.u32 v55, $0x7;
	v55 =	vmov s23;
	[tilespmem:v56+s21+$0x0] =	vst.idx.msk $0xffff, v36  }
0x232: {  	v50 =	vand.u32 $0x70, v60;
	v41 =	vor.u32 v0, v40;
	v48 =	vshll.u32 v55, $0x7;
	[tilespmem:v38+s21+$0x0] =	vst.idx.msk $0xffff, v39;
	v38 =	vld.idx.msk [tilespmem:v47+s31+$0x0], $0xffff  }
0x233: {  	v36 =	vld.idx.msk [tilespmem:v63+s31+$0x0], $0xffff;
	v39 =	vand.u32 $0x70, v59;
	v47 =	vor.u32 v0, v46;
	v59 =	vadd.s32 v24, v50  }
0x234: {  	v53 =	vand.u32 $0x70, v62;
	v51 =	vld.idx.msk [tilespmem:v61+s31+$0x0], $0xffff;
	v57 =	vor.u32 v0, v48;
	v56 =	vadd.s32 v20, v39  }
0x235: {  	v60 =	vor.u32 v2, v52;
	v61 =	vadd.s32 v28, v53;
	v37 =	vld.idx.msk [tilespmem:v37+s31+$0x0], $0xffff  }
0x236: {  	v54 =	vand.u32 $0x70, v54;
	v58 =	vor.u32 v2, v49;
	[tilespmem:v43+s21+$0x0] =	vst.idx.msk $0xffff, v44  }
0x237: {  	v41 =	vld.idx.msk [tilespmem:v41+s31+$0x0], $0xffff;
	v44 =	vadd.s32 v32, v54;
	[tilespmem:v45+s21+$0x0] =	vst.idx.msk $0xffff, v38  }
0x238: {  	v55 =	vand.u32 $0x78, v55;
	v43 =	vor.u32 v2, v42;
	v45 =	vld.idx.msk [tilespmem:v47+s31+$0x0], $0xffff;
	v47 =	vadd.s32 s19, v1;
	[tilespmem:v59+s21+$0x0] =	vst.idx.msk $0xffff, v36  }
0x239: {  	v38 =	vor.u32 v2, v40;
	[tilespmem:v56+s21+$0x0] =	vst.idx.msk $0xffff, v51;
	v56 =	vld.idx.msk [tilespmem:v57+s31+$0x0], $0xffff;
	v57 =	vadd.s32 v8, v55  }
0x23a: {  	v51 =	vor.u32 v2, v46;
	v60 =	vld.idx.msk [tilespmem:v60+s31+$0x0], $0xffff;
	[tilespmem:v61+s21+$0x0] =	vst.idx.msk $0xffff, v37;
	v37 =	vadd.s32 v25, v50  }
0x23b: {  	v62 =	vadd.s32 v21, v39;
	v36 =	vor.u32 v2, v48;
	v58 =	vld.idx.msk [tilespmem:v58+s31+$0x0], $0xffff  }
0x23c: {  	[tilespmem:v44+s21+$0x0] =	vst.idx.msk $0xffff, v41;
	v61 =	vor.u32 v4, v52  }
0x23d: {  	v59 =	vor.u32 v4, v49;
	v41 =	vadd.s32 v29, v53;
	v43 =	vld.idx.msk [tilespmem:v43+s31+$0x0], $0xffff;
	[tilespmem:v47+s21+$0x0] =	vst.idx.msk $0xffff, v45  }
0x23e: {  	v44 =	vor.u32 v4, v42;
	v38 =	vld.idx.msk [tilespmem:v38+s31+$0x0], $0xffff;
	v45 =	vadd.s32 v33, v54;
	[tilespmem:v57+s21+$0x0] =	vst.idx.msk $0xffff, v56  }
0x23f: {  	v47 =	vor.u32 v4, v40;
	v51 =	vld.idx.msk [tilespmem:v51+s31+$0x0], $0xffff;
	v56 =	vadd.s32 s19, v3;
	[tilespmem:v37+s21+$0x0] =	vst.idx.msk $0xffff, v60  }
0x240: {  	v57 =	vor.u32 v4, v46;
	[tilespmem:v62+s21+$0x0] =	vst.idx.msk $0xffff, v58;
	v36 =	vld.idx.msk [tilespmem:v36+s31+$0x0], $0xffff;
	v58 =	vadd.s32 v9, v55  }
0x241: {  	v37 =	vor.u32 v4, v48;
	v60 =	vld.idx.msk [tilespmem:v61+s31+$0x0], $0xffff;
	v61 =	vadd.s32 v26, v50  }
0x242: {  	v49 =	vor.u32 v6, v49;
	v62 =	vadd.s32 v22, v39;
	[tilespmem:v41+s21+$0x0] =	vst.idx.msk $0xffff, v43;
	v59 =	vld.idx.msk [tilespmem:v59+s31+$0x0], $0xffff  }
0x243: {  	v41 =	vor.u32 v6, v52;
	v43 =	vld.idx.msk [tilespmem:v44+s31+$0x0], $0xffff;
	v44 =	vadd.s32 v30, v53;
	[tilespmem:v45+s21+$0x0] =	vst.idx.msk $0xffff, v38  }
0x244: {  	v38 =	vor.u32 v6, v42;
	v45 =	vadd.s32 v34, v54;
	v42 =	vld.idx.msk [tilespmem:v47+s31+$0x0], $0xffff;
	[tilespmem:v56+s21+$0x0] =	vst.idx.msk $0xffff, v51  }
0x245: {  	v56 =	vld.idx.msk [tilespmem:v57+s31+$0x0], $0xffff;
	v57 =	vadd.s32 s19, v5;
	[tilespmem:v58+s21+$0x0] =	vst.idx.msk $0xffff, v36  }
0x246: {  	v63 =	vadd.s32 v10, v55;
	v40 =	vor.u32 v6, v40;
	[tilespmem:v61+s21+$0x0] =	vst.idx.msk $0xffff, v60;
	v37 =	vld.idx.msk [tilespmem:v37+s31+$0x0], $0xffff  }
0x247: {  	[tilespmem:v62+s21+$0x0] =	vst.idx.msk $0xffff, v59;
	v62 =	vor.u32 v6, v46  }
0x248: {  	v48 =	vor.u32 v6, v48;
	v39 =	vadd.s32 v23, v39;
	[tilespmem:v44+s21+$0x0] =	vst.idx.msk $0xffff, v43;
	v49 =	vld.idx.msk [tilespmem:v49+s31+$0x0], $0xffff  }
0x249: {  	s23 =	sadd.s32 $0xE, s28;
	v50 =	vadd.s32 v27, v50;
	v52 =	vadd.s32 v31, v53;
	v41 =	vld.idx.msk [tilespmem:v41+s31+$0x0], $0xffff;
	[tilespmem:v45+s21+$0x0] =	vst.idx.msk $0xffff, v42  }
0x24a: {  	s30 =	sadd.s32 $0xA, s28;
	s12 =	sadd.s32 $0xB, s28;
	v53 =	vadd.s32 v35, v54;
	v54 =	vadd.s32 s19, v7;
	v51 =	vmov s23;
	v38 =	vld.idx.msk [tilespmem:v38+s31+$0x0], $0xffff;
	[tilespmem:v57+s21+$0x0] =	vst.idx.msk $0xffff, v56  }
0x24b: {  	v58 =	vmov s12;
	v40 =	vld.idx.msk [tilespmem:v40+s31+$0x0], $0xffff;
	[tilespmem:v63+s21+$0x0] =	vst.idx.msk $0xffff, v37;
	v37 =	vmov s30  }
0x24c: {  	s19 =	sadd.s32 $0xC, s28;
	v44 =	vshll.u32 v51, $0x7;
	v57 =	vadd.s32 v11, v55;
	v36 =	vld.idx.msk [tilespmem:v62+s31+$0x0], $0xffff;
	v46 =	vshll.u32 v37, $0x7  }
0x24d: {  	s20 =	sadd.s32 $0xD, s28;
	[tilespmem:v39+s21+$0x0] =	vst.idx.msk $0xffff, v49;
	v56 =	vld.idx.msk [tilespmem:v48+s31+$0x0], $0xffff;
	v48 =	vshll.u32 v58, $0x7;
	v49 =	vmov s19;
	v59 =	vor.u32 v0, v46  }
0x24e: {  	v62 =	vmov s20;
	v61 =	vor.u32 v0, v48;
	v43 =	vshll.u32 v49, $0x7  }
0x24f: {  	v47 =	vand.u32 $0x78, v58;
	[tilespmem:v50+s21+$0x0] =	vst.idx.msk $0xffff, v41;
	s30 =	sadd.s32 $0xF, s28;
	v42 =	vshll.u32 v62, $0x7;
	v63 =	vor.u32 v0, v43  }
0x250: {  	v37 =	vand.u32 $0x78, v37;
	[tilespmem:v52+s21+$0x0] =	vst.idx.msk $0xffff, v38;
	v60 =	vor.u32 v0, v42;
	v52 =	vmov s30  }
0x251: {  	v39 =	vor.u32 v0, v44;
	v55 =	vor.u32 v2, v46;
	v45 =	vshll.u32 v52, $0x7;
	[tilespmem:v53+s21+$0x0] =	vst.idx.msk $0xffff, v40  }
0x252: {  	v53 =	vadd.s32 v12, v37;
	[tilespmem:v54+s21+$0x0] =	vst.idx.msk $0xffff, v36;
	v54 =	vor.u32 v0, v45;
	v41 =	vld.idx.msk [tilespmem:v59+s31+$0x0], $0xffff  }
0x253: {  	v49 =	vand.u32 $0x78, v49;
	[tilespmem:v57+s21+$0x0] =	vst.idx.msk $0xffff, v56;
	v56 =	vadd.s32 v16, v47;
	v38 =	vld.idx.msk [tilespmem:v61+s31+$0x0], $0xffff  }
0x254: {  	v50 =	vand.u32 $0x78, v62;
	v58 =	vadd.s32 v20, v49;
	v57 =	vor.u32 v2, v48;
	v40 =	vld.idx.msk [tilespmem:v63+s31+$0x0], $0xffff  }
0x255: {  	v51 =	vand.u32 $0x78, v51;
	v59 =	vor.u32 v2, v43;
	v36 =	vld.idx.msk [tilespmem:v60+s31+$0x0], $0xffff;
	v60 =	vadd.s32 v24, v50  }
0x256: {  	v62 =	vadd.s32 v28, v51;
	v52 =	vand.u32 $0x78, v52;
	v39 =	vld.idx.msk [tilespmem:v39+s31+$0x0], $0xffff;
	v61 =	vor.u32 v2, v42  }
0x257: {  	[tilespmem:v53+s21+$0x0] =	vst.idx.msk $0xffff, v41;
	v41 =	vor.u32 v2, v44;
	v53 =	vld.idx.msk [tilespmem:v54+s31+$0x0], $0xffff;
	v54 =	vadd.s32 v32, v52  }
0x258: {  	[tilespmem:v56+s21+$0x0] =	vst.idx.msk $0xffff, v38;
	v38 =	vadd.s32 v13, v37;
	v56 =	vor.u32 v2, v45;
	v55 =	vld.idx.msk [tilespmem:v55+s31+$0x0], $0xffff  }
0x259: {  	[tilespmem:v58+s21+$0x0] =	vst.idx.msk $0xffff, v40;
	v40 =	vor.u32 v4, v46;
	v57 =	vld.idx.msk [tilespmem:v57+s31+$0x0], $0xffff;
	v58 =	vadd.s32 v17, v47  }
0x25a: {  	[tilespmem:v60+s21+$0x0] =	vst.idx.msk $0xffff, v36;
	v36 =	vor.u32 v4, v48;
	v60 =	vadd.s32 v21, v49;
	v59 =	vld.idx.msk [tilespmem:v59+s31+$0x0], $0xffff  }
0x25b: {  	[tilespmem:v62+s21+$0x0] =	vst.idx.msk $0xffff, v39;
	v39 =	vor.u32 v4, v43;
	v62 =	vadd.s32 v25, v50;
	v61 =	vld.idx.msk [tilespmem:v61+s31+$0x0], $0xffff  }
0x25c: {  	[tilespmem:v54+s21+$0x0] =	vst.idx.msk $0xffff, v53;
	v53 =	vor.u32 v4, v42;
	v41 =	vld.idx.msk [tilespmem:v41+s31+$0x0], $0xffff;
	v54 =	vadd.s32 v29, v51  }
0x25d: {  	[tilespmem:v38+s21+$0x0] =	vst.idx.msk $0xffff, v55;
	v38 =	vor.u32 v4, v44;
	v55 =	vld.idx.msk [tilespmem:v56+s31+$0x0], $0xffff;
	v56 =	vadd.s32 v33, v52  }
0x25e: {  	[tilespmem:v58+s21+$0x0] =	vst.idx.msk $0xffff, v57;
	v57 =	vadd.s32 v14, v37;
	v58 =	vor.u32 v4, v45;
	v40 =	vld.idx.msk [tilespmem:v40+s31+$0x0], $0xffff  }
0x25f: {  	v46 =	vor.u32 v6, v46;
	[tilespmem:v60+s21+$0x0] =	vst.idx.msk $0xffff, v59;
	v36 =	vld.idx.msk [tilespmem:v36+s31+$0x0], $0xffff;
	v59 =	vadd.s32 v18, v47  }
0x260: {  	v48 =	vor.u32 v6, v48;
	[tilespmem:v62+s21+$0x0] =	vst.idx.msk $0xffff, v61;
	v60 =	vadd.s32 v22, v49;
	v39 =	vld.idx.msk [tilespmem:v39+s31+$0x0], $0xffff  }
0x261: {  	[tilespmem:v54+s21+$0x0] =	vst.idx.msk $0xffff, v41;
	v41 =	vor.u32 v6, v43;
	v43 =	vld.idx.msk [tilespmem:v53+s31+$0x0], $0xffff;
	v53 =	vadd.s32 v26, v50  }
0x262: {  	v42 =	vor.u32 v6, v42;
	v54 =	vadd.s32 v30, v51;
	[tilespmem:v56+s21+$0x0] =	vst.idx.msk $0xffff, v55;
	v38 =	vld.idx.msk [tilespmem:v38+s31+$0x0], $0xffff  }
0x263: {  	v62 =	vadd.s32 v34, v52;
	[tilespmem:v57+s21+$0x0] =	vst.idx.msk $0xffff, v40;
	v40 =	vor.u32 v6, v44;
	v61 =	vld.idx.msk [tilespmem:v58+s31+$0x0], $0xffff  }
0x264: {  	v37 =	vadd.s32 v15, v37;
	v45 =	vor.u32 v6, v45;
	[tilespmem:v59+s21+$0x0] =	vst.idx.msk $0xffff, v36;
	v63 =	vld.idx.msk [tilespmem:v46+s31+$0x0], $0xffff  }
0x265: {  	v57 =	vadd.s32 v19, v47;
	[tilespmem:v60+s21+$0x0] =	vst.idx.msk $0xffff, v39;
	v56 =	vld.idx.msk [tilespmem:v48+s31+$0x0], $0xffff  }
0x266: {  	v58 =	vadd.s32 v23, v49;
	[tilespmem:v53+s21+$0x0] =	vst.idx.msk $0xffff, v43;
	v41 =	vld.idx.msk [tilespmem:v41+s31+$0x0], $0xffff  }
0x267: {  	v60 =	vadd.s32 v27, v50;
	[tilespmem:v54+s21+$0x0] =	vst.idx.msk $0xffff, v38;
	v59 =	vld.idx.msk [tilespmem:v42+s31+$0x0], $0xffff  }
0x268: {  	[tilespmem:v62+s21+$0x0] =	vst.idx.msk $0xffff, v61;
	v40 =	vld.idx.msk [tilespmem:v40+s31+$0x0], $0xffff;
	v61 =	vadd.s32 v31, v51  }
0x269: {  	p2 =	slt.u32 s28, $0x70;
	[tilespmem:v37+s21+$0x0] =	vst.idx.msk $0xffff, v63;
	v62 =	vld.idx.msk [tilespmem:v45+s31+$0x0], $0xffff;
	v63 =	vadd.s32 v35, v52  }
.Ltmp9:
0x26a: {  	[tilespmem:v57+s21+$0x0] =	vst.idx.msk $0xffff, v56;
	(pc) =	sbr.rel @p2 .LBB2_19-.Ltmp9, $4  }
0x26b: {  	[tilespmem:v58+s21+$0x0] =	vst.idx.msk $0xffff, v41  }
0x26c: {  	[tilespmem:v60+s21+$0x0] =	vst.idx.msk $0xffff, v59  }
0x26d: {  	[tilespmem:v61+s21+$0x0] =	vst.idx.msk $0xffff, v40  }
0x26e: {  	s28 =	sadd.s32 $0x10, s28;
	[tilespmem:v63+s21+$0x0] =	vst.idx.msk $0xffff, v62  }
0x26f: {  	s23 =	sadd.s32 s25, s17;
	s1 =	simm.s32 $0x12400  }
0x270: {  	[hbm4b:s23+s3] =	stream.linear.scatter [tilespmem:s1], [sflag:$0xA], $0x80, $0x38;
	[tilespmem:$0x14600] =	vst v63  }
0x271: {  	s19 =	simm.s32 $0x12488;
	s12 =	sadd.s32 $0x10, s23  }
0x272: {  	[hbm4b:s12+s3] =	stream.linear.scatter [tilespmem:s19], [sflag:$0xA], $0x80, $0x38;
	[tilespmem:$0x14600] =	vst v63  }
0x273: {  	s20 =	simm.s32 $0x12510;
	s28 =	simm.s32 $0x12598;
	s25 =	sadd.s32 $0x20, s23  }
0x274: {  	[hbm4b:s25+s3] =	stream.linear.scatter [tilespmem:s20], [sflag:$0xA], $0x80, $0x38;
	[tilespmem:$0x14600] =	vst v63  }
0x275: {  	s30 =	sadd.s32 $0x30, s23;
	s1 =	simm.s32 $0x2200;
	s12 =	simm.s32 $0x12620  }
0x276: {  	[hbm4b:s30+s3] =	stream.linear.scatter [tilespmem:s28], [sflag:$0xA], $0x80, $0x38;
	[tilespmem:$0x14600] =	vst v63  }
0x277: {  	s19 =	sadd.s32 $0x40, s23;
	s20 =	simm.s32 $0x126A8;
	s25 =	sadd.s32 $0x50, s23  }
0x278: {  	[hbm4b:s19+s3] =	stream.linear.scatter [tilespmem:s12], [sflag:$0xA], $0x80, $0x38;
	[tilespmem:$0x14600] =	vst v63  }
0x279: {  	s28 =	simm.s32 $0x12730;
	s30 =	sadd.s32 $0x60, s23;
	s19 =	simm.s32 $0x440  }
0x27a: {  	[hbm4b:s25+s3] =	stream.linear.scatter [tilespmem:s20], [sflag:$0xA], $0x80, $0x38;
	[tilespmem:$0x14600] =	vst v63  }
0x27b: {  	s12 =	simm.s32 $0x127B8;
	s20 =	sadd.s32 $0x70, s23;
	s25 =	sadd.s32 $0x4000, s23  }
0x27c: {  	[hbm4b:s30+s3] =	stream.linear.scatter [tilespmem:s28], [sflag:$0xA], $0x80, $0x38;
	[tilespmem:$0x14600] =	vst v63  }
.LBB2_21:
0x27d: {  	[hbm4b:s20+s3] =	stream.linear.scatter [tilespmem:s12], [sflag:$0xA], $0x80, $0x38;
	[tilespmem:$0x14600] =	vst v63  }
0x27e: {  	s12 =	smov.u32 s19;
	s19 =	smov.u32 s1  }
0x27f: {  	s23 =	sadd.s32 $0x1100, s1;
	s19 =	sshra.s32 s19, $0x2;
	s20 =	sadd.s32 $0x12400, s12  }
0x280: {  	[hbm4b:s25+s3] =	stream.linear.scatter [tilespmem:s20], [sflag:$0xA], $0x80, $0x38;
	[tilespmem:$0x14600] =	vst v63  }
0x281: {  	p2 =	sne.s32 s1, $0x7700;
	s1 =	sadd.s32 $0x12488, s12;
	s20 =	sadd.s32 $0x10, s25  }
0x282: {  	[hbm4b:s20+s3] =	stream.linear.scatter [tilespmem:s1], [sflag:$0xA], $0x80, $0x38;
	[tilespmem:$0x14600] =	vst v63  }
0x283: {  	s1 =	sadd.s32 $0x12510, s12;
	s20 =	sadd.s32 $0x20, s25  }
0x284: {  	[hbm4b:s20+s3] =	stream.linear.scatter [tilespmem:s1], [sflag:$0xA], $0x80, $0x38;
	[tilespmem:$0x14600] =	vst v63  }
0x285: {  	s1 =	sadd.s32 $0x12598, s12;
	s20 =	sadd.s32 $0x30, s25  }
0x286: {  	[hbm4b:s20+s3] =	stream.linear.scatter [tilespmem:s1], [sflag:$0xA], $0x80, $0x38;
	[tilespmem:$0x14600] =	vst v63  }
0x287: {  	s1 =	sadd.s32 $0x12620, s12;
	s20 =	sadd.s32 $0x40, s25  }
0x288: {  	[hbm4b:s20+s3] =	stream.linear.scatter [tilespmem:s1], [sflag:$0xA], $0x80, $0x38;
	[tilespmem:$0x14600] =	vst v63  }
.Ltmp10:
0x289: {  	s1 =	sadd.s32 $0x126A8, s12;
	s20 =	sadd.s32 $0x50, s25;
	(pc) =	sbr.rel @p2 .LBB2_21-.Ltmp10, $4  }
0x28a: {  	[hbm4b:s20+s3] =	stream.linear.scatter [tilespmem:s1], [sflag:$0xA], $0x80, $0x38;
	[tilespmem:$0x14600] =	vst v63  }
0x28b: {  	s1 =	sadd.s32 $0x12730, s12;
	s20 =	sadd.s32 $0x60, s25;
	s12 =	sadd.s32 $0x127B8, s12  }
0x28c: {  	[hbm4b:s20+s3] =	stream.linear.scatter [tilespmem:s1], [sflag:$0xA], $0x80, $0x38;
	[tilespmem:$0x14600] =	vst v63  }
0x28d: {  	s20 =	sadd.s32 $0x70, s25;
	s25 =	sadd.s32 $0x4000, s25;
	s1 =	smov.u32 s23  }
0x28e: {  	[hbm4b:s20+s3] =	stream.linear.scatter [tilespmem:s12], [sflag:$0xA], $0x80, $0x38;
	[tilespmem:$0x14600] =	vst v63  }
0x28f: {  	s1 =	sadd.s32 $0x12400, s19  }
0x290: {  	[hbm4b:s25+s3] =	stream.linear.scatter [tilespmem:s1], [sflag:$0xA], $0x80, $0x38;
	[tilespmem:$0x14600] =	vst v63  }
0x291: {  	s28 =	sadd.s32 $0x12488, s19;
	s30 =	sadd.s32 $0x10, s25  }
0x292: {  	[hbm4b:s30+s3] =	stream.linear.scatter [tilespmem:s28], [sflag:$0xA], $0x80, $0x38;
	[tilespmem:$0x14600] =	vst v63  }
0x293: {  	s20 =	sadd.s32 $0x12510, s19;
	s23 =	sadd.s32 $0x20, s25  }
0x294: {  	[hbm4b:s23+s3] =	stream.linear.scatter [tilespmem:s20], [sflag:$0xA], $0x80, $0x38;
	[tilespmem:$0x14600] =	vst v63  }
0x295: {  	s28 =	sadd.s32 $0x12598, s19;
	s30 =	sadd.s32 $0x30, s25  }
0x296: {  	[hbm4b:s30+s3] =	stream.linear.scatter [tilespmem:s28], [sflag:$0xA], $0x80, $0x38;
	[tilespmem:$0x14600] =	vst v63  }
0x297: {  	s20 =	sadd.s32 $0x12620, s19;
	s23 =	sadd.s32 $0x40, s25  }
0x298: {  	[hbm4b:s23+s3] =	stream.linear.scatter [tilespmem:s20], [sflag:$0xA], $0x80, $0x38;
	[tilespmem:$0x14600] =	vst v63  }
0x299: {  	s28 =	sadd.s32 $0x126A8, s19;
	s30 =	sadd.s32 $0x50, s25  }
0x29a: {  	[hbm4b:s30+s3] =	stream.linear.scatter [tilespmem:s28], [sflag:$0xA], $0x80, $0x38;
	[tilespmem:$0x14600] =	vst v63  }
0x29b: {  	s20 =	sadd.s32 $0x12730, s19;
	s23 =	sadd.s32 $0x60, s25  }
0x29c: {  	[hbm4b:s23+s3] =	stream.linear.scatter [tilespmem:s20], [sflag:$0xA], $0x80, $0x38;
	[tilespmem:$0x14600] =	vst v63  }
0x29d: {  	s1 =	simm.s32 @!p1 $0x4;
	s28 =	sadd.s32 $0x127B8, s19;
	s30 =	sadd.s32 $0x70, s25  }
0x29e: {  	[hbm4b:s30+s3] =	stream.linear.scatter [tilespmem:s28], [sflag:$0xA], $0x80, $0x38;
	[tilespmem:$0x14600] =	vst v63  }
0x29f: {  	p2 =	sgt.u32 @!p1 s6, $0x2F;
	_ =	swait.ge @!p1 [sflag:s1], $0x80  }
0x2a0: {  	s12 =	simm.s32 @!p1 $0x180;
	p2 =	por p2, p1;
	[sflag:s1] =	ssyncset.done @!p1 $0x0  }
0x2a1: {  	s19 =	simm.s32 @!p1 $0xC200;
	[sflag:s1] =	ssyncadd.s32 @!p1 $0xFFFFFF80;
	s1 =	simm.s32 @!p1 $0x80  }
0x2a2: {  	[tilespmem:s19], [sflag:$0x8] =	stream.indirect.gather @!p1 [hbm4b:s4+s1], $0x80, s12, s1, $0xb8;
	[tilespmem:$0x14600] =	vst v63  }
0x2a3: {  	s1 =	sshll.u32 @!p2 s6, $0xB  }
0x2a4: {  	s12 =	simm.s32 @!p2 $0x0;
	s6 =	sadd.s32 @!p1 $0x1, s6;
	s1 =	sadd.s32 @!p2 s1, s18  }
0x2a5: {  	[tilespmem:s12], [sflag:$0x1] =	stream.linear.gather @!p2 [hbm4b:s1+s12], $0x80, $0x38;
	[tilespmem:$0x14600] =	vst v63  }
0x2a6: {  	p2 =	sne.s32 @!p1 s6, $0x32  }
0x2a7: {  	p1 =	por p1, !p2  }
.Ltmp11:
0x2a8: {  	_ = 	snop;
	(pc) =	sbr.rel @!p1 .LBB2_2-.Ltmp11, $1  }
0x2a9: {  	_ =	sdelay $0x3  }
0x2aa: {  	_ =	swait.ge [sflag:s9], $0x2000  }
0x2ab: {  	[sflag:s9] =	ssyncset.done $0x0  }
0x2ac: {  	[sflag:s9] =	ssyncadd.s32 $0xFFFFE000  }
0x2ad: {  	_ =	swait.ge [sflag:s8], $0x2000  }
0x2ae: {  	s6 =	rddreg [dreg:$0xa]  }
0x2af: {  	s1 =	rddreg [dreg:$0x9];
	s6 =	sadd.s32 $0x1, s6  }
0x2b0: {  	p1 =	sne.s32 s6, s1  }
.Ltmp12:
0x2b1: {  	_ = 	snop;
	(pc) =	sbr.rel @p1 .LBB2_1-.Ltmp12, $3  }
0x2b2: {  	_ =	sdelay $0x1  }
0x2b3: {  	[sflag:s8] =	ssyncset.done $0x0  }
0x2b4: {  	[sflag:s8] =	ssyncadd.s32 $0xFFFFE000  }
0x2b5: {  	_ =	sfence.sel $0x180000  }
0x2b6: {  	[bflag:$0x0] =	sbarrier.arrive $0xFFFF  }
0x2b7: {  	_ =	strace $0x90000047  }
0x2b8: {  	s0 =	stileid.u32;
	[bflag:$0x2] =	sbarrier.arrive $0xFFFF  }
0x2b9: {  	p0 =	sne.s32 s0, $0x0;
	s0 =	rddreg [dreg:$0x2]  }
0x2ba: {  	s0 =	sadd.s32 @!p0 $0x100000, s0  }
0x2bb: {  	[sflag:s0] =	ssyncadd.tile.s32 @!p0 $0x1;
	_ =	shalt  }
.Lfunc_end2:
_tile_overlayer_lowered:
.L_overlay_start_2:
0x2bc: {  	(tag) =	ssettag $0x2  }
0x2bd: {  	s0 =	rddreg [dreg:$0x0];
	s2 =	stileid.u32  }
0x2be: {  	s1 =	rddreg [dreg:$0x1];
	p0 =	sne.s32 s2, $0x0  }
0x2bf: {  	s3 =	rddreg [dreg:$0x2];
	[bflag:$0x3] =	sbarrier.arrive $0xFFFF;
	s2 =	simm.s32 @!p0 $0x1C0B  }
0x2c0: {  	[timem:s3], [sflag:s2] =	dma.local @!p0 [hbm:s0], s1  }
0x2c1: {  	s0 =	simm.s32 @!p0 $0xB  }
0x2c2: {  	_ =	swait.ge @!p0 [sflag:s0], s1  }
0x2c3: {  	s1 =	ssub.s32 @!p0 $0x0, s1;
	[sflag:s0] =	ssyncset.done @!p0 $0x0  }
0x2c4: {  	[sflag:s0] =	ssyncadd.s32 @!p0 s1  }
0x2c5: {  	[bflag:$0x3] =	sbarrier.arrive $0xFFFF  }
0x2c6: {  	_ =	shalt  }

</sc_bundles>
